<compile_context>
chip_gen: v7x
topology: tpu7x:2x2x1
jax: 0.10.2.dev20260603
libtpu: 0.0.44.dev20260713+nightly
codegen_flags: <defaults>
</compile_context>

<pallas_src>
import functools

import jax
import jax.numpy as jnp
from jax import lax
from jax.experimental import pallas as pl
from jax.experimental.pallas import tpu as pltpu
from jax.experimental.pallas import tpu_sc as plsc

NUM_SEG = 10000
N_ROWS = 320000
D = 128
NC, NS = 2, 16
SEG_PER_SC = NUM_SEG // NC
ACC_ROWS = 5008
CHUNK = 80
NCHUNKS_TOT = N_ROWS // CHUNK
MAXCH_T = NCHUNKS_TOT // NS
NBUF = 5
PIECE = 40
NPIECE = SEG_PER_SC // PIECE

_mesh = plsc.VectorSubcoreMesh(core_axis_name="c", subcore_axis_name="s")


@functools.partial(
    pl.kernel,
    out_type=jax.ShapeDtypeStruct((NUM_SEG, D), jnp.float32),
    mesh=_mesh,
    scratch_types=[
        pltpu.VMEM((16,), jnp.int32),
        pltpu.VMEM((CHUNK * MAXCH_T,), jnp.int32),
        pltpu.VMEM((NBUF, CHUNK), jnp.int32),
        [pltpu.VMEM((CHUNK, D), jnp.float32) for _ in range(NBUF)],
        pltpu.VMEM((PIECE, D), jnp.float32),
        pltpu.VMEM_SHARED((ACC_ROWS, D), jnp.float32),
        [pltpu.SemaphoreType.DMA for _ in range(NBUF)],
        [pltpu.SemaphoreType.DMA for _ in range(NBUF)],
    ],
)
def _sc_segment_sum(values_hbm, ids_hbm, params_hbm, zeros_hbm, out_hbm,
                    params_v, idraw, ids2d, bufs, stage, acc, lsems, ssems):
    c = lax.axis_index("c")
    s = lax.axis_index("s")

    pltpu.sync_copy(params_hbm, params_v)
    pvec = params_v[...]
    n0 = pvec[0]
    n1 = pvec[1]
    g0 = pvec[2]
    g1 = pvec[3]
    is0 = c == 0
    n = lax.select(is0, n0, n1)
    ngroups = lax.select(is0, g0, g1)
    startchunk = lax.select(is0, s * n0, NCHUNKS_TOT - (s + 1) * n1)

    win = CHUNK * MAXCH_T
    idoff = lax.select(is0, startchunk * CHUNK,
                       (startchunk + n1) * CHUNK - win)
    pltpu.sync_copy(ids_hbm.at[pl.ds(idoff, win)], idraw)
    boff = lax.select(is0, 0, win - n1 * CHUNK)

    pltpu.sync_copy(zeros_hbm, stage)
    for k in range(-(-NPIECE // NS)):
        p = k * NS + s

        @pl.when(p < NPIECE)
        def _():
            pltpu.sync_copy(stage, acc.at[pl.ds(p * PIECE, PIECE)])
    plsc.subcore_barrier()

    base = (c * SEG_PER_SC).astype(jnp.int32)
    garbage = jnp.full((16,), SEG_PER_SC, jnp.int32)
    nchunks = ngroups * NBUF

    def load(jj, b):
        gch = jnp.minimum(startchunk + jj, NCHUNKS_TOT - 1)
        pltpu.async_copy(
            values_hbm.at[pl.ds(gch * CHUNK, CHUNK)], bufs[b], lsems[b])

    load(0, 0)
    load(1, 1)

    def chunk_group(g, carry):
        for u in range(NBUF):
            jj = NBUF * g + u

            @pl.when(jj >= 3)
            def _():
                pltpu.make_async_copy(
                    values_hbm.at[pl.ds(0, CHUNK)],
                    bufs[(u - 3) % NBUF], ssems[(u - 3) % NBUF]).wait()

            @pl.when(jj + 2 < nchunks)
            def _():
                load(jj + 2, (u + 2) % NBUF)

            limit = lax.select(jj < n, jnp.int32(SEG_PER_SC), jnp.int32(0))
            offc = jnp.minimum(boff + jj * CHUNK, win - CHUNK)
            for k in range(CHUNK // 16):
                v = idraw[pl.ds(offc + 16 * k, 16)] - base
                ok = (v >= 0) & (v < limit)
                ids2d[u, pl.ds(16 * k, 16)] = jnp.where(ok, v, garbage)

            pltpu.make_async_copy(
                values_hbm.at[pl.ds(0, CHUNK)], bufs[u], lsems[u]).wait()
            pltpu.async_copy(bufs[u], acc.at[ids2d.at[u]], ssems[u], add=True)
        return carry

    lax.fori_loop(0, ngroups, chunk_group, 0, unroll=False)
    for b in (NBUF - 3, NBUF - 2, NBUF - 1):
        pltpu.make_async_copy(
            values_hbm.at[pl.ds(0, CHUNK)], bufs[b], ssems[b]).wait()
    plsc.subcore_barrier()

    for k in range(-(-NPIECE // NS)):
        p = k * NS + s

        @pl.when(p < NPIECE)
        def _():
            pltpu.sync_copy(acc.at[pl.ds(p * PIECE, PIECE)], stage)
            pltpu.sync_copy(
                stage, out_hbm.at[pl.ds(c * SEG_PER_SC + p * PIECE, PIECE)])


@jax.jit
def kernel(values, segment_ids):
    ids = segment_ids.astype(jnp.int32)
    split = jnp.sum((ids < SEG_PER_SC).astype(jnp.int32)).astype(jnp.int32)
    rows_per_round = NS * CHUNK
    n0 = (split + rows_per_round - 1) // rows_per_round
    n1 = (N_ROWS - split + rows_per_round - 1) // rows_per_round
    g0 = jnp.maximum(-(-n0 // NBUF), 1)
    g1 = jnp.maximum(-(-n1 // NBUF), 1)
    params = jnp.zeros((16,), jnp.int32).at[0].set(n0).at[1].set(n1)
    params = params.at[2].set(g0).at[3].set(g1)
    zeros = jnp.zeros((PIECE, D), jnp.float32)
    return _sc_segment_sum(values, ids, params, zeros)

# --- scband reference (transcript-rebuilt; emitter-appended) ---
"""Pipeline reference for scband-sum-structures-14250701488277 (READ-ONLY COPY).

The authoritative reference and input builder live on the scoring server;
editing this copy changes nothing except your own understanding.
"""

import jax, jax.numpy as jnp
import numpy as np

NUM_SEGMENTS = 10000

def setup_inputs(seed: int = 0) -> dict:
    key = jax.random.key(seed)
    k1, k2 = jax.random.split(key)
    values = jax.random.normal(k1, (320000, 128), dtype=jnp.float32)
    segment_ids = jnp.sort(jax.random.randint(k2, (320000,), 0, NUM_SEGMENTS, dtype=jnp.int64))
    return {"values": values, "segment_ids": segment_ids}

def reference(values, segment_ids):
    # SumStructures: for each structure id, sum all rows of `values` belonging
    # to that structure (block.values[mask].sum(dim=0)). With dense integer
    # structure ids this is exactly a segment sum over the sample axis.
    new_values = jax.ops.segment_sum(values, segment_ids, num_segments=NUM_SEGMENTS)
    return new_values

if __name__ == "__main__":
    import jax
    _d = setup_inputs()
    print(jax.jit(kernel)(*tuple(_d.values())))

</pallas_src>

<mosaic_0001>
#map = affine_map<(d0, d1) -> (0, 0)>
#map1 = affine_map<(d0, d1) -> (0)>
module attributes {stable_mosaic.version = 14 : i64} {
  func.func @_sc_segment_sum(%arg0: i32, %arg1: i32, %arg2: memref<320000x128xf32, #tpu.memory_space<hbm>>, %arg3: memref<320000xi32, #tpu.memory_space<hbm>>, %arg4: memref<16xi32, #tpu.memory_space<hbm>>, %arg5: memref<40x128xf32, #tpu.memory_space<hbm>>, %arg6: memref<10000x128xf32, #tpu.memory_space<hbm>>, %arg7: memref<16xi32, #tpu.memory_space<vmem>>, %arg8: memref<20000xi32, #tpu.memory_space<vmem>>, %arg9: memref<5x80xi32, #tpu.memory_space<vmem>>, %arg10: memref<80x128xf32, #tpu.memory_space<vmem>>, %arg11: memref<80x128xf32, #tpu.memory_space<vmem>>, %arg12: memref<80x128xf32, #tpu.memory_space<vmem>>, %arg13: memref<80x128xf32, #tpu.memory_space<vmem>>, %arg14: memref<80x128xf32, #tpu.memory_space<vmem>>, %arg15: memref<40x128xf32, #tpu.memory_space<vmem>>, %arg16: memref<5008x128xf32, #tpu.memory_space<vmem_shared>>, %arg17: memref<!tpu.dma_semaphore, #tpu.memory_space<semaphore_mem>>, %arg18: memref<!tpu.dma_semaphore, #tpu.memory_space<semaphore_mem>>, %arg19: memref<!tpu.dma_semaphore, #tpu.memory_space<semaphore_mem>>, %arg20: memref<!tpu.dma_semaphore, #tpu.memory_space<semaphore_mem>>, %arg21: memref<!tpu.dma_semaphore, #tpu.memory_space<semaphore_mem>>, %arg22: memref<!tpu.dma_semaphore, #tpu.memory_space<semaphore_mem>>, %arg23: memref<!tpu.dma_semaphore, #tpu.memory_space<semaphore_mem>>, %arg24: memref<!tpu.dma_semaphore, #tpu.memory_space<semaphore_mem>>, %arg25: memref<!tpu.dma_semaphore, #tpu.memory_space<semaphore_mem>>, %arg26: memref<!tpu.dma_semaphore, #tpu.memory_space<semaphore_mem>>) attributes {dimension_semantics = [#tpu.dimension_semantics<core_parallel>, #tpu.dimension_semantics<subcore_parallel>], iteration_bounds = array<i64: 2, 16>, scalar_prefetch = 0 : i64, scratch_operands = 20 : i64, tpu.core_type = #tpu.core_type<sc_vector_subcore>, window_params = [{transform_indices = #map}, {transform_indices = #map1}, {transform_indices = #map1}, {transform_indices = #map}, {transform_indices = #map}]} {
    "tpu.region"() ({
      %run_scoped3A = tpu.sem_alloc : memref<!tpu.dma_semaphore, #tpu.memory_space<semaphore_mem>>
      tpu.enqueue_dma source(%arg4 : memref<16xi32, #tpu.memory_space<hbm>>) target(%arg7 : memref<16xi32, #tpu.memory_space<vmem>>) target_semaphore(%run_scoped3A : memref<!tpu.dma_semaphore, #tpu.memory_space<semaphore_mem>>)
      tpu.wait_dma2 semaphore(%run_scoped3A : memref<!tpu.dma_semaphore, #tpu.memory_space<semaphore_mem>>) src(%arg4 : memref<16xi32, #tpu.memory_space<hbm>>) dst(%arg7 : memref<16xi32, #tpu.memory_space<vmem>>)
      tpu.yield
    }) : () -> ()
    %get3A = arith.constant 0 : index
    %get3A_0 = tpu.vector_load %arg7[%get3A] {strides = array<i32>} : memref<16xi32, #tpu.memory_space<vmem>>, vector<16xi32>,
    %get3A_1 = vector.shape_cast %get3A_0 : vector<16xi32> to vector<16xi32>
    %slice3A = vector.extract_strided_slice %get3A_1 {offsets = [0], sizes = [1], strides = [1]} : vector<16xi32> to vector<1xi32>
    %squeeze3A = vector.extract %slice3A[0] : i32 from vector<1xi32>
    %slice3A_2 = vector.extract_strided_slice %get3A_1 {offsets = [1], sizes = [1], strides = [1]} : vector<16xi32> to vector<1xi32>
    %squeeze3A_3 = vector.extract %slice3A_2[0] : i32 from vector<1xi32>
    %slice3A_4 = vector.extract_strided_slice %get3A_1 {offsets = [2], sizes = [1], strides = [1]} : vector<16xi32> to vector<1xi32>
    %squeeze3A_5 = vector.extract %slice3A_4[0] : i32 from vector<1xi32>
    %slice3A_6 = vector.extract_strided_slice %get3A_1 {offsets = [3], sizes = [1], strides = [1]} : vector<16xi32> to vector<1xi32>
    %squeeze3A_7 = vector.extract %slice3A_6[0] : i32 from vector<1xi32>
    %eq3A = arith.constant 0 : i32
    %eq3A_8 = arith.cmpi eq, %arg0, %eq3A : i32
    %select_n3A = arith.select %eq3A_8, %squeeze3A, %squeeze3A_3 : i32
    %select_n3A_9 = arith.select %eq3A_8, %squeeze3A_5, %squeeze3A_7 : i32
    %mul3A = arith.muli %arg1, %squeeze3A : i32
    %add3A = arith.constant 1 : i32
    %add3A_10 = arith.addi %arg1, %add3A : i32
    %mul3A_11 = arith.muli %add3A_10, %squeeze3A_3 : i32
    %sub3A = arith.constant 4000 : i32
    %sub3A_12 = arith.subi %sub3A, %mul3A_11 : i32
    %select_n3A_13 = arith.select %eq3A_8, %mul3A, %sub3A_12 : i32
    %mul3A_14 = arith.constant 80 : i32
    %mul3A_15 = arith.muli %select_n3A_13, %mul3A_14 : i32
    %add3A_16 = arith.addi %select_n3A_13, %squeeze3A_3 : i32
    %mul3A_17 = arith.constant 80 : i32
    %mul3A_18 = arith.muli %add3A_16, %mul3A_17 : i32
    %sub3A_19 = arith.constant 20000 : i32
    %sub3A_20 = arith.subi %mul3A_18, %sub3A_19 : i32
    %select_n3A_21 = arith.select %eq3A_8, %mul3A_15, %sub3A_20 : i32
    "tpu.region"() ({
      %run_scoped3A = tpu.sem_alloc : memref<!tpu.dma_semaphore, #tpu.memory_space<semaphore_mem>>
      %dma_start3A_187 = tpu.memref_slice %arg3[%select_n3A_21] : memref<320000xi32, #tpu.memory_space<hbm>> -> memref<20000xi32, #tpu.memory_space<hbm>>
      %dma_start3A_188 = tpu.memref_slice %arg3[%select_n3A_21] : memref<320000xi32, #tpu.memory_space<hbm>> -> memref<20000xi32, #tpu.memory_space<hbm>>
      tpu.enqueue_dma source(%dma_start3A_188 : memref<20000xi32, #tpu.memory_space<hbm>>) target(%arg8 : memref<20000xi32, #tpu.memory_space<vmem>>) target_semaphore(%run_scoped3A : memref<!tpu.dma_semaphore, #tpu.memory_space<semaphore_mem>>)
      %dma_wait3A_189 = tpu.memref_slice %arg3[%select_n3A_21] : memref<320000xi32, #tpu.memory_space<hbm>> -> memref<20000xi32, #tpu.memory_space<hbm>>
      %dma_wait3A_190 = tpu.memref_slice %arg3[%select_n3A_21] : memref<320000xi32, #tpu.memory_space<hbm>> -> memref<20000xi32, #tpu.memory_space<hbm>>
      tpu.wait_dma2 semaphore(%run_scoped3A : memref<!tpu.dma_semaphore, #tpu.memory_space<semaphore_mem>>) src(%dma_wait3A_190 : memref<20000xi32, #tpu.memory_space<hbm>>) dst(%arg8 : memref<20000xi32, #tpu.memory_space<vmem>>)
      tpu.yield
    }) : () -> ()
    %mul3A_22 = arith.constant 80 : i32
    %mul3A_23 = arith.muli %squeeze3A_3, %mul3A_22 : i32
    %sub3A_24 = arith.constant 20000 : i32
    %sub3A_25 = arith.subi %sub3A_24, %mul3A_23 : i32
    %select_n3A_26 = arith.constant 0 : i32
    %select_n3A_27 = arith.select %eq3A_8, %select_n3A_26, %sub3A_25 : i32
    "tpu.region"() ({
      %run_scoped3A = tpu.sem_alloc : memref<!tpu.dma_semaphore, #tpu.memory_space<semaphore_mem>>
      tpu.enqueue_dma source(%arg5 : memref<40x128xf32, #tpu.memory_space<hbm>>) target(%arg15 : memref<40x128xf32, #tpu.memory_space<vmem>>) target_semaphore(%run_scoped3A : memref<!tpu.dma_semaphore, #tpu.memory_space<semaphore_mem>>)
      tpu.wait_dma2 semaphore(%run_scoped3A : memref<!tpu.dma_semaphore, #tpu.memory_space<semaphore_mem>>) src(%arg5 : memref<40x128xf32, #tpu.memory_space<hbm>>) dst(%arg15 : memref<40x128xf32, #tpu.memory_space<vmem>>)
      tpu.yield
    }) : () -> ()
    %add3A_28 = arith.constant 0 : i32
    %add3A_29 = arith.addi %add3A_28, %arg1 : i32
    %lt3A = arith.constant 125 : i32
    %lt3A_30 = arith.cmpi slt, %add3A_29, %lt3A : i32
    %convert_element_type3A = arith.extui %lt3A_30 : i1 to i32
    %cond3A = arith.constant 0 : i32
    %cond3A_31 = arith.cmpi ne, %convert_element_type3A, %cond3A : i32
    scf.if %cond3A_31 {
      %mul3A_187 = arith.constant 40 : i32
      %mul3A_188 = arith.muli %add3A_29, %mul3A_187 : i32
      "tpu.region"() ({
        %run_scoped3A = tpu.sem_alloc : memref<!tpu.dma_semaphore, #tpu.memory_space<semaphore_mem>>
        %dma_start3A_189 = arith.constant 0 : i32
        %dma_start3A_190 = tpu.memref_slice %arg16[%mul3A_188, %dma_start3A_189] : memref<5008x128xf32, #tpu.memory_space<vmem_shared>> -> memref<40x128xf32, #tpu.memory_space<vmem_shared>>
        %dma_start3A_191 = arith.constant 0 : i32
        %dma_start3A_192 = tpu.memref_slice %arg16[%mul3A_188, %dma_start3A_191] : memref<5008x128xf32, #tpu.memory_space<vmem_shared>> -> memref<40x128xf32, #tpu.memory_space<vmem_shared>>
        tpu.enqueue_dma source(%arg15 : memref<40x128xf32, #tpu.memory_space<vmem>>) target(%dma_start3A_192 : memref<40x128xf32, #tpu.memory_space<vmem_shared>>) target_semaphore(%run_scoped3A : memref<!tpu.dma_semaphore, #tpu.memory_space<semaphore_mem>>)
        %dma_wait3A_193 = arith.constant 0 : i32
        %dma_wait3A_194 = tpu.memref_slice %arg16[%mul3A_188, %dma_wait3A_193] : memref<5008x128xf32, #tpu.memory_space<vmem_shared>> -> memref<40x128xf32, #tpu.memory_space<vmem_shared>>
        %dma_wait3A_195 = arith.constant 0 : i32
        %dma_wait3A_196 = tpu.memref_slice %arg16[%mul3A_188, %dma_wait3A_195] : memref<5008x128xf32, #tpu.memory_space<vmem_shared>> -> memref<40x128xf32, #tpu.memory_space<vmem_shared>>
        tpu.wait_dma2 semaphore(%run_scoped3A : memref<!tpu.dma_semaphore, #tpu.memory_space<semaphore_mem>>) src(%arg15 : memref<40x128xf32, #tpu.memory_space<vmem>>) dst(%dma_wait3A_196 : memref<40x128xf32, #tpu.memory_space<vmem_shared>>)
        tpu.yield
      }) : () -> ()
    } else {
    }
    %add3A_32 = arith.constant 16 : i32
    %add3A_33 = arith.addi %add3A_32, %arg1 : i32
    %lt3A_34 = arith.constant 125 : i32
    %lt3A_35 = arith.cmpi slt, %add3A_33, %lt3A_34 : i32
    %convert_element_type3A_36 = arith.extui %lt3A_35 : i1 to i32
    %cond3A_37 = arith.constant 0 : i32
    %cond3A_38 = arith.cmpi ne, %convert_element_type3A_36, %cond3A_37 : i32
    scf.if %cond3A_38 {
      %mul3A_187 = arith.constant 40 : i32
      %mul3A_188 = arith.muli %add3A_33, %mul3A_187 : i32
      "tpu.region"() ({
        %run_scoped3A = tpu.sem_alloc : memref<!tpu.dma_semaphore, #tpu.memory_space<semaphore_mem>>
        %dma_start3A_189 = arith.constant 0 : i32
        %dma_start3A_190 = tpu.memref_slice %arg16[%mul3A_188, %dma_start3A_189] : memref<5008x128xf32, #tpu.memory_space<vmem_shared>> -> memref<40x128xf32, #tpu.memory_space<vmem_shared>>
        %dma_start3A_191 = arith.constant 0 : i32
        %dma_start3A_192 = tpu.memref_slice %arg16[%mul3A_188, %dma_start3A_191] : memref<5008x128xf32, #tpu.memory_space<vmem_shared>> -> memref<40x128xf32, #tpu.memory_space<vmem_shared>>
        tpu.enqueue_dma source(%arg15 : memref<40x128xf32, #tpu.memory_space<vmem>>) target(%dma_start3A_192 : memref<40x128xf32, #tpu.memory_space<vmem_shared>>) target_semaphore(%run_scoped3A : memref<!tpu.dma_semaphore, #tpu.memory_space<semaphore_mem>>)
        %dma_wait3A_193 = arith.constant 0 : i32
        %dma_wait3A_194 = tpu.memref_slice %arg16[%mul3A_188, %dma_wait3A_193] : memref<5008x128xf32, #tpu.memory_space<vmem_shared>> -> memref<40x128xf32, #tpu.memory_space<vmem_shared>>
        %dma_wait3A_195 = arith.constant 0 : i32
        %dma_wait3A_196 = tpu.memref_slice %arg16[%mul3A_188, %dma_wait3A_195] : memref<5008x128xf32, #tpu.memory_space<vmem_shared>> -> memref<40x128xf32, #tpu.memory_space<vmem_shared>>
        tpu.wait_dma2 semaphore(%run_scoped3A : memref<!tpu.dma_semaphore, #tpu.memory_space<semaphore_mem>>) src(%arg15 : memref<40x128xf32, #tpu.memory_space<vmem>>) dst(%dma_wait3A_196 : memref<40x128xf32, #tpu.memory_space<vmem_shared>>)
        tpu.yield
      }) : () -> ()
    } else {
    }
    %add3A_39 = arith.constant 32 : i32
    %add3A_40 = arith.addi %add3A_39, %arg1 : i32
    %lt3A_41 = arith.constant 125 : i32
    %lt3A_42 = arith.cmpi slt, %add3A_40, %lt3A_41 : i32
    %convert_element_type3A_43 = arith.extui %lt3A_42 : i1 to i32
    %cond3A_44 = arith.constant 0 : i32
    %cond3A_45 = arith.cmpi ne, %convert_element_type3A_43, %cond3A_44 : i32
    scf.if %cond3A_45 {
      %mul3A_187 = arith.constant 40 : i32
      %mul3A_188 = arith.muli %add3A_40, %mul3A_187 : i32
      "tpu.region"() ({
        %run_scoped3A = tpu.sem_alloc : memref<!tpu.dma_semaphore, #tpu.memory_space<semaphore_mem>>
        %dma_start3A_189 = arith.constant 0 : i32
        %dma_start3A_190 = tpu.memref_slice %arg16[%mul3A_188, %dma_start3A_189] : memref<5008x128xf32, #tpu.memory_space<vmem_shared>> -> memref<40x128xf32, #tpu.memory_space<vmem_shared>>
        %dma_start3A_191 = arith.constant 0 : i32
        %dma_start3A_192 = tpu.memref_slice %arg16[%mul3A_188, %dma_start3A_191] : memref<5008x128xf32, #tpu.memory_space<vmem_shared>> -> memref<40x128xf32, #tpu.memory_space<vmem_shared>>
        tpu.enqueue_dma source(%arg15 : memref<40x128xf32, #tpu.memory_space<vmem>>) target(%dma_start3A_192 : memref<40x128xf32, #tpu.memory_space<vmem_shared>>) target_semaphore(%run_scoped3A : memref<!tpu.dma_semaphore, #tpu.memory_space<semaphore_mem>>)
        %dma_wait3A_193 = arith.constant 0 : i32
        %dma_wait3A_194 = tpu.memref_slice %arg16[%mul3A_188, %dma_wait3A_193] : memref<5008x128xf32, #tpu.memory_space<vmem_shared>> -> memref<40x128xf32, #tpu.memory_space<vmem_shared>>
        %dma_wait3A_195 = arith.constant 0 : i32
        %dma_wait3A_196 = tpu.memref_slice %arg16[%mul3A_188, %dma_wait3A_195] : memref<5008x128xf32, #tpu.memory_space<vmem_shared>> -> memref<40x128xf32, #tpu.memory_space<vmem_shared>>
        tpu.wait_dma2 semaphore(%run_scoped3A : memref<!tpu.dma_semaphore, #tpu.memory_space<semaphore_mem>>) src(%arg15 : memref<40x128xf32, #tpu.memory_space<vmem>>) dst(%dma_wait3A_196 : memref<40x128xf32, #tpu.memory_space<vmem_shared>>)
        tpu.yield
      }) : () -> ()
    } else {
    }
    %add3A_46 = arith.constant 48 : i32
    %add3A_47 = arith.addi %add3A_46, %arg1 : i32
    %lt3A_48 = arith.constant 125 : i32
    %lt3A_49 = arith.cmpi slt, %add3A_47, %lt3A_48 : i32
    %convert_element_type3A_50 = arith.extui %lt3A_49 : i1 to i32
    %cond3A_51 = arith.constant 0 : i32
    %cond3A_52 = arith.cmpi ne, %convert_element_type3A_50, %cond3A_51 : i32
    scf.if %cond3A_52 {
      %mul3A_187 = arith.constant 40 : i32
      %mul3A_188 = arith.muli %add3A_47, %mul3A_187 : i32
      "tpu.region"() ({
        %run_scoped3A = tpu.sem_alloc : memref<!tpu.dma_semaphore, #tpu.memory_space<semaphore_mem>>
        %dma_start3A_189 = arith.constant 0 : i32
        %dma_start3A_190 = tpu.memref_slice %arg16[%mul3A_188, %dma_start3A_189] : memref<5008x128xf32, #tpu.memory_space<vmem_shared>> -> memref<40x128xf32, #tpu.memory_space<vmem_shared>>
        %dma_start3A_191 = arith.constant 0 : i32
        %dma_start3A_192 = tpu.memref_slice %arg16[%mul3A_188, %dma_start3A_191] : memref<5008x128xf32, #tpu.memory_space<vmem_shared>> -> memref<40x128xf32, #tpu.memory_space<vmem_shared>>
        tpu.enqueue_dma source(%arg15 : memref<40x128xf32, #tpu.memory_space<vmem>>) target(%dma_start3A_192 : memref<40x128xf32, #tpu.memory_space<vmem_shared>>) target_semaphore(%run_scoped3A : memref<!tpu.dma_semaphore, #tpu.memory_space<semaphore_mem>>)
        %dma_wait3A_193 = arith.constant 0 : i32
        %dma_wait3A_194 = tpu.memref_slice %arg16[%mul3A_188, %dma_wait3A_193] : memref<5008x128xf32, #tpu.memory_space<vmem_shared>> -> memref<40x128xf32, #tpu.memory_space<vmem_shared>>
        %dma_wait3A_195 = arith.constant 0 : i32
        %dma_wait3A_196 = tpu.memref_slice %arg16[%mul3A_188, %dma_wait3A_195] : memref<5008x128xf32, #tpu.memory_space<vmem_shared>> -> memref<40x128xf32, #tpu.memory_space<vmem_shared>>
        tpu.wait_dma2 semaphore(%run_scoped3A : memref<!tpu.dma_semaphore, #tpu.memory_space<semaphore_mem>>) src(%arg15 : memref<40x128xf32, #tpu.memory_space<vmem>>) dst(%dma_wait3A_196 : memref<40x128xf32, #tpu.memory_space<vmem_shared>>)
        tpu.yield
      }) : () -> ()
    } else {
    }
    %add3A_53 = arith.constant 64 : i32
    %add3A_54 = arith.addi %add3A_53, %arg1 : i32
    %lt3A_55 = arith.constant 125 : i32
    %lt3A_56 = arith.cmpi slt, %add3A_54, %lt3A_55 : i32
    %convert_element_type3A_57 = arith.extui %lt3A_56 : i1 to i32
    %cond3A_58 = arith.constant 0 : i32
    %cond3A_59 = arith.cmpi ne, %convert_element_type3A_57, %cond3A_58 : i32
    scf.if %cond3A_59 {
      %mul3A_187 = arith.constant 40 : i32
      %mul3A_188 = arith.muli %add3A_54, %mul3A_187 : i32
      "tpu.region"() ({
        %run_scoped3A = tpu.sem_alloc : memref<!tpu.dma_semaphore, #tpu.memory_space<semaphore_mem>>
        %dma_start3A_189 = arith.constant 0 : i32
        %dma_start3A_190 = tpu.memref_slice %arg16[%mul3A_188, %dma_start3A_189] : memref<5008x128xf32, #tpu.memory_space<vmem_shared>> -> memref<40x128xf32, #tpu.memory_space<vmem_shared>>
        %dma_start3A_191 = arith.constant 0 : i32
        %dma_start3A_192 = tpu.memref_slice %arg16[%mul3A_188, %dma_start3A_191] : memref<5008x128xf32, #tpu.memory_space<vmem_shared>> -> memref<40x128xf32, #tpu.memory_space<vmem_shared>>
        tpu.enqueue_dma source(%arg15 : memref<40x128xf32, #tpu.memory_space<vmem>>) target(%dma_start3A_192 : memref<40x128xf32, #tpu.memory_space<vmem_shared>>) target_semaphore(%run_scoped3A : memref<!tpu.dma_semaphore, #tpu.memory_space<semaphore_mem>>)
        %dma_wait3A_193 = arith.constant 0 : i32
        %dma_wait3A_194 = tpu.memref_slice %arg16[%mul3A_188, %dma_wait3A_193] : memref<5008x128xf32, #tpu.memory_space<vmem_shared>> -> memref<40x128xf32, #tpu.memory_space<vmem_shared>>
        %dma_wait3A_195 = arith.constant 0 : i32
        %dma_wait3A_196 = tpu.memref_slice %arg16[%mul3A_188, %dma_wait3A_195] : memref<5008x128xf32, #tpu.memory_space<vmem_shared>> -> memref<40x128xf32, #tpu.memory_space<vmem_shared>>
        tpu.wait_dma2 semaphore(%run_scoped3A : memref<!tpu.dma_semaphore, #tpu.memory_space<semaphore_mem>>) src(%arg15 : memref<40x128xf32, #tpu.memory_space<vmem>>) dst(%dma_wait3A_196 : memref<40x128xf32, #tpu.memory_space<vmem_shared>>)
        tpu.yield
      }) : () -> ()
    } else {
    }
    %add3A_60 = arith.constant 80 : i32
    %add3A_61 = arith.addi %add3A_60, %arg1 : i32
    %lt3A_62 = arith.constant 125 : i32
    %lt3A_63 = arith.cmpi slt, %add3A_61, %lt3A_62 : i32
    %convert_element_type3A_64 = arith.extui %lt3A_63 : i1 to i32
    %cond3A_65 = arith.constant 0 : i32
    %cond3A_66 = arith.cmpi ne, %convert_element_type3A_64, %cond3A_65 : i32
    scf.if %cond3A_66 {
      %mul3A_187 = arith.constant 40 : i32
      %mul3A_188 = arith.muli %add3A_61, %mul3A_187 : i32
      "tpu.region"() ({
        %run_scoped3A = tpu.sem_alloc : memref<!tpu.dma_semaphore, #tpu.memory_space<semaphore_mem>>
        %dma_start3A_189 = arith.constant 0 : i32
        %dma_start3A_190 = tpu.memref_slice %arg16[%mul3A_188, %dma_start3A_189] : memref<5008x128xf32, #tpu.memory_space<vmem_shared>> -> memref<40x128xf32, #tpu.memory_space<vmem_shared>>
        %dma_start3A_191 = arith.constant 0 : i32
        %dma_start3A_192 = tpu.memref_slice %arg16[%mul3A_188, %dma_start3A_191] : memref<5008x128xf32, #tpu.memory_space<vmem_shared>> -> memref<40x128xf32, #tpu.memory_space<vmem_shared>>
        tpu.enqueue_dma source(%arg15 : memref<40x128xf32, #tpu.memory_space<vmem>>) target(%dma_start3A_192 : memref<40x128xf32, #tpu.memory_space<vmem_shared>>) target_semaphore(%run_scoped3A : memref<!tpu.dma_semaphore, #tpu.memory_space<semaphore_mem>>)
        %dma_wait3A_193 = arith.constant 0 : i32
        %dma_wait3A_194 = tpu.memref_slice %arg16[%mul3A_188, %dma_wait3A_193] : memref<5008x128xf32, #tpu.memory_space<vmem_shared>> -> memref<40x128xf32, #tpu.memory_space<vmem_shared>>
        %dma_wait3A_195 = arith.constant 0 : i32
        %dma_wait3A_196 = tpu.memref_slice %arg16[%mul3A_188, %dma_wait3A_195] : memref<5008x128xf32, #tpu.memory_space<vmem_shared>> -> memref<40x128xf32, #tpu.memory_space<vmem_shared>>
        tpu.wait_dma2 semaphore(%run_scoped3A : memref<!tpu.dma_semaphore, #tpu.memory_space<semaphore_mem>>) src(%arg15 : memref<40x128xf32, #tpu.memory_space<vmem>>) dst(%dma_wait3A_196 : memref<40x128xf32, #tpu.memory_space<vmem_shared>>)
        tpu.yield
      }) : () -> ()
    } else {
    }
    %add3A_67 = arith.constant 96 : i32
    %add3A_68 = arith.addi %add3A_67, %arg1 : i32
    %lt3A_69 = arith.constant 125 : i32
    %lt3A_70 = arith.cmpi slt, %add3A_68, %lt3A_69 : i32
    %convert_element_type3A_71 = arith.extui %lt3A_70 : i1 to i32
    %cond3A_72 = arith.constant 0 : i32
    %cond3A_73 = arith.cmpi ne, %convert_element_type3A_71, %cond3A_72 : i32
    scf.if %cond3A_73 {
      %mul3A_187 = arith.constant 40 : i32
      %mul3A_188 = arith.muli %add3A_68, %mul3A_187 : i32
      "tpu.region"() ({
        %run_scoped3A = tpu.sem_alloc : memref<!tpu.dma_semaphore, #tpu.memory_space<semaphore_mem>>
        %dma_start3A_189 = arith.constant 0 : i32
        %dma_start3A_190 = tpu.memref_slice %arg16[%mul3A_188, %dma_start3A_189] : memref<5008x128xf32, #tpu.memory_space<vmem_shared>> -> memref<40x128xf32, #tpu.memory_space<vmem_shared>>
        %dma_start3A_191 = arith.constant 0 : i32
        %dma_start3A_192 = tpu.memref_slice %arg16[%mul3A_188, %dma_start3A_191] : memref<5008x128xf32, #tpu.memory_space<vmem_shared>> -> memref<40x128xf32, #tpu.memory_space<vmem_shared>>
        tpu.enqueue_dma source(%arg15 : memref<40x128xf32, #tpu.memory_space<vmem>>) target(%dma_start3A_192 : memref<40x128xf32, #tpu.memory_space<vmem_shared>>) target_semaphore(%run_scoped3A : memref<!tpu.dma_semaphore, #tpu.memory_space<semaphore_mem>>)
        %dma_wait3A_193 = arith.constant 0 : i32
        %dma_wait3A_194 = tpu.memref_slice %arg16[%mul3A_188, %dma_wait3A_193] : memref<5008x128xf32, #tpu.memory_space<vmem_shared>> -> memref<40x128xf32, #tpu.memory_space<vmem_shared>>
        %dma_wait3A_195 = arith.constant 0 : i32
        %dma_wait3A_196 = tpu.memref_slice %arg16[%mul3A_188, %dma_wait3A_195] : memref<5008x128xf32, #tpu.memory_space<vmem_shared>> -> memref<40x128xf32, #tpu.memory_space<vmem_shared>>
        tpu.wait_dma2 semaphore(%run_scoped3A : memref<!tpu.dma_semaphore, #tpu.memory_space<semaphore_mem>>) src(%arg15 : memref<40x128xf32, #tpu.memory_space<vmem>>) dst(%dma_wait3A_196 : memref<40x128xf32, #tpu.memory_space<vmem_shared>>)
        tpu.yield
      }) : () -> ()
    } else {
    }
    %add3A_74 = arith.constant 112 : i32
    %add3A_75 = arith.addi %add3A_74, %arg1 : i32
    %lt3A_76 = arith.constant 125 : i32
    %lt3A_77 = arith.cmpi slt, %add3A_75, %lt3A_76 : i32
    %convert_element_type3A_78 = arith.extui %lt3A_77 : i1 to i32
    %cond3A_79 = arith.constant 0 : i32
    %cond3A_80 = arith.cmpi ne, %convert_element_type3A_78, %cond3A_79 : i32
    scf.if %cond3A_80 {
      %mul3A_187 = arith.constant 40 : i32
      %mul3A_188 = arith.muli %add3A_75, %mul3A_187 : i32
      "tpu.region"() ({
        %run_scoped3A = tpu.sem_alloc : memref<!tpu.dma_semaphore, #tpu.memory_space<semaphore_mem>>
        %dma_start3A_189 = arith.constant 0 : i32
        %dma_start3A_190 = tpu.memref_slice %arg16[%mul3A_188, %dma_start3A_189] : memref<5008x128xf32, #tpu.memory_space<vmem_shared>> -> memref<40x128xf32, #tpu.memory_space<vmem_shared>>
        %dma_start3A_191 = arith.constant 0 : i32
        %dma_start3A_192 = tpu.memref_slice %arg16[%mul3A_188, %dma_start3A_191] : memref<5008x128xf32, #tpu.memory_space<vmem_shared>> -> memref<40x128xf32, #tpu.memory_space<vmem_shared>>
        tpu.enqueue_dma source(%arg15 : memref<40x128xf32, #tpu.memory_space<vmem>>) target(%dma_start3A_192 : memref<40x128xf32, #tpu.memory_space<vmem_shared>>) target_semaphore(%run_scoped3A : memref<!tpu.dma_semaphore, #tpu.memory_space<semaphore_mem>>)
        %dma_wait3A_193 = arith.constant 0 : i32
        %dma_wait3A_194 = tpu.memref_slice %arg16[%mul3A_188, %dma_wait3A_193] : memref<5008x128xf32, #tpu.memory_space<vmem_shared>> -> memref<40x128xf32, #tpu.memory_space<vmem_shared>>
        %dma_wait3A_195 = arith.constant 0 : i32
        %dma_wait3A_196 = tpu.memref_slice %arg16[%mul3A_188, %dma_wait3A_195] : memref<5008x128xf32, #tpu.memory_space<vmem_shared>> -> memref<40x128xf32, #tpu.memory_space<vmem_shared>>
        tpu.wait_dma2 semaphore(%run_scoped3A : memref<!tpu.dma_semaphore, #tpu.memory_space<semaphore_mem>>) src(%arg15 : memref<40x128xf32, #tpu.memory_space<vmem>>) dst(%dma_wait3A_196 : memref<40x128xf32, #tpu.memory_space<vmem_shared>>)
        tpu.yield
      }) : () -> ()
    } else {
    }
    %barrier3A = arith.constant 0 : index
    tpu.barrier barrier_id(%barrier3A)
    %mul3A_81 = arith.constant 5000 : i32
    %mul3A_82 = arith.muli %arg0, %mul3A_81 : i32
    %broadcast_in_dim3A = arith.constant 5000 : i32
    %broadcast_in_dim3A_83 = vector.broadcast %broadcast_in_dim3A : i32 to vector<16xi32>
    %mul3A_84 = arith.constant 5 : i32
    %mul3A_85 = arith.muli %select_n3A_9, %mul3A_84 : i32
    %add3A_86 = arith.constant 0 : i32
    %add3A_87 = arith.addi %select_n3A_13, %add3A_86 : i32
    %min3A = arith.constant 3999 : i32
    %min3A_88 = arith.minsi %add3A_87, %min3A : i32
    %mul3A_89 = arith.constant 80 : i32
    %mul3A_90 = arith.muli %min3A_88, %mul3A_89 : i32
    %dma_start3A = arith.constant 0 : i32
    %dma_start3A_91 = tpu.memref_slice %arg2[%mul3A_90, %dma_start3A] : memref<320000x128xf32, #tpu.memory_space<hbm>> -> memref<80x128xf32, #tpu.memory_space<hbm>>
    %dma_start3A_92 = arith.constant 0 : i32
    %dma_start3A_93 = tpu.memref_slice %arg2[%mul3A_90, %dma_start3A_92] : memref<320000x128xf32, #tpu.memory_space<hbm>> -> memref<80x128xf32, #tpu.memory_space<hbm>>
    tpu.enqueue_dma source(%dma_start3A_93 : memref<80x128xf32, #tpu.memory_space<hbm>>) target(%arg10 : memref<80x128xf32, #tpu.memory_space<vmem>>) target_semaphore(%arg17 : memref<!tpu.dma_semaphore, #tpu.memory_space<semaphore_mem>>)
    %add3A_94 = arith.constant 1 : i32
    %add3A_95 = arith.addi %select_n3A_13, %add3A_94 : i32
    %min3A_96 = arith.constant 3999 : i32
    %min3A_97 = arith.minsi %add3A_95, %min3A_96 : i32
    %mul3A_98 = arith.constant 80 : i32
    %mul3A_99 = arith.muli %min3A_97, %mul3A_98 : i32
    %dma_start3A_100 = arith.constant 0 : i32
    %dma_start3A_101 = tpu.memref_slice %arg2[%mul3A_99, %dma_start3A_100] : memref<320000x128xf32, #tpu.memory_space<hbm>> -> memref<80x128xf32, #tpu.memory_space<hbm>>
    %dma_start3A_102 = arith.constant 0 : i32
    %dma_start3A_103 = tpu.memref_slice %arg2[%mul3A_99, %dma_start3A_102] : memref<320000x128xf32, #tpu.memory_space<hbm>> -> memref<80x128xf32, #tpu.memory_space<hbm>>
    tpu.enqueue_dma source(%dma_start3A_103 : memref<80x128xf32, #tpu.memory_space<hbm>>) target(%arg11 : memref<80x128xf32, #tpu.memory_space<vmem>>) target_semaphore(%arg18 : memref<!tpu.dma_semaphore, #tpu.memory_space<semaphore_mem>>)
    %while3A = arith.constant 0 : i32
    %while3A_104 = arith.constant 0 : i32
    %while3A_105 = arith.subi %select_n3A_9, %while3A_104 : i32
    %while3A_106 = arith.addi %while3A_104, %while3A_105 : i32
    %while3A_107 = arith.constant 1 : i32
    %while3A_108 = arith.divsi %while3A_105, %while3A_107 : i32
    %while3A_109 = arith.muli %while3A_108, %while3A_107 : i32
    %while3A_110 = arith.addi %while3A_104, %while3A_109 : i32
    %while3A_111 = arith.constant 1 : i32
    scf.for %while3A_187 = %while3A_104 to %while3A_110 step %while3A_111  : i32 {
      %mul3A_188 = arith.constant 5 : i32
      %mul3A_189 = arith.muli %mul3A_188, %while3A_187 : i32
      %add3A_190 = arith.constant 0 : i32
      %add3A_191 = arith.addi %mul3A_189, %add3A_190 : i32
      %ge3A = arith.constant 3 : i32
      %ge3A_192 = arith.cmpi sge, %add3A_191, %ge3A : i32
      %convert_element_type3A_193 = arith.extui %ge3A_192 : i1 to i32
      %cond3A_194 = arith.constant 0 : i32
      %cond3A_195 = arith.cmpi ne, %convert_element_type3A_193, %cond3A_194 : i32
      scf.if %cond3A_195 {
        %dma_wait3A_870 = arith.constant 0 : i32
        %dma_wait3A_871 = arith.constant 0 : i32
        %dma_wait3A_872 = tpu.memref_slice %arg2[%dma_wait3A_870, %dma_wait3A_871] : memref<320000x128xf32, #tpu.memory_space<hbm>> -> memref<80x128xf32, #tpu.memory_space<hbm>>
        %dma_wait3A_873 = arith.constant 0 : i32
        %dma_wait3A_874 = arith.constant 0 : i32
        %dma_wait3A_875 = tpu.memref_slice %arg2[%dma_wait3A_873, %dma_wait3A_874] : memref<320000x128xf32, #tpu.memory_space<hbm>> -> memref<80x128xf32, #tpu.memory_space<hbm>>
        tpu.wait_dma2 semaphore(%arg24 : memref<!tpu.dma_semaphore, #tpu.memory_space<semaphore_mem>>) src(%dma_wait3A_875 : memref<80x128xf32, #tpu.memory_space<hbm>>) dst(%arg12 : memref<80x128xf32, #tpu.memory_space<vmem>>)
      } else {
      }
      %add3A_196 = arith.constant 2 : i32
      %add3A_197 = arith.addi %add3A_191, %add3A_196 : i32
      %lt3A_198 = arith.cmpi slt, %add3A_197, %mul3A_85 : i32
      %convert_element_type3A_199 = arith.extui %lt3A_198 : i1 to i32
      %cond3A_200 = arith.constant 0 : i32
      %cond3A_201 = arith.cmpi ne, %convert_element_type3A_199, %cond3A_200 : i32
      scf.if %cond3A_201 {
        %add3A_870 = arith.constant 2 : i32
        %add3A_871 = arith.addi %add3A_191, %add3A_870 : i32
        %add3A_872 = arith.addi %select_n3A_13, %add3A_871 : i32
        %min3A_873 = arith.constant 3999 : i32
        %min3A_874 = arith.minsi %add3A_872, %min3A_873 : i32
        %mul3A_875 = arith.constant 80 : i32
        %mul3A_876 = arith.muli %min3A_874, %mul3A_875 : i32
        %dma_start3A_877 = arith.constant 0 : i32
        %dma_start3A_878 = tpu.memref_slice %arg2[%mul3A_876, %dma_start3A_877] : memref<320000x128xf32, #tpu.memory_space<hbm>> -> memref<80x128xf32, #tpu.memory_space<hbm>>
        %dma_start3A_879 = arith.constant 0 : i32
        %dma_start3A_880 = tpu.memref_slice %arg2[%mul3A_876, %dma_start3A_879] : memref<320000x128xf32, #tpu.memory_space<hbm>> -> memref<80x128xf32, #tpu.memory_space<hbm>>
        tpu.enqueue_dma source(%dma_start3A_880 : memref<80x128xf32, #tpu.memory_space<hbm>>) target(%arg12 : memref<80x128xf32, #tpu.memory_space<vmem>>) target_semaphore(%arg19 : memref<!tpu.dma_semaphore, #tpu.memory_space<semaphore_mem>>)
      } else {
      }
      %lt3A_202 = arith.cmpi slt, %add3A_191, %select_n3A : i32
      %select_n3A_203 = arith.constant 0 : i32
      %select_n3A_204 = arith.constant 5000 : i32
      %select_n3A_205 = arith.select %lt3A_202, %select_n3A_204, %select_n3A_203 : i32
      %mul3A_206 = arith.constant 80 : i32
      %mul3A_207 = arith.muli %add3A_191, %mul3A_206 : i32
      %add3A_208 = arith.addi %select_n3A_27, %mul3A_207 : i32
      %min3A_209 = arith.constant 19920 : i32
      %min3A_210 = arith.minsi %add3A_208, %min3A_209 : i32
      %add3A_211 = arith.constant 0 : i32
      %add3A_212 = arith.addi %min3A_210, %add3A_211 : i32
      %get3A_213 = arith.index_cast %add3A_212 : i32 to index
      %get3A_214 = tpu.vector_load %arg8[%get3A_213] {strides = array<i32>} : memref<20000xi32, #tpu.memory_space<vmem>>, vector<16xi32>,
      %get3A_215 = vector.shape_cast %get3A_214 : vector<16xi32> to vector<16xi32>
      %sub3A_216 = vector.broadcast %mul3A_82 : i32 to vector<16xi32>
      %sub3A_217 = arith.subi %get3A_215, %sub3A_216 : vector<16xi32>
      %ge3A_218 = arith.constant 0 : i32
      %ge3A_219 = vector.broadcast %ge3A_218 : i32 to vector<16xi32>
      %ge3A_220 = arith.cmpi sge, %sub3A_217, %ge3A_219 : vector<16xi32>
      %lt3A_221 = vector.broadcast %select_n3A_205 : i32 to vector<16xi32>
      %lt3A_222 = arith.cmpi slt, %sub3A_217, %lt3A_221 : vector<16xi32>
      %and3A = arith.andi %ge3A_220, %lt3A_222 : vector<16xi1>
      %select_n3A_223 = arith.select %and3A, %sub3A_217, %broadcast_in_dim3A_83 : vector<16xi1>, vector<16xi32>
      %swap3A = arith.constant 0 : i32
      %swap3A_224 = arith.index_cast %swap3A : i32 to index
      %swap3A_225 = arith.constant 0 : index
      %swap3A_226 = tpu.vector_load %arg9[%swap3A_224, %swap3A_225] {strides = array<i32>} : memref<5x80xi32, #tpu.memory_space<vmem>>, vector<1x16xi32>,
      %swap3A_227 = vector.shape_cast %swap3A_226 : vector<1x16xi32> to vector<16xi32>
      %swap3A_228 = vector.shape_cast %select_n3A_223 : vector<16xi32> to vector<1x16xi32>
      tpu.vector_store %arg9[%swap3A_224, %swap3A_225], %swap3A_228 {strides = array<i32>} : memref<5x80xi32, #tpu.memory_space<vmem>>, vector<1x16xi32>,
      %add3A_229 = arith.constant 16 : i32
      %add3A_230 = arith.addi %min3A_210, %add3A_229 : i32
      %get3A_231 = arith.index_cast %add3A_230 : i32 to index
      %get3A_232 = tpu.vector_load %arg8[%get3A_231] {strides = array<i32>} : memref<20000xi32, #tpu.memory_space<vmem>>, vector<16xi32>,
      %get3A_233 = vector.shape_cast %get3A_232 : vector<16xi32> to vector<16xi32>
      %sub3A_234 = vector.broadcast %mul3A_82 : i32 to vector<16xi32>
      %sub3A_235 = arith.subi %get3A_233, %sub3A_234 : vector<16xi32>
      %ge3A_236 = arith.constant 0 : i32
      %ge3A_237 = vector.broadcast %ge3A_236 : i32 to vector<16xi32>
      %ge3A_238 = arith.cmpi sge, %sub3A_235, %ge3A_237 : vector<16xi32>
      %lt3A_239 = vector.broadcast %select_n3A_205 : i32 to vector<16xi32>
      %lt3A_240 = arith.cmpi slt, %sub3A_235, %lt3A_239 : vector<16xi32>
      %and3A_241 = arith.andi %ge3A_238, %lt3A_240 : vector<16xi1>
      %select_n3A_242 = arith.select %and3A_241, %sub3A_235, %broadcast_in_dim3A_83 : vector<16xi1>, vector<16xi32>
      %swap3A_243 = arith.constant 0 : i32
      %swap3A_244 = arith.index_cast %swap3A_243 : i32 to index
      %swap3A_245 = arith.constant 16 : index
      %swap3A_246 = tpu.vector_load %arg9[%swap3A_244, %swap3A_245] {strides = array<i32>} : memref<5x80xi32, #tpu.memory_space<vmem>>, vector<1x16xi32>,
      %swap3A_247 = vector.shape_cast %swap3A_246 : vector<1x16xi32> to vector<16xi32>
      %swap3A_248 = vector.shape_cast %select_n3A_242 : vector<16xi32> to vector<1x16xi32>
      tpu.vector_store %arg9[%swap3A_244, %swap3A_245], %swap3A_248 {strides = array<i32>} : memref<5x80xi32, #tpu.memory_space<vmem>>, vector<1x16xi32>,
      %add3A_249 = arith.constant 32 : i32
      %add3A_250 = arith.addi %min3A_210, %add3A_249 : i32
      %get3A_251 = arith.index_cast %add3A_250 : i32 to index
      %get3A_252 = tpu.vector_load %arg8[%get3A_251] {strides = array<i32>} : memref<20000xi32, #tpu.memory_space<vmem>>, vector<16xi32>,
      %get3A_253 = vector.shape_cast %get3A_252 : vector<16xi32> to vector<16xi32>
      %sub3A_254 = vector.broadcast %mul3A_82 : i32 to vector<16xi32>
      %sub3A_255 = arith.subi %get3A_253, %sub3A_254 : vector<16xi32>
      %ge3A_256 = arith.constant 0 : i32
      %ge3A_257 = vector.broadcast %ge3A_256 : i32 to vector<16xi32>
      %ge3A_258 = arith.cmpi sge, %sub3A_255, %ge3A_257 : vector<16xi32>
      %lt3A_259 = vector.broadcast %select_n3A_205 : i32 to vector<16xi32>
      %lt3A_260 = arith.cmpi slt, %sub3A_255, %lt3A_259 : vector<16xi32>
      %and3A_261 = arith.andi %ge3A_258, %lt3A_260 : vector<16xi1>
      %select_n3A_262 = arith.select %and3A_261, %sub3A_255, %broadcast_in_dim3A_83 : vector<16xi1>, vector<16xi32>
      %swap3A_263 = arith.constant 0 : i32
      %swap3A_264 = arith.index_cast %swap3A_263 : i32 to index
      %swap3A_265 = arith.constant 32 : index
      %swap3A_266 = tpu.vector_load %arg9[%swap3A_264, %swap3A_265] {strides = array<i32>} : memref<5x80xi32, #tpu.memory_space<vmem>>, vector<1x16xi32>,
      %swap3A_267 = vector.shape_cast %swap3A_266 : vector<1x16xi32> to vector<16xi32>
      %swap3A_268 = vector.shape_cast %select_n3A_262 : vector<16xi32> to vector<1x16xi32>
      tpu.vector_store %arg9[%swap3A_264, %swap3A_265], %swap3A_268 {strides = array<i32>} : memref<5x80xi32, #tpu.memory_space<vmem>>, vector<1x16xi32>,
      %add3A_269 = arith.constant 48 : i32
      %add3A_270 = arith.addi %min3A_210, %add3A_269 : i32
      %get3A_271 = arith.index_cast %add3A_270 : i32 to index
      %get3A_272 = tpu.vector_load %arg8[%get3A_271] {strides = array<i32>} : memref<20000xi32, #tpu.memory_space<vmem>>, vector<16xi32>,
      %get3A_273 = vector.shape_cast %get3A_272 : vector<16xi32> to vector<16xi32>
      %sub3A_274 = vector.broadcast %mul3A_82 : i32 to vector<16xi32>
      %sub3A_275 = arith.subi %get3A_273, %sub3A_274 : vector<16xi32>
      %ge3A_276 = arith.constant 0 : i32
      %ge3A_277 = vector.broadcast %ge3A_276 : i32 to vector<16xi32>
      %ge3A_278 = arith.cmpi sge, %sub3A_275, %ge3A_277 : vector<16xi32>
      %lt3A_279 = vector.broadcast %select_n3A_205 : i32 to vector<16xi32>
      %lt3A_280 = arith.cmpi slt, %sub3A_275, %lt3A_279 : vector<16xi32>
      %and3A_281 = arith.andi %ge3A_278, %lt3A_280 : vector<16xi1>
      %select_n3A_282 = arith.select %and3A_281, %sub3A_275, %broadcast_in_dim3A_83 : vector<16xi1>, vector<16xi32>
      %swap3A_283 = arith.constant 0 : i32
      %swap3A_284 = arith.index_cast %swap3A_283 : i32 to index
      %swap3A_285 = arith.constant 48 : index
      %swap3A_286 = tpu.vector_load %arg9[%swap3A_284, %swap3A_285] {strides = array<i32>} : memref<5x80xi32, #tpu.memory_space<vmem>>, vector<1x16xi32>,
      %swap3A_287 = vector.shape_cast %swap3A_286 : vector<1x16xi32> to vector<16xi32>
      %swap3A_288 = vector.shape_cast %select_n3A_282 : vector<16xi32> to vector<1x16xi32>
      tpu.vector_store %arg9[%swap3A_284, %swap3A_285], %swap3A_288 {strides = array<i32>} : memref<5x80xi32, #tpu.memory_space<vmem>>, vector<1x16xi32>,
      %add3A_289 = arith.constant 64 : i32
      %add3A_290 = arith.addi %min3A_210, %add3A_289 : i32
      %get3A_291 = arith.index_cast %add3A_290 : i32 to index
      %get3A_292 = tpu.vector_load %arg8[%get3A_291] {strides = array<i32>} : memref<20000xi32, #tpu.memory_space<vmem>>, vector<16xi32>,
      %get3A_293 = vector.shape_cast %get3A_292 : vector<16xi32> to vector<16xi32>
      %sub3A_294 = vector.broadcast %mul3A_82 : i32 to vector<16xi32>
      %sub3A_295 = arith.subi %get3A_293, %sub3A_294 : vector<16xi32>
      %ge3A_296 = arith.constant 0 : i32
      %ge3A_297 = vector.broadcast %ge3A_296 : i32 to vector<16xi32>
      %ge3A_298 = arith.cmpi sge, %sub3A_295, %ge3A_297 : vector<16xi32>
      %lt3A_299 = vector.broadcast %select_n3A_205 : i32 to vector<16xi32>
      %lt3A_300 = arith.cmpi slt, %sub3A_295, %lt3A_299 : vector<16xi32>
      %and3A_301 = arith.andi %ge3A_298, %lt3A_300 : vector<16xi1>
      %select_n3A_302 = arith.select %and3A_301, %sub3A_295, %broadcast_in_dim3A_83 : vector<16xi1>, vector<16xi32>
      %swap3A_303 = arith.constant 0 : i32
      %swap3A_304 = arith.index_cast %swap3A_303 : i32 to index
      %swap3A_305 = arith.constant 64 : index
      %swap3A_306 = tpu.vector_load %arg9[%swap3A_304, %swap3A_305] {strides = array<i32>} : memref<5x80xi32, #tpu.memory_space<vmem>>, vector<1x16xi32>,
      %swap3A_307 = vector.shape_cast %swap3A_306 : vector<1x16xi32> to vector<16xi32>
      %swap3A_308 = vector.shape_cast %select_n3A_302 : vector<16xi32> to vector<1x16xi32>
      tpu.vector_store %arg9[%swap3A_304, %swap3A_305], %swap3A_308 {strides = array<i32>} : memref<5x80xi32, #tpu.memory_space<vmem>>, vector<1x16xi32>,
      %dma_wait3A_309 = arith.constant 0 : i32
      %dma_wait3A_310 = arith.constant 0 : i32
      %dma_wait3A_311 = tpu.memref_slice %arg2[%dma_wait3A_309, %dma_wait3A_310] : memref<320000x128xf32, #tpu.memory_space<hbm>> -> memref<80x128xf32, #tpu.memory_space<hbm>>
      %dma_wait3A_312 = arith.constant 0 : i32
      %dma_wait3A_313 = arith.constant 0 : i32
      %dma_wait3A_314 = tpu.memref_slice %arg2[%dma_wait3A_312, %dma_wait3A_313] : memref<320000x128xf32, #tpu.memory_space<hbm>> -> memref<80x128xf32, #tpu.memory_space<hbm>>
      tpu.wait_dma2 semaphore(%arg17 : memref<!tpu.dma_semaphore, #tpu.memory_space<semaphore_mem>>) src(%dma_wait3A_314 : memref<80x128xf32, #tpu.memory_space<hbm>>) dst(%arg10 : memref<80x128xf32, #tpu.memory_space<vmem>>)
      %dma_start3A_315 = arith.constant 0 : i32
      %dma_start3A_316 = arith.constant 0 : i32
      %dma_start3A_317 = tpu.memref_slice %arg9[%dma_start3A_315, %dma_start3A_316] : memref<5x80xi32, #tpu.memory_space<vmem>> -> memref<1x80xi32, #tpu.memory_space<vmem>>
      %dma_start3A_318 = tpu.memref_squeeze %dma_start3A_317 : memref<1x80xi32, #tpu.memory_space<vmem>> -> memref<80xi32, #tpu.memory_space<vmem>>
      %dma_start3A_319 = arith.constant 0 : i32
      %dma_start3A_320 = arith.constant 0 : i32
      %dma_start3A_321 = tpu.memref_slice %arg16[%dma_start3A_319, %dma_start3A_320] : memref<5008x128xf32, #tpu.memory_space<vmem_shared>> -> memref<5008x128xf32, #tpu.memory_space<vmem_shared>>
      tpu.enqueue_indirect_dma source(%arg10 : memref<80x128xf32, #tpu.memory_space<vmem>>) target(%dma_start3A_321 : memref<5008x128xf32, #tpu.memory_space<vmem_shared>>) offsets(%dma_start3A_318 : memref<80xi32, #tpu.memory_space<vmem>>) semaphore(%arg22 : memref<!tpu.dma_semaphore, #tpu.memory_space<semaphore_mem>>) {add = true}
      %mul3A_322 = arith.constant 5 : i32
      %mul3A_323 = arith.muli %mul3A_322, %while3A_187 : i32
      %add3A_324 = arith.constant 1 : i32
      %add3A_325 = arith.addi %mul3A_323, %add3A_324 : i32
      %ge3A_326 = arith.constant 3 : i32
      %ge3A_327 = arith.cmpi sge, %add3A_325, %ge3A_326 : i32
      %convert_element_type3A_328 = arith.extui %ge3A_327 : i1 to i32
      %cond3A_329 = arith.constant 0 : i32
      %cond3A_330 = arith.cmpi ne, %convert_element_type3A_328, %cond3A_329 : i32
      scf.if %cond3A_330 {
        %dma_wait3A_870 = arith.constant 0 : i32
        %dma_wait3A_871 = arith.constant 0 : i32
        %dma_wait3A_872 = tpu.memref_slice %arg2[%dma_wait3A_870, %dma_wait3A_871] : memref<320000x128xf32, #tpu.memory_space<hbm>> -> memref<80x128xf32, #tpu.memory_space<hbm>>
        %dma_wait3A_873 = arith.constant 0 : i32
        %dma_wait3A_874 = arith.constant 0 : i32
        %dma_wait3A_875 = tpu.memref_slice %arg2[%dma_wait3A_873, %dma_wait3A_874] : memref<320000x128xf32, #tpu.memory_space<hbm>> -> memref<80x128xf32, #tpu.memory_space<hbm>>
        tpu.wait_dma2 semaphore(%arg25 : memref<!tpu.dma_semaphore, #tpu.memory_space<semaphore_mem>>) src(%dma_wait3A_875 : memref<80x128xf32, #tpu.memory_space<hbm>>) dst(%arg13 : memref<80x128xf32, #tpu.memory_space<vmem>>)
      } else {
      }
      %add3A_331 = arith.constant 2 : i32
      %add3A_332 = arith.addi %add3A_325, %add3A_331 : i32
      %lt3A_333 = arith.cmpi slt, %add3A_332, %mul3A_85 : i32
      %convert_element_type3A_334 = arith.extui %lt3A_333 : i1 to i32
      %cond3A_335 = arith.constant 0 : i32
      %cond3A_336 = arith.cmpi ne, %convert_element_type3A_334, %cond3A_335 : i32
      scf.if %cond3A_336 {
        %add3A_870 = arith.constant 2 : i32
        %add3A_871 = arith.addi %add3A_325, %add3A_870 : i32
        %add3A_872 = arith.addi %select_n3A_13, %add3A_871 : i32
        %min3A_873 = arith.constant 3999 : i32
        %min3A_874 = arith.minsi %add3A_872, %min3A_873 : i32
        %mul3A_875 = arith.constant 80 : i32
        %mul3A_876 = arith.muli %min3A_874, %mul3A_875 : i32
        %dma_start3A_877 = arith.constant 0 : i32
        %dma_start3A_878 = tpu.memref_slice %arg2[%mul3A_876, %dma_start3A_877] : memref<320000x128xf32, #tpu.memory_space<hbm>> -> memref<80x128xf32, #tpu.memory_space<hbm>>
        %dma_start3A_879 = arith.constant 0 : i32
        %dma_start3A_880 = tpu.memref_slice %arg2[%mul3A_876, %dma_start3A_879] : memref<320000x128xf32, #tpu.memory_space<hbm>> -> memref<80x128xf32, #tpu.memory_space<hbm>>
        tpu.enqueue_dma source(%dma_start3A_880 : memref<80x128xf32, #tpu.memory_space<hbm>>) target(%arg13 : memref<80x128xf32, #tpu.memory_space<vmem>>) target_semaphore(%arg20 : memref<!tpu.dma_semaphore, #tpu.memory_space<semaphore_mem>>)
      } else {
      }
      %lt3A_337 = arith.cmpi slt, %add3A_325, %select_n3A : i32
      %select_n3A_338 = arith.constant 0 : i32
      %select_n3A_339 = arith.constant 5000 : i32
      %select_n3A_340 = arith.select %lt3A_337, %select_n3A_339, %select_n3A_338 : i32
      %mul3A_341 = arith.constant 80 : i32
      %mul3A_342 = arith.muli %add3A_325, %mul3A_341 : i32
      %add3A_343 = arith.addi %select_n3A_27, %mul3A_342 : i32
      %min3A_344 = arith.constant 19920 : i32
      %min3A_345 = arith.minsi %add3A_343, %min3A_344 : i32
      %add3A_346 = arith.constant 0 : i32
      %add3A_347 = arith.addi %min3A_345, %add3A_346 : i32
      %get3A_348 = arith.index_cast %add3A_347 : i32 to index
      %get3A_349 = tpu.vector_load %arg8[%get3A_348] {strides = array<i32>} : memref<20000xi32, #tpu.memory_space<vmem>>, vector<16xi32>,
      %get3A_350 = vector.shape_cast %get3A_349 : vector<16xi32> to vector<16xi32>
      %sub3A_351 = vector.broadcast %mul3A_82 : i32 to vector<16xi32>
      %sub3A_352 = arith.subi %get3A_350, %sub3A_351 : vector<16xi32>
      %ge3A_353 = arith.constant 0 : i32
      %ge3A_354 = vector.broadcast %ge3A_353 : i32 to vector<16xi32>
      %ge3A_355 = arith.cmpi sge, %sub3A_352, %ge3A_354 : vector<16xi32>
      %lt3A_356 = vector.broadcast %select_n3A_340 : i32 to vector<16xi32>
      %lt3A_357 = arith.cmpi slt, %sub3A_352, %lt3A_356 : vector<16xi32>
      %and3A_358 = arith.andi %ge3A_355, %lt3A_357 : vector<16xi1>
      %select_n3A_359 = arith.select %and3A_358, %sub3A_352, %broadcast_in_dim3A_83 : vector<16xi1>, vector<16xi32>
      %swap3A_360 = arith.constant 1 : i32
      %swap3A_361 = arith.index_cast %swap3A_360 : i32 to index
      %swap3A_362 = arith.constant 0 : index
      %swap3A_363 = tpu.vector_load %arg9[%swap3A_361, %swap3A_362] {strides = array<i32>} : memref<5x80xi32, #tpu.memory_space<vmem>>, vector<1x16xi32>,
      %swap3A_364 = vector.shape_cast %swap3A_363 : vector<1x16xi32> to vector<16xi32>
      %swap3A_365 = vector.shape_cast %select_n3A_359 : vector<16xi32> to vector<1x16xi32>
      tpu.vector_store %arg9[%swap3A_361, %swap3A_362], %swap3A_365 {strides = array<i32>} : memref<5x80xi32, #tpu.memory_space<vmem>>, vector<1x16xi32>,
      %add3A_366 = arith.constant 16 : i32
      %add3A_367 = arith.addi %min3A_345, %add3A_366 : i32
      %get3A_368 = arith.index_cast %add3A_367 : i32 to index
      %get3A_369 = tpu.vector_load %arg8[%get3A_368] {strides = array<i32>} : memref<20000xi32, #tpu.memory_space<vmem>>, vector<16xi32>,
      %get3A_370 = vector.shape_cast %get3A_369 : vector<16xi32> to vector<16xi32>
      %sub3A_371 = vector.broadcast %mul3A_82 : i32 to vector<16xi32>
      %sub3A_372 = arith.subi %get3A_370, %sub3A_371 : vector<16xi32>
      %ge3A_373 = arith.constant 0 : i32
      %ge3A_374 = vector.broadcast %ge3A_373 : i32 to vector<16xi32>
      %ge3A_375 = arith.cmpi sge, %sub3A_372, %ge3A_374 : vector<16xi32>
      %lt3A_376 = vector.broadcast %select_n3A_340 : i32 to vector<16xi32>
      %lt3A_377 = arith.cmpi slt, %sub3A_372, %lt3A_376 : vector<16xi32>
      %and3A_378 = arith.andi %ge3A_375, %lt3A_377 : vector<16xi1>
      %select_n3A_379 = arith.select %and3A_378, %sub3A_372, %broadcast_in_dim3A_83 : vector<16xi1>, vector<16xi32>
      %swap3A_380 = arith.constant 1 : i32
      %swap3A_381 = arith.index_cast %swap3A_380 : i32 to index
      %swap3A_382 = arith.constant 16 : index
      %swap3A_383 = tpu.vector_load %arg9[%swap3A_381, %swap3A_382] {strides = array<i32>} : memref<5x80xi32, #tpu.memory_space<vmem>>, vector<1x16xi32>,
      %swap3A_384 = vector.shape_cast %swap3A_383 : vector<1x16xi32> to vector<16xi32>
      %swap3A_385 = vector.shape_cast %select_n3A_379 : vector<16xi32> to vector<1x16xi32>
      tpu.vector_store %arg9[%swap3A_381, %swap3A_382], %swap3A_385 {strides = array<i32>} : memref<5x80xi32, #tpu.memory_space<vmem>>, vector<1x16xi32>,
      %add3A_386 = arith.constant 32 : i32
      %add3A_387 = arith.addi %min3A_345, %add3A_386 : i32
      %get3A_388 = arith.index_cast %add3A_387 : i32 to index
      %get3A_389 = tpu.vector_load %arg8[%get3A_388] {strides = array<i32>} : memref<20000xi32, #tpu.memory_space<vmem>>, vector<16xi32>,
      %get3A_390 = vector.shape_cast %get3A_389 : vector<16xi32> to vector<16xi32>
      %sub3A_391 = vector.broadcast %mul3A_82 : i32 to vector<16xi32>
      %sub3A_392 = arith.subi %get3A_390, %sub3A_391 : vector<16xi32>
      %ge3A_393 = arith.constant 0 : i32
      %ge3A_394 = vector.broadcast %ge3A_393 : i32 to vector<16xi32>
      %ge3A_395 = arith.cmpi sge, %sub3A_392, %ge3A_394 : vector<16xi32>
      %lt3A_396 = vector.broadcast %select_n3A_340 : i32 to vector<16xi32>
      %lt3A_397 = arith.cmpi slt, %sub3A_392, %lt3A_396 : vector<16xi32>
      %and3A_398 = arith.andi %ge3A_395, %lt3A_397 : vector<16xi1>
      %select_n3A_399 = arith.select %and3A_398, %sub3A_392, %broadcast_in_dim3A_83 : vector<16xi1>, vector<16xi32>
      %swap3A_400 = arith.constant 1 : i32
      %swap3A_401 = arith.index_cast %swap3A_400 : i32 to index
      %swap3A_402 = arith.constant 32 : index
      %swap3A_403 = tpu.vector_load %arg9[%swap3A_401, %swap3A_402] {strides = array<i32>} : memref<5x80xi32, #tpu.memory_space<vmem>>, vector<1x16xi32>,
      %swap3A_404 = vector.shape_cast %swap3A_403 : vector<1x16xi32> to vector<16xi32>
      %swap3A_405 = vector.shape_cast %select_n3A_399 : vector<16xi32> to vector<1x16xi32>
      tpu.vector_store %arg9[%swap3A_401, %swap3A_402], %swap3A_405 {strides = array<i32>} : memref<5x80xi32, #tpu.memory_space<vmem>>, vector<1x16xi32>,
      %add3A_406 = arith.constant 48 : i32
      %add3A_407 = arith.addi %min3A_345, %add3A_406 : i32
      %get3A_408 = arith.index_cast %add3A_407 : i32 to index
      %get3A_409 = tpu.vector_load %arg8[%get3A_408] {strides = array<i32>} : memref<20000xi32, #tpu.memory_space<vmem>>, vector<16xi32>,
      %get3A_410 = vector.shape_cast %get3A_409 : vector<16xi32> to vector<16xi32>
      %sub3A_411 = vector.broadcast %mul3A_82 : i32 to vector<16xi32>
      %sub3A_412 = arith.subi %get3A_410, %sub3A_411 : vector<16xi32>
      %ge3A_413 = arith.constant 0 : i32
      %ge3A_414 = vector.broadcast %ge3A_413 : i32 to vector<16xi32>
      %ge3A_415 = arith.cmpi sge, %sub3A_412, %ge3A_414 : vector<16xi32>
      %lt3A_416 = vector.broadcast %select_n3A_340 : i32 to vector<16xi32>
      %lt3A_417 = arith.cmpi slt, %sub3A_412, %lt3A_416 : vector<16xi32>
      %and3A_418 = arith.andi %ge3A_415, %lt3A_417 : vector<16xi1>
      %select_n3A_419 = arith.select %and3A_418, %sub3A_412, %broadcast_in_dim3A_83 : vector<16xi1>, vector<16xi32>
      %swap3A_420 = arith.constant 1 : i32
      %swap3A_421 = arith.index_cast %swap3A_420 : i32 to index
      %swap3A_422 = arith.constant 48 : index
      %swap3A_423 = tpu.vector_load %arg9[%swap3A_421, %swap3A_422] {strides = array<i32>} : memref<5x80xi32, #tpu.memory_space<vmem>>, vector<1x16xi32>,
      %swap3A_424 = vector.shape_cast %swap3A_423 : vector<1x16xi32> to vector<16xi32>
      %swap3A_425 = vector.shape_cast %select_n3A_419 : vector<16xi32> to vector<1x16xi32>
      tpu.vector_store %arg9[%swap3A_421, %swap3A_422], %swap3A_425 {strides = array<i32>} : memref<5x80xi32, #tpu.memory_space<vmem>>, vector<1x16xi32>,
      %add3A_426 = arith.constant 64 : i32
      %add3A_427 = arith.addi %min3A_345, %add3A_426 : i32
      %get3A_428 = arith.index_cast %add3A_427 : i32 to index
      %get3A_429 = tpu.vector_load %arg8[%get3A_428] {strides = array<i32>} : memref<20000xi32, #tpu.memory_space<vmem>>, vector<16xi32>,
      %get3A_430 = vector.shape_cast %get3A_429 : vector<16xi32> to vector<16xi32>
      %sub3A_431 = vector.broadcast %mul3A_82 : i32 to vector<16xi32>
      %sub3A_432 = arith.subi %get3A_430, %sub3A_431 : vector<16xi32>
      %ge3A_433 = arith.constant 0 : i32
      %ge3A_434 = vector.broadcast %ge3A_433 : i32 to vector<16xi32>
      %ge3A_435 = arith.cmpi sge, %sub3A_432, %ge3A_434 : vector<16xi32>
      %lt3A_436 = vector.broadcast %select_n3A_340 : i32 to vector<16xi32>
      %lt3A_437 = arith.cmpi slt, %sub3A_432, %lt3A_436 : vector<16xi32>
      %and3A_438 = arith.andi %ge3A_435, %lt3A_437 : vector<16xi1>
      %select_n3A_439 = arith.select %and3A_438, %sub3A_432, %broadcast_in_dim3A_83 : vector<16xi1>, vector<16xi32>
      %swap3A_440 = arith.constant 1 : i32
      %swap3A_441 = arith.index_cast %swap3A_440 : i32 to index
      %swap3A_442 = arith.constant 64 : index
      %swap3A_443 = tpu.vector_load %arg9[%swap3A_441, %swap3A_442] {strides = array<i32>} : memref<5x80xi32, #tpu.memory_space<vmem>>, vector<1x16xi32>,
      %swap3A_444 = vector.shape_cast %swap3A_443 : vector<1x16xi32> to vector<16xi32>
      %swap3A_445 = vector.shape_cast %select_n3A_439 : vector<16xi32> to vector<1x16xi32>
      tpu.vector_store %arg9[%swap3A_441, %swap3A_442], %swap3A_445 {strides = array<i32>} : memref<5x80xi32, #tpu.memory_space<vmem>>, vector<1x16xi32>,
      %dma_wait3A_446 = arith.constant 0 : i32
      %dma_wait3A_447 = arith.constant 0 : i32
      %dma_wait3A_448 = tpu.memref_slice %arg2[%dma_wait3A_446, %dma_wait3A_447] : memref<320000x128xf32, #tpu.memory_space<hbm>> -> memref<80x128xf32, #tpu.memory_space<hbm>>
      %dma_wait3A_449 = arith.constant 0 : i32
      %dma_wait3A_450 = arith.constant 0 : i32
      %dma_wait3A_451 = tpu.memref_slice %arg2[%dma_wait3A_449, %dma_wait3A_450] : memref<320000x128xf32, #tpu.memory_space<hbm>> -> memref<80x128xf32, #tpu.memory_space<hbm>>
      tpu.wait_dma2 semaphore(%arg18 : memref<!tpu.dma_semaphore, #tpu.memory_space<semaphore_mem>>) src(%dma_wait3A_451 : memref<80x128xf32, #tpu.memory_space<hbm>>) dst(%arg11 : memref<80x128xf32, #tpu.memory_space<vmem>>)
      %dma_start3A_452 = arith.constant 1 : i32
      %dma_start3A_453 = arith.constant 0 : i32
      %dma_start3A_454 = tpu.memref_slice %arg9[%dma_start3A_452, %dma_start3A_453] : memref<5x80xi32, #tpu.memory_space<vmem>> -> memref<1x80xi32, #tpu.memory_space<vmem>>
      %dma_start3A_455 = tpu.memref_squeeze %dma_start3A_454 : memref<1x80xi32, #tpu.memory_space<vmem>> -> memref<80xi32, #tpu.memory_space<vmem>>
      %dma_start3A_456 = arith.constant 0 : i32
      %dma_start3A_457 = arith.constant 0 : i32
      %dma_start3A_458 = tpu.memref_slice %arg16[%dma_start3A_456, %dma_start3A_457] : memref<5008x128xf32, #tpu.memory_space<vmem_shared>> -> memref<5008x128xf32, #tpu.memory_space<vmem_shared>>
      tpu.enqueue_indirect_dma source(%arg11 : memref<80x128xf32, #tpu.memory_space<vmem>>) target(%dma_start3A_458 : memref<5008x128xf32, #tpu.memory_space<vmem_shared>>) offsets(%dma_start3A_455 : memref<80xi32, #tpu.memory_space<vmem>>) semaphore(%arg23 : memref<!tpu.dma_semaphore, #tpu.memory_space<semaphore_mem>>) {add = true}
      %mul3A_459 = arith.constant 5 : i32
      %mul3A_460 = arith.muli %mul3A_459, %while3A_187 : i32
      %add3A_461 = arith.constant 2 : i32
      %add3A_462 = arith.addi %mul3A_460, %add3A_461 : i32
      %ge3A_463 = arith.constant 3 : i32
      %ge3A_464 = arith.cmpi sge, %add3A_462, %ge3A_463 : i32
      %convert_element_type3A_465 = arith.extui %ge3A_464 : i1 to i32
      %cond3A_466 = arith.constant 0 : i32
      %cond3A_467 = arith.cmpi ne, %convert_element_type3A_465, %cond3A_466 : i32
      scf.if %cond3A_467 {
        %dma_wait3A_870 = arith.constant 0 : i32
        %dma_wait3A_871 = arith.constant 0 : i32
        %dma_wait3A_872 = tpu.memref_slice %arg2[%dma_wait3A_870, %dma_wait3A_871] : memref<320000x128xf32, #tpu.memory_space<hbm>> -> memref<80x128xf32, #tpu.memory_space<hbm>>
        %dma_wait3A_873 = arith.constant 0 : i32
        %dma_wait3A_874 = arith.constant 0 : i32
        %dma_wait3A_875 = tpu.memref_slice %arg2[%dma_wait3A_873, %dma_wait3A_874] : memref<320000x128xf32, #tpu.memory_space<hbm>> -> memref<80x128xf32, #tpu.memory_space<hbm>>
        tpu.wait_dma2 semaphore(%arg26 : memref<!tpu.dma_semaphore, #tpu.memory_space<semaphore_mem>>) src(%dma_wait3A_875 : memref<80x128xf32, #tpu.memory_space<hbm>>) dst(%arg14 : memref<80x128xf32, #tpu.memory_space<vmem>>)
      } else {
      }
      %add3A_468 = arith.constant 2 : i32
      %add3A_469 = arith.addi %add3A_462, %add3A_468 : i32
      %lt3A_470 = arith.cmpi slt, %add3A_469, %mul3A_85 : i32
      %convert_element_type3A_471 = arith.extui %lt3A_470 : i1 to i32
      %cond3A_472 = arith.constant 0 : i32
      %cond3A_473 = arith.cmpi ne, %convert_element_type3A_471, %cond3A_472 : i32
      scf.if %cond3A_473 {
        %add3A_870 = arith.constant 2 : i32
        %add3A_871 = arith.addi %add3A_462, %add3A_870 : i32
        %add3A_872 = arith.addi %select_n3A_13, %add3A_871 : i32
        %min3A_873 = arith.constant 3999 : i32
        %min3A_874 = arith.minsi %add3A_872, %min3A_873 : i32
        %mul3A_875 = arith.constant 80 : i32
        %mul3A_876 = arith.muli %min3A_874, %mul3A_875 : i32
        %dma_start3A_877 = arith.constant 0 : i32
        %dma_start3A_878 = tpu.memref_slice %arg2[%mul3A_876, %dma_start3A_877] : memref<320000x128xf32, #tpu.memory_space<hbm>> -> memref<80x128xf32, #tpu.memory_space<hbm>>
        %dma_start3A_879 = arith.constant 0 : i32
        %dma_start3A_880 = tpu.memref_slice %arg2[%mul3A_876, %dma_start3A_879] : memref<320000x128xf32, #tpu.memory_space<hbm>> -> memref<80x128xf32, #tpu.memory_space<hbm>>
        tpu.enqueue_dma source(%dma_start3A_880 : memref<80x128xf32, #tpu.memory_space<hbm>>) target(%arg14 : memref<80x128xf32, #tpu.memory_space<vmem>>) target_semaphore(%arg21 : memref<!tpu.dma_semaphore, #tpu.memory_space<semaphore_mem>>)
      } else {
      }
      %lt3A_474 = arith.cmpi slt, %add3A_462, %select_n3A : i32
      %select_n3A_475 = arith.constant 0 : i32
      %select_n3A_476 = arith.constant 5000 : i32
      %select_n3A_477 = arith.select %lt3A_474, %select_n3A_476, %select_n3A_475 : i32
      %mul3A_478 = arith.constant 80 : i32
      %mul3A_479 = arith.muli %add3A_462, %mul3A_478 : i32
      %add3A_480 = arith.addi %select_n3A_27, %mul3A_479 : i32
      %min3A_481 = arith.constant 19920 : i32
      %min3A_482 = arith.minsi %add3A_480, %min3A_481 : i32
      %add3A_483 = arith.constant 0 : i32
      %add3A_484 = arith.addi %min3A_482, %add3A_483 : i32
      %get3A_485 = arith.index_cast %add3A_484 : i32 to index
      %get3A_486 = tpu.vector_load %arg8[%get3A_485] {strides = array<i32>} : memref<20000xi32, #tpu.memory_space<vmem>>, vector<16xi32>,
      %get3A_487 = vector.shape_cast %get3A_486 : vector<16xi32> to vector<16xi32>
      %sub3A_488 = vector.broadcast %mul3A_82 : i32 to vector<16xi32>
      %sub3A_489 = arith.subi %get3A_487, %sub3A_488 : vector<16xi32>
      %ge3A_490 = arith.constant 0 : i32
      %ge3A_491 = vector.broadcast %ge3A_490 : i32 to vector<16xi32>
      %ge3A_492 = arith.cmpi sge, %sub3A_489, %ge3A_491 : vector<16xi32>
      %lt3A_493 = vector.broadcast %select_n3A_477 : i32 to vector<16xi32>
      %lt3A_494 = arith.cmpi slt, %sub3A_489, %lt3A_493 : vector<16xi32>
      %and3A_495 = arith.andi %ge3A_492, %lt3A_494 : vector<16xi1>
      %select_n3A_496 = arith.select %and3A_495, %sub3A_489, %broadcast_in_dim3A_83 : vector<16xi1>, vector<16xi32>
      %swap3A_497 = arith.constant 2 : i32
      %swap3A_498 = arith.index_cast %swap3A_497 : i32 to index
      %swap3A_499 = arith.constant 0 : index
      %swap3A_500 = tpu.vector_load %arg9[%swap3A_498, %swap3A_499] {strides = array<i32>} : memref<5x80xi32, #tpu.memory_space<vmem>>, vector<1x16xi32>,
      %swap3A_501 = vector.shape_cast %swap3A_500 : vector<1x16xi32> to vector<16xi32>
      %swap3A_502 = vector.shape_cast %select_n3A_496 : vector<16xi32> to vector<1x16xi32>
      tpu.vector_store %arg9[%swap3A_498, %swap3A_499], %swap3A_502 {strides = array<i32>} : memref<5x80xi32, #tpu.memory_space<vmem>>, vector<1x16xi32>,
      %add3A_503 = arith.constant 16 : i32
      %add3A_504 = arith.addi %min3A_482, %add3A_503 : i32
      %get3A_505 = arith.index_cast %add3A_504 : i32 to index
      %get3A_506 = tpu.vector_load %arg8[%get3A_505] {strides = array<i32>} : memref<20000xi32, #tpu.memory_space<vmem>>, vector<16xi32>,
      %get3A_507 = vector.shape_cast %get3A_506 : vector<16xi32> to vector<16xi32>
      %sub3A_508 = vector.broadcast %mul3A_82 : i32 to vector<16xi32>
      %sub3A_509 = arith.subi %get3A_507, %sub3A_508 : vector<16xi32>
      %ge3A_510 = arith.constant 0 : i32
      %ge3A_511 = vector.broadcast %ge3A_510 : i32 to vector<16xi32>
      %ge3A_512 = arith.cmpi sge, %sub3A_509, %ge3A_511 : vector<16xi32>
      %lt3A_513 = vector.broadcast %select_n3A_477 : i32 to vector<16xi32>
      %lt3A_514 = arith.cmpi slt, %sub3A_509, %lt3A_513 : vector<16xi32>
      %and3A_515 = arith.andi %ge3A_512, %lt3A_514 : vector<16xi1>
      %select_n3A_516 = arith.select %and3A_515, %sub3A_509, %broadcast_in_dim3A_83 : vector<16xi1>, vector<16xi32>
      %swap3A_517 = arith.constant 2 : i32
      %swap3A_518 = arith.index_cast %swap3A_517 : i32 to index
      %swap3A_519 = arith.constant 16 : index
      %swap3A_520 = tpu.vector_load %arg9[%swap3A_518, %swap3A_519] {strides = array<i32>} : memref<5x80xi32, #tpu.memory_space<vmem>>, vector<1x16xi32>,
      %swap3A_521 = vector.shape_cast %swap3A_520 : vector<1x16xi32> to vector<16xi32>
      %swap3A_522 = vector.shape_cast %select_n3A_516 : vector<16xi32> to vector<1x16xi32>
      tpu.vector_store %arg9[%swap3A_518, %swap3A_519], %swap3A_522 {strides = array<i32>} : memref<5x80xi32, #tpu.memory_space<vmem>>, vector<1x16xi32>,
      %add3A_523 = arith.constant 32 : i32
      %add3A_524 = arith.addi %min3A_482, %add3A_523 : i32
      %get3A_525 = arith.index_cast %add3A_524 : i32 to index
      %get3A_526 = tpu.vector_load %arg8[%get3A_525] {strides = array<i32>} : memref<20000xi32, #tpu.memory_space<vmem>>, vector<16xi32>,
      %get3A_527 = vector.shape_cast %get3A_526 : vector<16xi32> to vector<16xi32>
      %sub3A_528 = vector.broadcast %mul3A_82 : i32 to vector<16xi32>
      %sub3A_529 = arith.subi %get3A_527, %sub3A_528 : vector<16xi32>
      %ge3A_530 = arith.constant 0 : i32
      %ge3A_531 = vector.broadcast %ge3A_530 : i32 to vector<16xi32>
      %ge3A_532 = arith.cmpi sge, %sub3A_529, %ge3A_531 : vector<16xi32>
      %lt3A_533 = vector.broadcast %select_n3A_477 : i32 to vector<16xi32>
      %lt3A_534 = arith.cmpi slt, %sub3A_529, %lt3A_533 : vector<16xi32>
      %and3A_535 = arith.andi %ge3A_532, %lt3A_534 : vector<16xi1>
      %select_n3A_536 = arith.select %and3A_535, %sub3A_529, %broadcast_in_dim3A_83 : vector<16xi1>, vector<16xi32>
      %swap3A_537 = arith.constant 2 : i32
      %swap3A_538 = arith.index_cast %swap3A_537 : i32 to index
      %swap3A_539 = arith.constant 32 : index
      %swap3A_540 = tpu.vector_load %arg9[%swap3A_538, %swap3A_539] {strides = array<i32>} : memref<5x80xi32, #tpu.memory_space<vmem>>, vector<1x16xi32>,
      %swap3A_541 = vector.shape_cast %swap3A_540 : vector<1x16xi32> to vector<16xi32>
      %swap3A_542 = vector.shape_cast %select_n3A_536 : vector<16xi32> to vector<1x16xi32>
      tpu.vector_store %arg9[%swap3A_538, %swap3A_539], %swap3A_542 {strides = array<i32>} : memref<5x80xi32, #tpu.memory_space<vmem>>, vector<1x16xi32>,
      %add3A_543 = arith.constant 48 : i32
      %add3A_544 = arith.addi %min3A_482, %add3A_543 : i32
      %get3A_545 = arith.index_cast %add3A_544 : i32 to index
      %get3A_546 = tpu.vector_load %arg8[%get3A_545] {strides = array<i32>} : memref<20000xi32, #tpu.memory_space<vmem>>, vector<16xi32>,
      %get3A_547 = vector.shape_cast %get3A_546 : vector<16xi32> to vector<16xi32>
      %sub3A_548 = vector.broadcast %mul3A_82 : i32 to vector<16xi32>
      %sub3A_549 = arith.subi %get3A_547, %sub3A_548 : vector<16xi32>
      %ge3A_550 = arith.constant 0 : i32
      %ge3A_551 = vector.broadcast %ge3A_550 : i32 to vector<16xi32>
      %ge3A_552 = arith.cmpi sge, %sub3A_549, %ge3A_551 : vector<16xi32>
      %lt3A_553 = vector.broadcast %select_n3A_477 : i32 to vector<16xi32>
      %lt3A_554 = arith.cmpi slt, %sub3A_549, %lt3A_553 : vector<16xi32>
      %and3A_555 = arith.andi %ge3A_552, %lt3A_554 : vector<16xi1>
      %select_n3A_556 = arith.select %and3A_555, %sub3A_549, %broadcast_in_dim3A_83 : vector<16xi1>, vector<16xi32>
      %swap3A_557 = arith.constant 2 : i32
      %swap3A_558 = arith.index_cast %swap3A_557 : i32 to index
      %swap3A_559 = arith.constant 48 : index
      %swap3A_560 = tpu.vector_load %arg9[%swap3A_558, %swap3A_559] {strides = array<i32>} : memref<5x80xi32, #tpu.memory_space<vmem>>, vector<1x16xi32>,
      %swap3A_561 = vector.shape_cast %swap3A_560 : vector<1x16xi32> to vector<16xi32>
      %swap3A_562 = vector.shape_cast %select_n3A_556 : vector<16xi32> to vector<1x16xi32>
      tpu.vector_store %arg9[%swap3A_558, %swap3A_559], %swap3A_562 {strides = array<i32>} : memref<5x80xi32, #tpu.memory_space<vmem>>, vector<1x16xi32>,
      %add3A_563 = arith.constant 64 : i32
      %add3A_564 = arith.addi %min3A_482, %add3A_563 : i32
      %get3A_565 = arith.index_cast %add3A_564 : i32 to index
      %get3A_566 = tpu.vector_load %arg8[%get3A_565] {strides = array<i32>} : memref<20000xi32, #tpu.memory_space<vmem>>, vector<16xi32>,
      %get3A_567 = vector.shape_cast %get3A_566 : vector<16xi32> to vector<16xi32>
      %sub3A_568 = vector.broadcast %mul3A_82 : i32 to vector<16xi32>
      %sub3A_569 = arith.subi %get3A_567, %sub3A_568 : vector<16xi32>
      %ge3A_570 = arith.constant 0 : i32
      %ge3A_571 = vector.broadcast %ge3A_570 : i32 to vector<16xi32>
      %ge3A_572 = arith.cmpi sge, %sub3A_569, %ge3A_571 : vector<16xi32>
      %lt3A_573 = vector.broadcast %select_n3A_477 : i32 to vector<16xi32>
      %lt3A_574 = arith.cmpi slt, %sub3A_569, %lt3A_573 : vector<16xi32>
      %and3A_575 = arith.andi %ge3A_572, %lt3A_574 : vector<16xi1>
      %select_n3A_576 = arith.select %and3A_575, %sub3A_569, %broadcast_in_dim3A_83 : vector<16xi1>, vector<16xi32>
      %swap3A_577 = arith.constant 2 : i32
      %swap3A_578 = arith.index_cast %swap3A_577 : i32 to index
      %swap3A_579 = arith.constant 64 : index
      %swap3A_580 = tpu.vector_load %arg9[%swap3A_578, %swap3A_579] {strides = array<i32>} : memref<5x80xi32, #tpu.memory_space<vmem>>, vector<1x16xi32>,
      %swap3A_581 = vector.shape_cast %swap3A_580 : vector<1x16xi32> to vector<16xi32>
      %swap3A_582 = vector.shape_cast %select_n3A_576 : vector<16xi32> to vector<1x16xi32>
      tpu.vector_store %arg9[%swap3A_578, %swap3A_579], %swap3A_582 {strides = array<i32>} : memref<5x80xi32, #tpu.memory_space<vmem>>, vector<1x16xi32>,
      %dma_wait3A_583 = arith.constant 0 : i32
      %dma_wait3A_584 = arith.constant 0 : i32
      %dma_wait3A_585 = tpu.memref_slice %arg2[%dma_wait3A_583, %dma_wait3A_584] : memref<320000x128xf32, #tpu.memory_space<hbm>> -> memref<80x128xf32, #tpu.memory_space<hbm>>
      %dma_wait3A_586 = arith.constant 0 : i32
      %dma_wait3A_587 = arith.constant 0 : i32
      %dma_wait3A_588 = tpu.memref_slice %arg2[%dma_wait3A_586, %dma_wait3A_587] : memref<320000x128xf32, #tpu.memory_space<hbm>> -> memref<80x128xf32, #tpu.memory_space<hbm>>
      tpu.wait_dma2 semaphore(%arg19 : memref<!tpu.dma_semaphore, #tpu.memory_space<semaphore_mem>>) src(%dma_wait3A_588 : memref<80x128xf32, #tpu.memory_space<hbm>>) dst(%arg12 : memref<80x128xf32, #tpu.memory_space<vmem>>)
      %dma_start3A_589 = arith.constant 2 : i32
      %dma_start3A_590 = arith.constant 0 : i32
      %dma_start3A_591 = tpu.memref_slice %arg9[%dma_start3A_589, %dma_start3A_590] : memref<5x80xi32, #tpu.memory_space<vmem>> -> memref<1x80xi32, #tpu.memory_space<vmem>>
      %dma_start3A_592 = tpu.memref_squeeze %dma_start3A_591 : memref<1x80xi32, #tpu.memory_space<vmem>> -> memref<80xi32, #tpu.memory_space<vmem>>
      %dma_start3A_593 = arith.constant 0 : i32
      %dma_start3A_594 = arith.constant 0 : i32
      %dma_start3A_595 = tpu.memref_slice %arg16[%dma_start3A_593, %dma_start3A_594] : memref<5008x128xf32, #tpu.memory_space<vmem_shared>> -> memref<5008x128xf32, #tpu.memory_space<vmem_shared>>
      tpu.enqueue_indirect_dma source(%arg12 : memref<80x128xf32, #tpu.memory_space<vmem>>) target(%dma_start3A_595 : memref<5008x128xf32, #tpu.memory_space<vmem_shared>>) offsets(%dma_start3A_592 : memref<80xi32, #tpu.memory_space<vmem>>) semaphore(%arg24 : memref<!tpu.dma_semaphore, #tpu.memory_space<semaphore_mem>>) {add = true}
      %mul3A_596 = arith.constant 5 : i32
      %mul3A_597 = arith.muli %mul3A_596, %while3A_187 : i32
      %add3A_598 = arith.constant 3 : i32
      %add3A_599 = arith.addi %mul3A_597, %add3A_598 : i32
      %ge3A_600 = arith.constant 3 : i32
      %ge3A_601 = arith.cmpi sge, %add3A_599, %ge3A_600 : i32
      %convert_element_type3A_602 = arith.extui %ge3A_601 : i1 to i32
      %cond3A_603 = arith.constant 0 : i32
      %cond3A_604 = arith.cmpi ne, %convert_element_type3A_602, %cond3A_603 : i32
      scf.if %cond3A_604 {
        %dma_wait3A_870 = arith.constant 0 : i32
        %dma_wait3A_871 = arith.constant 0 : i32
        %dma_wait3A_872 = tpu.memref_slice %arg2[%dma_wait3A_870, %dma_wait3A_871] : memref<320000x128xf32, #tpu.memory_space<hbm>> -> memref<80x128xf32, #tpu.memory_space<hbm>>
        %dma_wait3A_873 = arith.constant 0 : i32
        %dma_wait3A_874 = arith.constant 0 : i32
        %dma_wait3A_875 = tpu.memref_slice %arg2[%dma_wait3A_873, %dma_wait3A_874] : memref<320000x128xf32, #tpu.memory_space<hbm>> -> memref<80x128xf32, #tpu.memory_space<hbm>>
        tpu.wait_dma2 semaphore(%arg22 : memref<!tpu.dma_semaphore, #tpu.memory_space<semaphore_mem>>) src(%dma_wait3A_875 : memref<80x128xf32, #tpu.memory_space<hbm>>) dst(%arg10 : memref<80x128xf32, #tpu.memory_space<vmem>>)
      } else {
      }
      %add3A_605 = arith.constant 2 : i32
      %add3A_606 = arith.addi %add3A_599, %add3A_605 : i32
      %lt3A_607 = arith.cmpi slt, %add3A_606, %mul3A_85 : i32
      %convert_element_type3A_608 = arith.extui %lt3A_607 : i1 to i32
      %cond3A_609 = arith.constant 0 : i32
      %cond3A_610 = arith.cmpi ne, %convert_element_type3A_608, %cond3A_609 : i32
      scf.if %cond3A_610 {
        %add3A_870 = arith.constant 2 : i32
        %add3A_871 = arith.addi %add3A_599, %add3A_870 : i32
        %add3A_872 = arith.addi %select_n3A_13, %add3A_871 : i32
        %min3A_873 = arith.constant 3999 : i32
        %min3A_874 = arith.minsi %add3A_872, %min3A_873 : i32
        %mul3A_875 = arith.constant 80 : i32
        %mul3A_876 = arith.muli %min3A_874, %mul3A_875 : i32
        %dma_start3A_877 = arith.constant 0 : i32
        %dma_start3A_878 = tpu.memref_slice %arg2[%mul3A_876, %dma_start3A_877] : memref<320000x128xf32, #tpu.memory_space<hbm>> -> memref<80x128xf32, #tpu.memory_space<hbm>>
        %dma_start3A_879 = arith.constant 0 : i32
        %dma_start3A_880 = tpu.memref_slice %arg2[%mul3A_876, %dma_start3A_879] : memref<320000x128xf32, #tpu.memory_space<hbm>> -> memref<80x128xf32, #tpu.memory_space<hbm>>
        tpu.enqueue_dma source(%dma_start3A_880 : memref<80x128xf32, #tpu.memory_space<hbm>>) target(%arg10 : memref<80x128xf32, #tpu.memory_space<vmem>>) target_semaphore(%arg17 : memref<!tpu.dma_semaphore, #tpu.memory_space<semaphore_mem>>)
      } else {
      }
      %lt3A_611 = arith.cmpi slt, %add3A_599, %select_n3A : i32
      %select_n3A_612 = arith.constant 0 : i32
      %select_n3A_613 = arith.constant 5000 : i32
      %select_n3A_614 = arith.select %lt3A_611, %select_n3A_613, %select_n3A_612 : i32
      %mul3A_615 = arith.constant 80 : i32
      %mul3A_616 = arith.muli %add3A_599, %mul3A_615 : i32
      %add3A_617 = arith.addi %select_n3A_27, %mul3A_616 : i32
      %min3A_618 = arith.constant 19920 : i32
      %min3A_619 = arith.minsi %add3A_617, %min3A_618 : i32
      %add3A_620 = arith.constant 0 : i32
      %add3A_621 = arith.addi %min3A_619, %add3A_620 : i32
      %get3A_622 = arith.index_cast %add3A_621 : i32 to index
      %get3A_623 = tpu.vector_load %arg8[%get3A_622] {strides = array<i32>} : memref<20000xi32, #tpu.memory_space<vmem>>, vector<16xi32>,
      %get3A_624 = vector.shape_cast %get3A_623 : vector<16xi32> to vector<16xi32>
      %sub3A_625 = vector.broadcast %mul3A_82 : i32 to vector<16xi32>
      %sub3A_626 = arith.subi %get3A_624, %sub3A_625 : vector<16xi32>
      %ge3A_627 = arith.constant 0 : i32
      %ge3A_628 = vector.broadcast %ge3A_627 : i32 to vector<16xi32>
      %ge3A_629 = arith.cmpi sge, %sub3A_626, %ge3A_628 : vector<16xi32>
      %lt3A_630 = vector.broadcast %select_n3A_614 : i32 to vector<16xi32>
      %lt3A_631 = arith.cmpi slt, %sub3A_626, %lt3A_630 : vector<16xi32>
      %and3A_632 = arith.andi %ge3A_629, %lt3A_631 : vector<16xi1>
      %select_n3A_633 = arith.select %and3A_632, %sub3A_626, %broadcast_in_dim3A_83 : vector<16xi1>, vector<16xi32>
      %swap3A_634 = arith.constant 3 : i32
      %swap3A_635 = arith.index_cast %swap3A_634 : i32 to index
      %swap3A_636 = arith.constant 0 : index
      %swap3A_637 = tpu.vector_load %arg9[%swap3A_635, %swap3A_636] {strides = array<i32>} : memref<5x80xi32, #tpu.memory_space<vmem>>, vector<1x16xi32>,
      %swap3A_638 = vector.shape_cast %swap3A_637 : vector<1x16xi32> to vector<16xi32>
      %swap3A_639 = vector.shape_cast %select_n3A_633 : vector<16xi32> to vector<1x16xi32>
      tpu.vector_store %arg9[%swap3A_635, %swap3A_636], %swap3A_639 {strides = array<i32>} : memref<5x80xi32, #tpu.memory_space<vmem>>, vector<1x16xi32>,
      %add3A_640 = arith.constant 16 : i32
      %add3A_641 = arith.addi %min3A_619, %add3A_640 : i32
      %get3A_642 = arith.index_cast %add3A_641 : i32 to index
      %get3A_643 = tpu.vector_load %arg8[%get3A_642] {strides = array<i32>} : memref<20000xi32, #tpu.memory_space<vmem>>, vector<16xi32>,
      %get3A_644 = vector.shape_cast %get3A_643 : vector<16xi32> to vector<16xi32>
      %sub3A_645 = vector.broadcast %mul3A_82 : i32 to vector<16xi32>
      %sub3A_646 = arith.subi %get3A_644, %sub3A_645 : vector<16xi32>
      %ge3A_647 = arith.constant 0 : i32
      %ge3A_648 = vector.broadcast %ge3A_647 : i32 to vector<16xi32>
      %ge3A_649 = arith.cmpi sge, %sub3A_646, %ge3A_648 : vector<16xi32>
      %lt3A_650 = vector.broadcast %select_n3A_614 : i32 to vector<16xi32>
      %lt3A_651 = arith.cmpi slt, %sub3A_646, %lt3A_650 : vector<16xi32>
      %and3A_652 = arith.andi %ge3A_649, %lt3A_651 : vector<16xi1>
      %select_n3A_653 = arith.select %and3A_652, %sub3A_646, %broadcast_in_dim3A_83 : vector<16xi1>, vector<16xi32>
      %swap3A_654 = arith.constant 3 : i32
      %swap3A_655 = arith.index_cast %swap3A_654 : i32 to index
      %swap3A_656 = arith.constant 16 : index
      %swap3A_657 = tpu.vector_load %arg9[%swap3A_655, %swap3A_656] {strides = array<i32>} : memref<5x80xi32, #tpu.memory_space<vmem>>, vector<1x16xi32>,
      %swap3A_658 = vector.shape_cast %swap3A_657 : vector<1x16xi32> to vector<16xi32>
      %swap3A_659 = vector.shape_cast %select_n3A_653 : vector<16xi32> to vector<1x16xi32>
      tpu.vector_store %arg9[%swap3A_655, %swap3A_656], %swap3A_659 {strides = array<i32>} : memref<5x80xi32, #tpu.memory_space<vmem>>, vector<1x16xi32>,
      %add3A_660 = arith.constant 32 : i32
      %add3A_661 = arith.addi %min3A_619, %add3A_660 : i32
      %get3A_662 = arith.index_cast %add3A_661 : i32 to index
      %get3A_663 = tpu.vector_load %arg8[%get3A_662] {strides = array<i32>} : memref<20000xi32, #tpu.memory_space<vmem>>, vector<16xi32>,
      %get3A_664 = vector.shape_cast %get3A_663 : vector<16xi32> to vector<16xi32>
      %sub3A_665 = vector.broadcast %mul3A_82 : i32 to vector<16xi32>
      %sub3A_666 = arith.subi %get3A_664, %sub3A_665 : vector<16xi32>
      %ge3A_667 = arith.constant 0 : i32
      %ge3A_668 = vector.broadcast %ge3A_667 : i32 to vector<16xi32>
      %ge3A_669 = arith.cmpi sge, %sub3A_666, %ge3A_668 : vector<16xi32>
      %lt3A_670 = vector.broadcast %select_n3A_614 : i32 to vector<16xi32>
      %lt3A_671 = arith.cmpi slt, %sub3A_666, %lt3A_670 : vector<16xi32>
      %and3A_672 = arith.andi %ge3A_669, %lt3A_671 : vector<16xi1>
      %select_n3A_673 = arith.select %and3A_672, %sub3A_666, %broadcast_in_dim3A_83 : vector<16xi1>, vector<16xi32>
      %swap3A_674 = arith.constant 3 : i32
      %swap3A_675 = arith.index_cast %swap3A_674 : i32 to index
      %swap3A_676 = arith.constant 32 : index
      %swap3A_677 = tpu.vector_load %arg9[%swap3A_675, %swap3A_676] {strides = array<i32>} : memref<5x80xi32, #tpu.memory_space<vmem>>, vector<1x16xi32>,
      %swap3A_678 = vector.shape_cast %swap3A_677 : vector<1x16xi32> to vector<16xi32>
      %swap3A_679 = vector.shape_cast %select_n3A_673 : vector<16xi32> to vector<1x16xi32>
      tpu.vector_store %arg9[%swap3A_675, %swap3A_676], %swap3A_679 {strides = array<i32>} : memref<5x80xi32, #tpu.memory_space<vmem>>, vector<1x16xi32>,
      %add3A_680 = arith.constant 48 : i32
      %add3A_681 = arith.addi %min3A_619, %add3A_680 : i32
      %get3A_682 = arith.index_cast %add3A_681 : i32 to index
      %get3A_683 = tpu.vector_load %arg8[%get3A_682] {strides = array<i32>} : memref<20000xi32, #tpu.memory_space<vmem>>, vector<16xi32>,
      %get3A_684 = vector.shape_cast %get3A_683 : vector<16xi32> to vector<16xi32>
      %sub3A_685 = vector.broadcast %mul3A_82 : i32 to vector<16xi32>
      %sub3A_686 = arith.subi %get3A_684, %sub3A_685 : vector<16xi32>
      %ge3A_687 = arith.constant 0 : i32
      %ge3A_688 = vector.broadcast %ge3A_687 : i32 to vector<16xi32>
      %ge3A_689 = arith.cmpi sge, %sub3A_686, %ge3A_688 : vector<16xi32>
      %lt3A_690 = vector.broadcast %select_n3A_614 : i32 to vector<16xi32>
      %lt3A_691 = arith.cmpi slt, %sub3A_686, %lt3A_690 : vector<16xi32>
      %and3A_692 = arith.andi %ge3A_689, %lt3A_691 : vector<16xi1>
      %select_n3A_693 = arith.select %and3A_692, %sub3A_686, %broadcast_in_dim3A_83 : vector<16xi1>, vector<16xi32>
      %swap3A_694 = arith.constant 3 : i32
      %swap3A_695 = arith.index_cast %swap3A_694 : i32 to index
      %swap3A_696 = arith.constant 48 : index
      %swap3A_697 = tpu.vector_load %arg9[%swap3A_695, %swap3A_696] {strides = array<i32>} : memref<5x80xi32, #tpu.memory_space<vmem>>, vector<1x16xi32>,
      %swap3A_698 = vector.shape_cast %swap3A_697 : vector<1x16xi32> to vector<16xi32>
      %swap3A_699 = vector.shape_cast %select_n3A_693 : vector<16xi32> to vector<1x16xi32>
      tpu.vector_store %arg9[%swap3A_695, %swap3A_696], %swap3A_699 {strides = array<i32>} : memref<5x80xi32, #tpu.memory_space<vmem>>, vector<1x16xi32>,
      %add3A_700 = arith.constant 64 : i32
      %add3A_701 = arith.addi %min3A_619, %add3A_700 : i32
      %get3A_702 = arith.index_cast %add3A_701 : i32 to index
      %get3A_703 = tpu.vector_load %arg8[%get3A_702] {strides = array<i32>} : memref<20000xi32, #tpu.memory_space<vmem>>, vector<16xi32>,
      %get3A_704 = vector.shape_cast %get3A_703 : vector<16xi32> to vector<16xi32>
      %sub3A_705 = vector.broadcast %mul3A_82 : i32 to vector<16xi32>
      %sub3A_706 = arith.subi %get3A_704, %sub3A_705 : vector<16xi32>
      %ge3A_707 = arith.constant 0 : i32
      %ge3A_708 = vector.broadcast %ge3A_707 : i32 to vector<16xi32>
      %ge3A_709 = arith.cmpi sge, %sub3A_706, %ge3A_708 : vector<16xi32>
      %lt3A_710 = vector.broadcast %select_n3A_614 : i32 to vector<16xi32>
      %lt3A_711 = arith.cmpi slt, %sub3A_706, %lt3A_710 : vector<16xi32>
      %and3A_712 = arith.andi %ge3A_709, %lt3A_711 : vector<16xi1>
      %select_n3A_713 = arith.select %and3A_712, %sub3A_706, %broadcast_in_dim3A_83 : vector<16xi1>, vector<16xi32>
      %swap3A_714 = arith.constant 3 : i32
      %swap3A_715 = arith.index_cast %swap3A_714 : i32 to index
      %swap3A_716 = arith.constant 64 : index
      %swap3A_717 = tpu.vector_load %arg9[%swap3A_715, %swap3A_716] {strides = array<i32>} : memref<5x80xi32, #tpu.memory_space<vmem>>, vector<1x16xi32>,
      %swap3A_718 = vector.shape_cast %swap3A_717 : vector<1x16xi32> to vector<16xi32>
      %swap3A_719 = vector.shape_cast %select_n3A_713 : vector<16xi32> to vector<1x16xi32>
      tpu.vector_store %arg9[%swap3A_715, %swap3A_716], %swap3A_719 {strides = array<i32>} : memref<5x80xi32, #tpu.memory_space<vmem>>, vector<1x16xi32>,
      %dma_wait3A_720 = arith.constant 0 : i32
      %dma_wait3A_721 = arith.constant 0 : i32
      %dma_wait3A_722 = tpu.memref_slice %arg2[%dma_wait3A_720, %dma_wait3A_721] : memref<320000x128xf32, #tpu.memory_space<hbm>> -> memref<80x128xf32, #tpu.memory_space<hbm>>
      %dma_wait3A_723 = arith.constant 0 : i32
      %dma_wait3A_724 = arith.constant 0 : i32
      %dma_wait3A_725 = tpu.memref_slice %arg2[%dma_wait3A_723, %dma_wait3A_724] : memref<320000x128xf32, #tpu.memory_space<hbm>> -> memref<80x128xf32, #tpu.memory_space<hbm>>
      tpu.wait_dma2 semaphore(%arg20 : memref<!tpu.dma_semaphore, #tpu.memory_space<semaphore_mem>>) src(%dma_wait3A_725 : memref<80x128xf32, #tpu.memory_space<hbm>>) dst(%arg13 : memref<80x128xf32, #tpu.memory_space<vmem>>)
      %dma_start3A_726 = arith.constant 3 : i32
      %dma_start3A_727 = arith.constant 0 : i32
      %dma_start3A_728 = tpu.memref_slice %arg9[%dma_start3A_726, %dma_start3A_727] : memref<5x80xi32, #tpu.memory_space<vmem>> -> memref<1x80xi32, #tpu.memory_space<vmem>>
      %dma_start3A_729 = tpu.memref_squeeze %dma_start3A_728 : memref<1x80xi32, #tpu.memory_space<vmem>> -> memref<80xi32, #tpu.memory_space<vmem>>
      %dma_start3A_730 = arith.constant 0 : i32
      %dma_start3A_731 = arith.constant 0 : i32
      %dma_start3A_732 = tpu.memref_slice %arg16[%dma_start3A_730, %dma_start3A_731] : memref<5008x128xf32, #tpu.memory_space<vmem_shared>> -> memref<5008x128xf32, #tpu.memory_space<vmem_shared>>
      tpu.enqueue_indirect_dma source(%arg13 : memref<80x128xf32, #tpu.memory_space<vmem>>) target(%dma_start3A_732 : memref<5008x128xf32, #tpu.memory_space<vmem_shared>>) offsets(%dma_start3A_729 : memref<80xi32, #tpu.memory_space<vmem>>) semaphore(%arg25 : memref<!tpu.dma_semaphore, #tpu.memory_space<semaphore_mem>>) {add = true}
      %mul3A_733 = arith.constant 5 : i32
      %mul3A_734 = arith.muli %mul3A_733, %while3A_187 : i32
      %add3A_735 = arith.constant 4 : i32
      %add3A_736 = arith.addi %mul3A_734, %add3A_735 : i32
      %ge3A_737 = arith.constant 3 : i32
      %ge3A_738 = arith.cmpi sge, %add3A_736, %ge3A_737 : i32
      %convert_element_type3A_739 = arith.extui %ge3A_738 : i1 to i32
      %cond3A_740 = arith.constant 0 : i32
      %cond3A_741 = arith.cmpi ne, %convert_element_type3A_739, %cond3A_740 : i32
      scf.if %cond3A_741 {
        %dma_wait3A_870 = arith.constant 0 : i32
        %dma_wait3A_871 = arith.constant 0 : i32
        %dma_wait3A_872 = tpu.memref_slice %arg2[%dma_wait3A_870, %dma_wait3A_871] : memref<320000x128xf32, #tpu.memory_space<hbm>> -> memref<80x128xf32, #tpu.memory_space<hbm>>
        %dma_wait3A_873 = arith.constant 0 : i32
        %dma_wait3A_874 = arith.constant 0 : i32
        %dma_wait3A_875 = tpu.memref_slice %arg2[%dma_wait3A_873, %dma_wait3A_874] : memref<320000x128xf32, #tpu.memory_space<hbm>> -> memref<80x128xf32, #tpu.memory_space<hbm>>
        tpu.wait_dma2 semaphore(%arg23 : memref<!tpu.dma_semaphore, #tpu.memory_space<semaphore_mem>>) src(%dma_wait3A_875 : memref<80x128xf32, #tpu.memory_space<hbm>>) dst(%arg11 : memref<80x128xf32, #tpu.memory_space<vmem>>)
      } else {
      }
      %add3A_742 = arith.constant 2 : i32
      %add3A_743 = arith.addi %add3A_736, %add3A_742 : i32
      %lt3A_744 = arith.cmpi slt, %add3A_743, %mul3A_85 : i32
      %convert_element_type3A_745 = arith.extui %lt3A_744 : i1 to i32
      %cond3A_746 = arith.constant 0 : i32
      %cond3A_747 = arith.cmpi ne, %convert_element_type3A_745, %cond3A_746 : i32
      scf.if %cond3A_747 {
        %add3A_870 = arith.constant 2 : i32
        %add3A_871 = arith.addi %add3A_736, %add3A_870 : i32
        %add3A_872 = arith.addi %select_n3A_13, %add3A_871 : i32
        %min3A_873 = arith.constant 3999 : i32
        %min3A_874 = arith.minsi %add3A_872, %min3A_873 : i32
        %mul3A_875 = arith.constant 80 : i32
        %mul3A_876 = arith.muli %min3A_874, %mul3A_875 : i32
        %dma_start3A_877 = arith.constant 0 : i32
        %dma_start3A_878 = tpu.memref_slice %arg2[%mul3A_876, %dma_start3A_877] : memref<320000x128xf32, #tpu.memory_space<hbm>> -> memref<80x128xf32, #tpu.memory_space<hbm>>
        %dma_start3A_879 = arith.constant 0 : i32
        %dma_start3A_880 = tpu.memref_slice %arg2[%mul3A_876, %dma_start3A_879] : memref<320000x128xf32, #tpu.memory_space<hbm>> -> memref<80x128xf32, #tpu.memory_space<hbm>>
        tpu.enqueue_dma source(%dma_start3A_880 : memref<80x128xf32, #tpu.memory_space<hbm>>) target(%arg11 : memref<80x128xf32, #tpu.memory_space<vmem>>) target_semaphore(%arg18 : memref<!tpu.dma_semaphore, #tpu.memory_space<semaphore_mem>>)
      } else {
      }
      %lt3A_748 = arith.cmpi slt, %add3A_736, %select_n3A : i32
      %select_n3A_749 = arith.constant 0 : i32
      %select_n3A_750 = arith.constant 5000 : i32
      %select_n3A_751 = arith.select %lt3A_748, %select_n3A_750, %select_n3A_749 : i32
      %mul3A_752 = arith.constant 80 : i32
      %mul3A_753 = arith.muli %add3A_736, %mul3A_752 : i32
      %add3A_754 = arith.addi %select_n3A_27, %mul3A_753 : i32
      %min3A_755 = arith.constant 19920 : i32
      %min3A_756 = arith.minsi %add3A_754, %min3A_755 : i32
      %add3A_757 = arith.constant 0 : i32
      %add3A_758 = arith.addi %min3A_756, %add3A_757 : i32
      %get3A_759 = arith.index_cast %add3A_758 : i32 to index
      %get3A_760 = tpu.vector_load %arg8[%get3A_759] {strides = array<i32>} : memref<20000xi32, #tpu.memory_space<vmem>>, vector<16xi32>,
      %get3A_761 = vector.shape_cast %get3A_760 : vector<16xi32> to vector<16xi32>
      %sub3A_762 = vector.broadcast %mul3A_82 : i32 to vector<16xi32>
      %sub3A_763 = arith.subi %get3A_761, %sub3A_762 : vector<16xi32>
      %ge3A_764 = arith.constant 0 : i32
      %ge3A_765 = vector.broadcast %ge3A_764 : i32 to vector<16xi32>
      %ge3A_766 = arith.cmpi sge, %sub3A_763, %ge3A_765 : vector<16xi32>
      %lt3A_767 = vector.broadcast %select_n3A_751 : i32 to vector<16xi32>
      %lt3A_768 = arith.cmpi slt, %sub3A_763, %lt3A_767 : vector<16xi32>
      %and3A_769 = arith.andi %ge3A_766, %lt3A_768 : vector<16xi1>
      %select_n3A_770 = arith.select %and3A_769, %sub3A_763, %broadcast_in_dim3A_83 : vector<16xi1>, vector<16xi32>
      %swap3A_771 = arith.constant 4 : i32
      %swap3A_772 = arith.index_cast %swap3A_771 : i32 to index
      %swap3A_773 = arith.constant 0 : index
      %swap3A_774 = tpu.vector_load %arg9[%swap3A_772, %swap3A_773] {strides = array<i32>} : memref<5x80xi32, #tpu.memory_space<vmem>>, vector<1x16xi32>,
      %swap3A_775 = vector.shape_cast %swap3A_774 : vector<1x16xi32> to vector<16xi32>
      %swap3A_776 = vector.shape_cast %select_n3A_770 : vector<16xi32> to vector<1x16xi32>
      tpu.vector_store %arg9[%swap3A_772, %swap3A_773], %swap3A_776 {strides = array<i32>} : memref<5x80xi32, #tpu.memory_space<vmem>>, vector<1x16xi32>,
      %add3A_777 = arith.constant 16 : i32
      %add3A_778 = arith.addi %min3A_756, %add3A_777 : i32
      %get3A_779 = arith.index_cast %add3A_778 : i32 to index
      %get3A_780 = tpu.vector_load %arg8[%get3A_779] {strides = array<i32>} : memref<20000xi32, #tpu.memory_space<vmem>>, vector<16xi32>,
      %get3A_781 = vector.shape_cast %get3A_780 : vector<16xi32> to vector<16xi32>
      %sub3A_782 = vector.broadcast %mul3A_82 : i32 to vector<16xi32>
      %sub3A_783 = arith.subi %get3A_781, %sub3A_782 : vector<16xi32>
      %ge3A_784 = arith.constant 0 : i32
      %ge3A_785 = vector.broadcast %ge3A_784 : i32 to vector<16xi32>
      %ge3A_786 = arith.cmpi sge, %sub3A_783, %ge3A_785 : vector<16xi32>
      %lt3A_787 = vector.broadcast %select_n3A_751 : i32 to vector<16xi32>
      %lt3A_788 = arith.cmpi slt, %sub3A_783, %lt3A_787 : vector<16xi32>
      %and3A_789 = arith.andi %ge3A_786, %lt3A_788 : vector<16xi1>
      %select_n3A_790 = arith.select %and3A_789, %sub3A_783, %broadcast_in_dim3A_83 : vector<16xi1>, vector<16xi32>
      %swap3A_791 = arith.constant 4 : i32
      %swap3A_792 = arith.index_cast %swap3A_791 : i32 to index
      %swap3A_793 = arith.constant 16 : index
      %swap3A_794 = tpu.vector_load %arg9[%swap3A_792, %swap3A_793] {strides = array<i32>} : memref<5x80xi32, #tpu.memory_space<vmem>>, vector<1x16xi32>,
      %swap3A_795 = vector.shape_cast %swap3A_794 : vector<1x16xi32> to vector<16xi32>
      %swap3A_796 = vector.shape_cast %select_n3A_790 : vector<16xi32> to vector<1x16xi32>
      tpu.vector_store %arg9[%swap3A_792, %swap3A_793], %swap3A_796 {strides = array<i32>} : memref<5x80xi32, #tpu.memory_space<vmem>>, vector<1x16xi32>,
      %add3A_797 = arith.constant 32 : i32
      %add3A_798 = arith.addi %min3A_756, %add3A_797 : i32
      %get3A_799 = arith.index_cast %add3A_798 : i32 to index
      %get3A_800 = tpu.vector_load %arg8[%get3A_799] {strides = array<i32>} : memref<20000xi32, #tpu.memory_space<vmem>>, vector<16xi32>,
      %get3A_801 = vector.shape_cast %get3A_800 : vector<16xi32> to vector<16xi32>
      %sub3A_802 = vector.broadcast %mul3A_82 : i32 to vector<16xi32>
      %sub3A_803 = arith.subi %get3A_801, %sub3A_802 : vector<16xi32>
      %ge3A_804 = arith.constant 0 : i32
      %ge3A_805 = vector.broadcast %ge3A_804 : i32 to vector<16xi32>
      %ge3A_806 = arith.cmpi sge, %sub3A_803, %ge3A_805 : vector<16xi32>
      %lt3A_807 = vector.broadcast %select_n3A_751 : i32 to vector<16xi32>
      %lt3A_808 = arith.cmpi slt, %sub3A_803, %lt3A_807 : vector<16xi32>
      %and3A_809 = arith.andi %ge3A_806, %lt3A_808 : vector<16xi1>
      %select_n3A_810 = arith.select %and3A_809, %sub3A_803, %broadcast_in_dim3A_83 : vector<16xi1>, vector<16xi32>
      %swap3A_811 = arith.constant 4 : i32
      %swap3A_812 = arith.index_cast %swap3A_811 : i32 to index
      %swap3A_813 = arith.constant 32 : index
      %swap3A_814 = tpu.vector_load %arg9[%swap3A_812, %swap3A_813] {strides = array<i32>} : memref<5x80xi32, #tpu.memory_space<vmem>>, vector<1x16xi32>,
      %swap3A_815 = vector.shape_cast %swap3A_814 : vector<1x16xi32> to vector<16xi32>
      %swap3A_816 = vector.shape_cast %select_n3A_810 : vector<16xi32> to vector<1x16xi32>
      tpu.vector_store %arg9[%swap3A_812, %swap3A_813], %swap3A_816 {strides = array<i32>} : memref<5x80xi32, #tpu.memory_space<vmem>>, vector<1x16xi32>,
      %add3A_817 = arith.constant 48 : i32
      %add3A_818 = arith.addi %min3A_756, %add3A_817 : i32
      %get3A_819 = arith.index_cast %add3A_818 : i32 to index
      %get3A_820 = tpu.vector_load %arg8[%get3A_819] {strides = array<i32>} : memref<20000xi32, #tpu.memory_space<vmem>>, vector<16xi32>,
      %get3A_821 = vector.shape_cast %get3A_820 : vector<16xi32> to vector<16xi32>
      %sub3A_822 = vector.broadcast %mul3A_82 : i32 to vector<16xi32>
      %sub3A_823 = arith.subi %get3A_821, %sub3A_822 : vector<16xi32>
      %ge3A_824 = arith.constant 0 : i32
      %ge3A_825 = vector.broadcast %ge3A_824 : i32 to vector<16xi32>
      %ge3A_826 = arith.cmpi sge, %sub3A_823, %ge3A_825 : vector<16xi32>
      %lt3A_827 = vector.broadcast %select_n3A_751 : i32 to vector<16xi32>
      %lt3A_828 = arith.cmpi slt, %sub3A_823, %lt3A_827 : vector<16xi32>
      %and3A_829 = arith.andi %ge3A_826, %lt3A_828 : vector<16xi1>
      %select_n3A_830 = arith.select %and3A_829, %sub3A_823, %broadcast_in_dim3A_83 : vector<16xi1>, vector<16xi32>
      %swap3A_831 = arith.constant 4 : i32
      %swap3A_832 = arith.index_cast %swap3A_831 : i32 to index
      %swap3A_833 = arith.constant 48 : index
      %swap3A_834 = tpu.vector_load %arg9[%swap3A_832, %swap3A_833] {strides = array<i32>} : memref<5x80xi32, #tpu.memory_space<vmem>>, vector<1x16xi32>,
      %swap3A_835 = vector.shape_cast %swap3A_834 : vector<1x16xi32> to vector<16xi32>
      %swap3A_836 = vector.shape_cast %select_n3A_830 : vector<16xi32> to vector<1x16xi32>
      tpu.vector_store %arg9[%swap3A_832, %swap3A_833], %swap3A_836 {strides = array<i32>} : memref<5x80xi32, #tpu.memory_space<vmem>>, vector<1x16xi32>,
      %add3A_837 = arith.constant 64 : i32
      %add3A_838 = arith.addi %min3A_756, %add3A_837 : i32
      %get3A_839 = arith.index_cast %add3A_838 : i32 to index
      %get3A_840 = tpu.vector_load %arg8[%get3A_839] {strides = array<i32>} : memref<20000xi32, #tpu.memory_space<vmem>>, vector<16xi32>,
      %get3A_841 = vector.shape_cast %get3A_840 : vector<16xi32> to vector<16xi32>
      %sub3A_842 = vector.broadcast %mul3A_82 : i32 to vector<16xi32>
      %sub3A_843 = arith.subi %get3A_841, %sub3A_842 : vector<16xi32>
      %ge3A_844 = arith.constant 0 : i32
      %ge3A_845 = vector.broadcast %ge3A_844 : i32 to vector<16xi32>
      %ge3A_846 = arith.cmpi sge, %sub3A_843, %ge3A_845 : vector<16xi32>
      %lt3A_847 = vector.broadcast %select_n3A_751 : i32 to vector<16xi32>
      %lt3A_848 = arith.cmpi slt, %sub3A_843, %lt3A_847 : vector<16xi32>
      %and3A_849 = arith.andi %ge3A_846, %lt3A_848 : vector<16xi1>
      %select_n3A_850 = arith.select %and3A_849, %sub3A_843, %broadcast_in_dim3A_83 : vector<16xi1>, vector<16xi32>
      %swap3A_851 = arith.constant 4 : i32
      %swap3A_852 = arith.index_cast %swap3A_851 : i32 to index
      %swap3A_853 = arith.constant 64 : index
      %swap3A_854 = tpu.vector_load %arg9[%swap3A_852, %swap3A_853] {strides = array<i32>} : memref<5x80xi32, #tpu.memory_space<vmem>>, vector<1x16xi32>,
      %swap3A_855 = vector.shape_cast %swap3A_854 : vector<1x16xi32> to vector<16xi32>
      %swap3A_856 = vector.shape_cast %select_n3A_850 : vector<16xi32> to vector<1x16xi32>
      tpu.vector_store %arg9[%swap3A_852, %swap3A_853], %swap3A_856 {strides = array<i32>} : memref<5x80xi32, #tpu.memory_space<vmem>>, vector<1x16xi32>,
      %dma_wait3A_857 = arith.constant 0 : i32
      %dma_wait3A_858 = arith.constant 0 : i32
      %dma_wait3A_859 = tpu.memref_slice %arg2[%dma_wait3A_857, %dma_wait3A_858] : memref<320000x128xf32, #tpu.memory_space<hbm>> -> memref<80x128xf32, #tpu.memory_space<hbm>>
      %dma_wait3A_860 = arith.constant 0 : i32
      %dma_wait3A_861 = arith.constant 0 : i32
      %dma_wait3A_862 = tpu.memref_slice %arg2[%dma_wait3A_860, %dma_wait3A_861] : memref<320000x128xf32, #tpu.memory_space<hbm>> -> memref<80x128xf32, #tpu.memory_space<hbm>>
      tpu.wait_dma2 semaphore(%arg21 : memref<!tpu.dma_semaphore, #tpu.memory_space<semaphore_mem>>) src(%dma_wait3A_862 : memref<80x128xf32, #tpu.memory_space<hbm>>) dst(%arg14 : memref<80x128xf32, #tpu.memory_space<vmem>>)
      %dma_start3A_863 = arith.constant 4 : i32
      %dma_start3A_864 = arith.constant 0 : i32
      %dma_start3A_865 = tpu.memref_slice %arg9[%dma_start3A_863, %dma_start3A_864] : memref<5x80xi32, #tpu.memory_space<vmem>> -> memref<1x80xi32, #tpu.memory_space<vmem>>
      %dma_start3A_866 = tpu.memref_squeeze %dma_start3A_865 : memref<1x80xi32, #tpu.memory_space<vmem>> -> memref<80xi32, #tpu.memory_space<vmem>>
      %dma_start3A_867 = arith.constant 0 : i32
      %dma_start3A_868 = arith.constant 0 : i32
      %dma_start3A_869 = tpu.memref_slice %arg16[%dma_start3A_867, %dma_start3A_868] : memref<5008x128xf32, #tpu.memory_space<vmem_shared>> -> memref<5008x128xf32, #tpu.memory_space<vmem_shared>>
      tpu.enqueue_indirect_dma source(%arg14 : memref<80x128xf32, #tpu.memory_space<vmem>>) target(%dma_start3A_869 : memref<5008x128xf32, #tpu.memory_space<vmem_shared>>) offsets(%dma_start3A_866 : memref<80xi32, #tpu.memory_space<vmem>>) semaphore(%arg26 : memref<!tpu.dma_semaphore, #tpu.memory_space<semaphore_mem>>) {add = true}
    }
    %while3A_112 = arith.constant 1 : i32
    scf.for %while3A_187 = %while3A_110 to %while3A_106 step %while3A_112  : i32 {
      %mul3A_188 = arith.constant 5 : i32
      %mul3A_189 = arith.muli %mul3A_188, %while3A_187 : i32
      %add3A_190 = arith.constant 0 : i32
      %add3A_191 = arith.addi %mul3A_189, %add3A_190 : i32
      %ge3A = arith.constant 3 : i32
      %ge3A_192 = arith.cmpi sge, %add3A_191, %ge3A : i32
      %convert_element_type3A_193 = arith.extui %ge3A_192 : i1 to i32
      %cond3A_194 = arith.constant 0 : i32
      %cond3A_195 = arith.cmpi ne, %convert_element_type3A_193, %cond3A_194 : i32
      scf.if %cond3A_195 {
        %dma_wait3A_870 = arith.constant 0 : i32
        %dma_wait3A_871 = arith.constant 0 : i32
        %dma_wait3A_872 = tpu.memref_slice %arg2[%dma_wait3A_870, %dma_wait3A_871] : memref<320000x128xf32, #tpu.memory_space<hbm>> -> memref<80x128xf32, #tpu.memory_space<hbm>>
        %dma_wait3A_873 = arith.constant 0 : i32
        %dma_wait3A_874 = arith.constant 0 : i32
        %dma_wait3A_875 = tpu.memref_slice %arg2[%dma_wait3A_873, %dma_wait3A_874] : memref<320000x128xf32, #tpu.memory_space<hbm>> -> memref<80x128xf32, #tpu.memory_space<hbm>>
        tpu.wait_dma2 semaphore(%arg24 : memref<!tpu.dma_semaphore, #tpu.memory_space<semaphore_mem>>) src(%dma_wait3A_875 : memref<80x128xf32, #tpu.memory_space<hbm>>) dst(%arg12 : memref<80x128xf32, #tpu.memory_space<vmem>>)
      } else {
      }
      %add3A_196 = arith.constant 2 : i32
      %add3A_197 = arith.addi %add3A_191, %add3A_196 : i32
      %lt3A_198 = arith.cmpi slt, %add3A_197, %mul3A_85 : i32
      %convert_element_type3A_199 = arith.extui %lt3A_198 : i1 to i32
      %cond3A_200 = arith.constant 0 : i32
      %cond3A_201 = arith.cmpi ne, %convert_element_type3A_199, %cond3A_200 : i32
      scf.if %cond3A_201 {
        %add3A_870 = arith.constant 2 : i32
        %add3A_871 = arith.addi %add3A_191, %add3A_870 : i32
        %add3A_872 = arith.addi %select_n3A_13, %add3A_871 : i32
        %min3A_873 = arith.constant 3999 : i32
        %min3A_874 = arith.minsi %add3A_872, %min3A_873 : i32
        %mul3A_875 = arith.constant 80 : i32
        %mul3A_876 = arith.muli %min3A_874, %mul3A_875 : i32
        %dma_start3A_877 = arith.constant 0 : i32
        %dma_start3A_878 = tpu.memref_slice %arg2[%mul3A_876, %dma_start3A_877] : memref<320000x128xf32, #tpu.memory_space<hbm>> -> memref<80x128xf32, #tpu.memory_space<hbm>>
        %dma_start3A_879 = arith.constant 0 : i32
        %dma_start3A_880 = tpu.memref_slice %arg2[%mul3A_876, %dma_start3A_879] : memref<320000x128xf32, #tpu.memory_space<hbm>> -> memref<80x128xf32, #tpu.memory_space<hbm>>
        tpu.enqueue_dma source(%dma_start3A_880 : memref<80x128xf32, #tpu.memory_space<hbm>>) target(%arg12 : memref<80x128xf32, #tpu.memory_space<vmem>>) target_semaphore(%arg19 : memref<!tpu.dma_semaphore, #tpu.memory_space<semaphore_mem>>)
      } else {
      }
      %lt3A_202 = arith.cmpi slt, %add3A_191, %select_n3A : i32
      %select_n3A_203 = arith.constant 0 : i32
      %select_n3A_204 = arith.constant 5000 : i32
      %select_n3A_205 = arith.select %lt3A_202, %select_n3A_204, %select_n3A_203 : i32
      %mul3A_206 = arith.constant 80 : i32
      %mul3A_207 = arith.muli %add3A_191, %mul3A_206 : i32
      %add3A_208 = arith.addi %select_n3A_27, %mul3A_207 : i32
      %min3A_209 = arith.constant 19920 : i32
      %min3A_210 = arith.minsi %add3A_208, %min3A_209 : i32
      %add3A_211 = arith.constant 0 : i32
      %add3A_212 = arith.addi %min3A_210, %add3A_211 : i32
      %get3A_213 = arith.index_cast %add3A_212 : i32 to index
      %get3A_214 = tpu.vector_load %arg8[%get3A_213] {strides = array<i32>} : memref<20000xi32, #tpu.memory_space<vmem>>, vector<16xi32>,
      %get3A_215 = vector.shape_cast %get3A_214 : vector<16xi32> to vector<16xi32>
      %sub3A_216 = vector.broadcast %mul3A_82 : i32 to vector<16xi32>
      %sub3A_217 = arith.subi %get3A_215, %sub3A_216 : vector<16xi32>
      %ge3A_218 = arith.constant 0 : i32
      %ge3A_219 = vector.broadcast %ge3A_218 : i32 to vector<16xi32>
      %ge3A_220 = arith.cmpi sge, %sub3A_217, %ge3A_219 : vector<16xi32>
      %lt3A_221 = vector.broadcast %select_n3A_205 : i32 to vector<16xi32>
      %lt3A_222 = arith.cmpi slt, %sub3A_217, %lt3A_221 : vector<16xi32>
      %and3A = arith.andi %ge3A_220, %lt3A_222 : vector<16xi1>
      %select_n3A_223 = arith.select %and3A, %sub3A_217, %broadcast_in_dim3A_83 : vector<16xi1>, vector<16xi32>
      %swap3A = arith.constant 0 : i32
      %swap3A_224 = arith.index_cast %swap3A : i32 to index
      %swap3A_225 = arith.constant 0 : index
      %swap3A_226 = tpu.vector_load %arg9[%swap3A_224, %swap3A_225] {strides = array<i32>} : memref<5x80xi32, #tpu.memory_space<vmem>>, vector<1x16xi32>,
      %swap3A_227 = vector.shape_cast %swap3A_226 : vector<1x16xi32> to vector<16xi32>
      %swap3A_228 = vector.shape_cast %select_n3A_223 : vector<16xi32> to vector<1x16xi32>
      tpu.vector_store %arg9[%swap3A_224, %swap3A_225], %swap3A_228 {strides = array<i32>} : memref<5x80xi32, #tpu.memory_space<vmem>>, vector<1x16xi32>,
      %add3A_229 = arith.constant 16 : i32
      %add3A_230 = arith.addi %min3A_210, %add3A_229 : i32
      %get3A_231 = arith.index_cast %add3A_230 : i32 to index
      %get3A_232 = tpu.vector_load %arg8[%get3A_231] {strides = array<i32>} : memref<20000xi32, #tpu.memory_space<vmem>>, vector<16xi32>,
      %get3A_233 = vector.shape_cast %get3A_232 : vector<16xi32> to vector<16xi32>
      %sub3A_234 = vector.broadcast %mul3A_82 : i32 to vector<16xi32>
      %sub3A_235 = arith.subi %get3A_233, %sub3A_234 : vector<16xi32>
      %ge3A_236 = arith.constant 0 : i32
      %ge3A_237 = vector.broadcast %ge3A_236 : i32 to vector<16xi32>
      %ge3A_238 = arith.cmpi sge, %sub3A_235, %ge3A_237 : vector<16xi32>
      %lt3A_239 = vector.broadcast %select_n3A_205 : i32 to vector<16xi32>
      %lt3A_240 = arith.cmpi slt, %sub3A_235, %lt3A_239 : vector<16xi32>
      %and3A_241 = arith.andi %ge3A_238, %lt3A_240 : vector<16xi1>
      %select_n3A_242 = arith.select %and3A_241, %sub3A_235, %broadcast_in_dim3A_83 : vector<16xi1>, vector<16xi32>
      %swap3A_243 = arith.constant 0 : i32
      %swap3A_244 = arith.index_cast %swap3A_243 : i32 to index
      %swap3A_245 = arith.constant 16 : index
      %swap3A_246 = tpu.vector_load %arg9[%swap3A_244, %swap3A_245] {strides = array<i32>} : memref<5x80xi32, #tpu.memory_space<vmem>>, vector<1x16xi32>,
      %swap3A_247 = vector.shape_cast %swap3A_246 : vector<1x16xi32> to vector<16xi32>
      %swap3A_248 = vector.shape_cast %select_n3A_242 : vector<16xi32> to vector<1x16xi32>
      tpu.vector_store %arg9[%swap3A_244, %swap3A_245], %swap3A_248 {strides = array<i32>} : memref<5x80xi32, #tpu.memory_space<vmem>>, vector<1x16xi32>,
      %add3A_249 = arith.constant 32 : i32
      %add3A_250 = arith.addi %min3A_210, %add3A_249 : i32
      %get3A_251 = arith.index_cast %add3A_250 : i32 to index
      %get3A_252 = tpu.vector_load %arg8[%get3A_251] {strides = array<i32>} : memref<20000xi32, #tpu.memory_space<vmem>>, vector<16xi32>,
      %get3A_253 = vector.shape_cast %get3A_252 : vector<16xi32> to vector<16xi32>
      %sub3A_254 = vector.broadcast %mul3A_82 : i32 to vector<16xi32>
      %sub3A_255 = arith.subi %get3A_253, %sub3A_254 : vector<16xi32>
      %ge3A_256 = arith.constant 0 : i32
      %ge3A_257 = vector.broadcast %ge3A_256 : i32 to vector<16xi32>
      %ge3A_258 = arith.cmpi sge, %sub3A_255, %ge3A_257 : vector<16xi32>
      %lt3A_259 = vector.broadcast %select_n3A_205 : i32 to vector<16xi32>
      %lt3A_260 = arith.cmpi slt, %sub3A_255, %lt3A_259 : vector<16xi32>
      %and3A_261 = arith.andi %ge3A_258, %lt3A_260 : vector<16xi1>
      %select_n3A_262 = arith.select %and3A_261, %sub3A_255, %broadcast_in_dim3A_83 : vector<16xi1>, vector<16xi32>
      %swap3A_263 = arith.constant 0 : i32
      %swap3A_264 = arith.index_cast %swap3A_263 : i32 to index
      %swap3A_265 = arith.constant 32 : index
      %swap3A_266 = tpu.vector_load %arg9[%swap3A_264, %swap3A_265] {strides = array<i32>} : memref<5x80xi32, #tpu.memory_space<vmem>>, vector<1x16xi32>,
      %swap3A_267 = vector.shape_cast %swap3A_266 : vector<1x16xi32> to vector<16xi32>
      %swap3A_268 = vector.shape_cast %select_n3A_262 : vector<16xi32> to vector<1x16xi32>
      tpu.vector_store %arg9[%swap3A_264, %swap3A_265], %swap3A_268 {strides = array<i32>} : memref<5x80xi32, #tpu.memory_space<vmem>>, vector<1x16xi32>,
      %add3A_269 = arith.constant 48 : i32
      %add3A_270 = arith.addi %min3A_210, %add3A_269 : i32
      %get3A_271 = arith.index_cast %add3A_270 : i32 to index
      %get3A_272 = tpu.vector_load %arg8[%get3A_271] {strides = array<i32>} : memref<20000xi32, #tpu.memory_space<vmem>>, vector<16xi32>,
      %get3A_273 = vector.shape_cast %get3A_272 : vector<16xi32> to vector<16xi32>
      %sub3A_274 = vector.broadcast %mul3A_82 : i32 to vector<16xi32>
      %sub3A_275 = arith.subi %get3A_273, %sub3A_274 : vector<16xi32>
      %ge3A_276 = arith.constant 0 : i32
      %ge3A_277 = vector.broadcast %ge3A_276 : i32 to vector<16xi32>
      %ge3A_278 = arith.cmpi sge, %sub3A_275, %ge3A_277 : vector<16xi32>
      %lt3A_279 = vector.broadcast %select_n3A_205 : i32 to vector<16xi32>
      %lt3A_280 = arith.cmpi slt, %sub3A_275, %lt3A_279 : vector<16xi32>
      %and3A_281 = arith.andi %ge3A_278, %lt3A_280 : vector<16xi1>
      %select_n3A_282 = arith.select %and3A_281, %sub3A_275, %broadcast_in_dim3A_83 : vector<16xi1>, vector<16xi32>
      %swap3A_283 = arith.constant 0 : i32
      %swap3A_284 = arith.index_cast %swap3A_283 : i32 to index
      %swap3A_285 = arith.constant 48 : index
      %swap3A_286 = tpu.vector_load %arg9[%swap3A_284, %swap3A_285] {strides = array<i32>} : memref<5x80xi32, #tpu.memory_space<vmem>>, vector<1x16xi32>,
      %swap3A_287 = vector.shape_cast %swap3A_286 : vector<1x16xi32> to vector<16xi32>
      %swap3A_288 = vector.shape_cast %select_n3A_282 : vector<16xi32> to vector<1x16xi32>
      tpu.vector_store %arg9[%swap3A_284, %swap3A_285], %swap3A_288 {strides = array<i32>} : memref<5x80xi32, #tpu.memory_space<vmem>>, vector<1x16xi32>,
      %add3A_289 = arith.constant 64 : i32
      %add3A_290 = arith.addi %min3A_210, %add3A_289 : i32
      %get3A_291 = arith.index_cast %add3A_290 : i32 to index
      %get3A_292 = tpu.vector_load %arg8[%get3A_291] {strides = array<i32>} : memref<20000xi32, #tpu.memory_space<vmem>>, vector<16xi32>,
      %get3A_293 = vector.shape_cast %get3A_292 : vector<16xi32> to vector<16xi32>
      %sub3A_294 = vector.broadcast %mul3A_82 : i32 to vector<16xi32>
      %sub3A_295 = arith.subi %get3A_293, %sub3A_294 : vector<16xi32>
      %ge3A_296 = arith.constant 0 : i32
      %ge3A_297 = vector.broadcast %ge3A_296 : i32 to vector<16xi32>
      %ge3A_298 = arith.cmpi sge, %sub3A_295, %ge3A_297 : vector<16xi32>
      %lt3A_299 = vector.broadcast %select_n3A_205 : i32 to vector<16xi32>
      %lt3A_300 = arith.cmpi slt, %sub3A_295, %lt3A_299 : vector<16xi32>
      %and3A_301 = arith.andi %ge3A_298, %lt3A_300 : vector<16xi1>
      %select_n3A_302 = arith.select %and3A_301, %sub3A_295, %broadcast_in_dim3A_83 : vector<16xi1>, vector<16xi32>
      %swap3A_303 = arith.constant 0 : i32
      %swap3A_304 = arith.index_cast %swap3A_303 : i32 to index
      %swap3A_305 = arith.constant 64 : index
      %swap3A_306 = tpu.vector_load %arg9[%swap3A_304, %swap3A_305] {strides = array<i32>} : memref<5x80xi32, #tpu.memory_space<vmem>>, vector<1x16xi32>,
      %swap3A_307 = vector.shape_cast %swap3A_306 : vector<1x16xi32> to vector<16xi32>
      %swap3A_308 = vector.shape_cast %select_n3A_302 : vector<16xi32> to vector<1x16xi32>
      tpu.vector_store %arg9[%swap3A_304, %swap3A_305], %swap3A_308 {strides = array<i32>} : memref<5x80xi32, #tpu.memory_space<vmem>>, vector<1x16xi32>,
      %dma_wait3A_309 = arith.constant 0 : i32
      %dma_wait3A_310 = arith.constant 0 : i32
      %dma_wait3A_311 = tpu.memref_slice %arg2[%dma_wait3A_309, %dma_wait3A_310] : memref<320000x128xf32, #tpu.memory_space<hbm>> -> memref<80x128xf32, #tpu.memory_space<hbm>>
      %dma_wait3A_312 = arith.constant 0 : i32
      %dma_wait3A_313 = arith.constant 0 : i32
      %dma_wait3A_314 = tpu.memref_slice %arg2[%dma_wait3A_312, %dma_wait3A_313] : memref<320000x128xf32, #tpu.memory_space<hbm>> -> memref<80x128xf32, #tpu.memory_space<hbm>>
      tpu.wait_dma2 semaphore(%arg17 : memref<!tpu.dma_semaphore, #tpu.memory_space<semaphore_mem>>) src(%dma_wait3A_314 : memref<80x128xf32, #tpu.memory_space<hbm>>) dst(%arg10 : memref<80x128xf32, #tpu.memory_space<vmem>>)
      %dma_start3A_315 = arith.constant 0 : i32
      %dma_start3A_316 = arith.constant 0 : i32
      %dma_start3A_317 = tpu.memref_slice %arg9[%dma_start3A_315, %dma_start3A_316] : memref<5x80xi32, #tpu.memory_space<vmem>> -> memref<1x80xi32, #tpu.memory_space<vmem>>
      %dma_start3A_318 = tpu.memref_squeeze %dma_start3A_317 : memref<1x80xi32, #tpu.memory_space<vmem>> -> memref<80xi32, #tpu.memory_space<vmem>>
      %dma_start3A_319 = arith.constant 0 : i32
      %dma_start3A_320 = arith.constant 0 : i32
      %dma_start3A_321 = tpu.memref_slice %arg16[%dma_start3A_319, %dma_start3A_320] : memref<5008x128xf32, #tpu.memory_space<vmem_shared>> -> memref<5008x128xf32, #tpu.memory_space<vmem_shared>>
      tpu.enqueue_indirect_dma source(%arg10 : memref<80x128xf32, #tpu.memory_space<vmem>>) target(%dma_start3A_321 : memref<5008x128xf32, #tpu.memory_space<vmem_shared>>) offsets(%dma_start3A_318 : memref<80xi32, #tpu.memory_space<vmem>>) semaphore(%arg22 : memref<!tpu.dma_semaphore, #tpu.memory_space<semaphore_mem>>) {add = true}
      %mul3A_322 = arith.constant 5 : i32
      %mul3A_323 = arith.muli %mul3A_322, %while3A_187 : i32
      %add3A_324 = arith.constant 1 : i32
      %add3A_325 = arith.addi %mul3A_323, %add3A_324 : i32
      %ge3A_326 = arith.constant 3 : i32
      %ge3A_327 = arith.cmpi sge, %add3A_325, %ge3A_326 : i32
      %convert_element_type3A_328 = arith.extui %ge3A_327 : i1 to i32
      %cond3A_329 = arith.constant 0 : i32
      %cond3A_330 = arith.cmpi ne, %convert_element_type3A_328, %cond3A_329 : i32
      scf.if %cond3A_330 {
        %dma_wait3A_870 = arith.constant 0 : i32
        %dma_wait3A_871 = arith.constant 0 : i32
        %dma_wait3A_872 = tpu.memref_slice %arg2[%dma_wait3A_870, %dma_wait3A_871] : memref<320000x128xf32, #tpu.memory_space<hbm>> -> memref<80x128xf32, #tpu.memory_space<hbm>>
        %dma_wait3A_873 = arith.constant 0 : i32
        %dma_wait3A_874 = arith.constant 0 : i32
        %dma_wait3A_875 = tpu.memref_slice %arg2[%dma_wait3A_873, %dma_wait3A_874] : memref<320000x128xf32, #tpu.memory_space<hbm>> -> memref<80x128xf32, #tpu.memory_space<hbm>>
        tpu.wait_dma2 semaphore(%arg25 : memref<!tpu.dma_semaphore, #tpu.memory_space<semaphore_mem>>) src(%dma_wait3A_875 : memref<80x128xf32, #tpu.memory_space<hbm>>) dst(%arg13 : memref<80x128xf32, #tpu.memory_space<vmem>>)
      } else {
      }
      %add3A_331 = arith.constant 2 : i32
      %add3A_332 = arith.addi %add3A_325, %add3A_331 : i32
      %lt3A_333 = arith.cmpi slt, %add3A_332, %mul3A_85 : i32
      %convert_element_type3A_334 = arith.extui %lt3A_333 : i1 to i32
      %cond3A_335 = arith.constant 0 : i32
      %cond3A_336 = arith.cmpi ne, %convert_element_type3A_334, %cond3A_335 : i32
      scf.if %cond3A_336 {
        %add3A_870 = arith.constant 2 : i32
        %add3A_871 = arith.addi %add3A_325, %add3A_870 : i32
        %add3A_872 = arith.addi %select_n3A_13, %add3A_871 : i32
        %min3A_873 = arith.constant 3999 : i32
        %min3A_874 = arith.minsi %add3A_872, %min3A_873 : i32
        %mul3A_875 = arith.constant 80 : i32
        %mul3A_876 = arith.muli %min3A_874, %mul3A_875 : i32
        %dma_start3A_877 = arith.constant 0 : i32
        %dma_start3A_878 = tpu.memref_slice %arg2[%mul3A_876, %dma_start3A_877] : memref<320000x128xf32, #tpu.memory_space<hbm>> -> memref<80x128xf32, #tpu.memory_space<hbm>>
        %dma_start3A_879 = arith.constant 0 : i32
        %dma_start3A_880 = tpu.memref_slice %arg2[%mul3A_876, %dma_start3A_879] : memref<320000x128xf32, #tpu.memory_space<hbm>> -> memref<80x128xf32, #tpu.memory_space<hbm>>
        tpu.enqueue_dma source(%dma_start3A_880 : memref<80x128xf32, #tpu.memory_space<hbm>>) target(%arg13 : memref<80x128xf32, #tpu.memory_space<vmem>>) target_semaphore(%arg20 : memref<!tpu.dma_semaphore, #tpu.memory_space<semaphore_mem>>)
      } else {
      }
      %lt3A_337 = arith.cmpi slt, %add3A_325, %select_n3A : i32
      %select_n3A_338 = arith.constant 0 : i32
      %select_n3A_339 = arith.constant 5000 : i32
      %select_n3A_340 = arith.select %lt3A_337, %select_n3A_339, %select_n3A_338 : i32
      %mul3A_341 = arith.constant 80 : i32
      %mul3A_342 = arith.muli %add3A_325, %mul3A_341 : i32
      %add3A_343 = arith.addi %select_n3A_27, %mul3A_342 : i32
      %min3A_344 = arith.constant 19920 : i32
      %min3A_345 = arith.minsi %add3A_343, %min3A_344 : i32
      %add3A_346 = arith.constant 0 : i32
      %add3A_347 = arith.addi %min3A_345, %add3A_346 : i32
      %get3A_348 = arith.index_cast %add3A_347 : i32 to index
      %get3A_349 = tpu.vector_load %arg8[%get3A_348] {strides = array<i32>} : memref<20000xi32, #tpu.memory_space<vmem>>, vector<16xi32>,
      %get3A_350 = vector.shape_cast %get3A_349 : vector<16xi32> to vector<16xi32>
      %sub3A_351 = vector.broadcast %mul3A_82 : i32 to vector<16xi32>
      %sub3A_352 = arith.subi %get3A_350, %sub3A_351 : vector<16xi32>
      %ge3A_353 = arith.constant 0 : i32
      %ge3A_354 = vector.broadcast %ge3A_353 : i32 to vector<16xi32>
      %ge3A_355 = arith.cmpi sge, %sub3A_352, %ge3A_354 : vector<16xi32>
      %lt3A_356 = vector.broadcast %select_n3A_340 : i32 to vector<16xi32>
      %lt3A_357 = arith.cmpi slt, %sub3A_352, %lt3A_356 : vector<16xi32>
      %and3A_358 = arith.andi %ge3A_355, %lt3A_357 : vector<16xi1>
      %select_n3A_359 = arith.select %and3A_358, %sub3A_352, %broadcast_in_dim3A_83 : vector<16xi1>, vector<16xi32>
      %swap3A_360 = arith.constant 1 : i32
      %swap3A_361 = arith.index_cast %swap3A_360 : i32 to index
      %swap3A_362 = arith.constant 0 : index
      %swap3A_363 = tpu.vector_load %arg9[%swap3A_361, %swap3A_362] {strides = array<i32>} : memref<5x80xi32, #tpu.memory_space<vmem>>, vector<1x16xi32>,
      %swap3A_364 = vector.shape_cast %swap3A_363 : vector<1x16xi32> to vector<16xi32>
      %swap3A_365 = vector.shape_cast %select_n3A_359 : vector<16xi32> to vector<1x16xi32>
      tpu.vector_store %arg9[%swap3A_361, %swap3A_362], %swap3A_365 {strides = array<i32>} : memref<5x80xi32, #tpu.memory_space<vmem>>, vector<1x16xi32>,
      %add3A_366 = arith.constant 16 : i32
      %add3A_367 = arith.addi %min3A_345, %add3A_366 : i32
      %get3A_368 = arith.index_cast %add3A_367 : i32 to index
      %get3A_369 = tpu.vector_load %arg8[%get3A_368] {strides = array<i32>} : memref<20000xi32, #tpu.memory_space<vmem>>, vector<16xi32>,
      %get3A_370 = vector.shape_cast %get3A_369 : vector<16xi32> to vector<16xi32>
      %sub3A_371 = vector.broadcast %mul3A_82 : i32 to vector<16xi32>
      %sub3A_372 = arith.subi %get3A_370, %sub3A_371 : vector<16xi32>
      %ge3A_373 = arith.constant 0 : i32
      %ge3A_374 = vector.broadcast %ge3A_373 : i32 to vector<16xi32>
      %ge3A_375 = arith.cmpi sge, %sub3A_372, %ge3A_374 : vector<16xi32>
      %lt3A_376 = vector.broadcast %select_n3A_340 : i32 to vector<16xi32>
      %lt3A_377 = arith.cmpi slt, %sub3A_372, %lt3A_376 : vector<16xi32>
      %and3A_378 = arith.andi %ge3A_375, %lt3A_377 : vector<16xi1>
      %select_n3A_379 = arith.select %and3A_378, %sub3A_372, %broadcast_in_dim3A_83 : vector<16xi1>, vector<16xi32>
      %swap3A_380 = arith.constant 1 : i32
      %swap3A_381 = arith.index_cast %swap3A_380 : i32 to index
      %swap3A_382 = arith.constant 16 : index
      %swap3A_383 = tpu.vector_load %arg9[%swap3A_381, %swap3A_382] {strides = array<i32>} : memref<5x80xi32, #tpu.memory_space<vmem>>, vector<1x16xi32>,
      %swap3A_384 = vector.shape_cast %swap3A_383 : vector<1x16xi32> to vector<16xi32>
      %swap3A_385 = vector.shape_cast %select_n3A_379 : vector<16xi32> to vector<1x16xi32>
      tpu.vector_store %arg9[%swap3A_381, %swap3A_382], %swap3A_385 {strides = array<i32>} : memref<5x80xi32, #tpu.memory_space<vmem>>, vector<1x16xi32>,
      %add3A_386 = arith.constant 32 : i32
      %add3A_387 = arith.addi %min3A_345, %add3A_386 : i32
      %get3A_388 = arith.index_cast %add3A_387 : i32 to index
      %get3A_389 = tpu.vector_load %arg8[%get3A_388] {strides = array<i32>} : memref<20000xi32, #tpu.memory_space<vmem>>, vector<16xi32>,
      %get3A_390 = vector.shape_cast %get3A_389 : vector<16xi32> to vector<16xi32>
      %sub3A_391 = vector.broadcast %mul3A_82 : i32 to vector<16xi32>
      %sub3A_392 = arith.subi %get3A_390, %sub3A_391 : vector<16xi32>
      %ge3A_393 = arith.constant 0 : i32
      %ge3A_394 = vector.broadcast %ge3A_393 : i32 to vector<16xi32>
      %ge3A_395 = arith.cmpi sge, %sub3A_392, %ge3A_394 : vector<16xi32>
      %lt3A_396 = vector.broadcast %select_n3A_340 : i32 to vector<16xi32>
      %lt3A_397 = arith.cmpi slt, %sub3A_392, %lt3A_396 : vector<16xi32>
      %and3A_398 = arith.andi %ge3A_395, %lt3A_397 : vector<16xi1>
      %select_n3A_399 = arith.select %and3A_398, %sub3A_392, %broadcast_in_dim3A_83 : vector<16xi1>, vector<16xi32>
      %swap3A_400 = arith.constant 1 : i32
      %swap3A_401 = arith.index_cast %swap3A_400 : i32 to index
      %swap3A_402 = arith.constant 32 : index
      %swap3A_403 = tpu.vector_load %arg9[%swap3A_401, %swap3A_402] {strides = array<i32>} : memref<5x80xi32, #tpu.memory_space<vmem>>, vector<1x16xi32>,
      %swap3A_404 = vector.shape_cast %swap3A_403 : vector<1x16xi32> to vector<16xi32>
      %swap3A_405 = vector.shape_cast %select_n3A_399 : vector<16xi32> to vector<1x16xi32>
      tpu.vector_store %arg9[%swap3A_401, %swap3A_402], %swap3A_405 {strides = array<i32>} : memref<5x80xi32, #tpu.memory_space<vmem>>, vector<1x16xi32>,
      %add3A_406 = arith.constant 48 : i32
      %add3A_407 = arith.addi %min3A_345, %add3A_406 : i32
      %get3A_408 = arith.index_cast %add3A_407 : i32 to index
      %get3A_409 = tpu.vector_load %arg8[%get3A_408] {strides = array<i32>} : memref<20000xi32, #tpu.memory_space<vmem>>, vector<16xi32>,
      %get3A_410 = vector.shape_cast %get3A_409 : vector<16xi32> to vector<16xi32>
      %sub3A_411 = vector.broadcast %mul3A_82 : i32 to vector<16xi32>
      %sub3A_412 = arith.subi %get3A_410, %sub3A_411 : vector<16xi32>
      %ge3A_413 = arith.constant 0 : i32
      %ge3A_414 = vector.broadcast %ge3A_413 : i32 to vector<16xi32>
      %ge3A_415 = arith.cmpi sge, %sub3A_412, %ge3A_414 : vector<16xi32>
      %lt3A_416 = vector.broadcast %select_n3A_340 : i32 to vector<16xi32>
      %lt3A_417 = arith.cmpi slt, %sub3A_412, %lt3A_416 : vector<16xi32>
      %and3A_418 = arith.andi %ge3A_415, %lt3A_417 : vector<16xi1>
      %select_n3A_419 = arith.select %and3A_418, %sub3A_412, %broadcast_in_dim3A_83 : vector<16xi1>, vector<16xi32>
      %swap3A_420 = arith.constant 1 : i32
      %swap3A_421 = arith.index_cast %swap3A_420 : i32 to index
      %swap3A_422 = arith.constant 48 : index
      %swap3A_423 = tpu.vector_load %arg9[%swap3A_421, %swap3A_422] {strides = array<i32>} : memref<5x80xi32, #tpu.memory_space<vmem>>, vector<1x16xi32>,
      %swap3A_424 = vector.shape_cast %swap3A_423 : vector<1x16xi32> to vector<16xi32>
      %swap3A_425 = vector.shape_cast %select_n3A_419 : vector<16xi32> to vector<1x16xi32>
      tpu.vector_store %arg9[%swap3A_421, %swap3A_422], %swap3A_425 {strides = array<i32>} : memref<5x80xi32, #tpu.memory_space<vmem>>, vector<1x16xi32>,
      %add3A_426 = arith.constant 64 : i32
      %add3A_427 = arith.addi %min3A_345, %add3A_426 : i32
      %get3A_428 = arith.index_cast %add3A_427 : i32 to index
      %get3A_429 = tpu.vector_load %arg8[%get3A_428] {strides = array<i32>} : memref<20000xi32, #tpu.memory_space<vmem>>, vector<16xi32>,
      %get3A_430 = vector.shape_cast %get3A_429 : vector<16xi32> to vector<16xi32>
      %sub3A_431 = vector.broadcast %mul3A_82 : i32 to vector<16xi32>
      %sub3A_432 = arith.subi %get3A_430, %sub3A_431 : vector<16xi32>
      %ge3A_433 = arith.constant 0 : i32
      %ge3A_434 = vector.broadcast %ge3A_433 : i32 to vector<16xi32>
      %ge3A_435 = arith.cmpi sge, %sub3A_432, %ge3A_434 : vector<16xi32>
      %lt3A_436 = vector.broadcast %select_n3A_340 : i32 to vector<16xi32>
      %lt3A_437 = arith.cmpi slt, %sub3A_432, %lt3A_436 : vector<16xi32>
      %and3A_438 = arith.andi %ge3A_435, %lt3A_437 : vector<16xi1>
      %select_n3A_439 = arith.select %and3A_438, %sub3A_432, %broadcast_in_dim3A_83 : vector<16xi1>, vector<16xi32>
      %swap3A_440 = arith.constant 1 : i32
      %swap3A_441 = arith.index_cast %swap3A_440 : i32 to index
      %swap3A_442 = arith.constant 64 : index
      %swap3A_443 = tpu.vector_load %arg9[%swap3A_441, %swap3A_442] {strides = array<i32>} : memref<5x80xi32, #tpu.memory_space<vmem>>, vector<1x16xi32>,
      %swap3A_444 = vector.shape_cast %swap3A_443 : vector<1x16xi32> to vector<16xi32>
      %swap3A_445 = vector.shape_cast %select_n3A_439 : vector<16xi32> to vector<1x16xi32>
      tpu.vector_store %arg9[%swap3A_441, %swap3A_442], %swap3A_445 {strides = array<i32>} : memref<5x80xi32, #tpu.memory_space<vmem>>, vector<1x16xi32>,
      %dma_wait3A_446 = arith.constant 0 : i32
      %dma_wait3A_447 = arith.constant 0 : i32
      %dma_wait3A_448 = tpu.memref_slice %arg2[%dma_wait3A_446, %dma_wait3A_447] : memref<320000x128xf32, #tpu.memory_space<hbm>> -> memref<80x128xf32, #tpu.memory_space<hbm>>
      %dma_wait3A_449 = arith.constant 0 : i32
      %dma_wait3A_450 = arith.constant 0 : i32
      %dma_wait3A_451 = tpu.memref_slice %arg2[%dma_wait3A_449, %dma_wait3A_450] : memref<320000x128xf32, #tpu.memory_space<hbm>> -> memref<80x128xf32, #tpu.memory_space<hbm>>
      tpu.wait_dma2 semaphore(%arg18 : memref<!tpu.dma_semaphore, #tpu.memory_space<semaphore_mem>>) src(%dma_wait3A_451 : memref<80x128xf32, #tpu.memory_space<hbm>>) dst(%arg11 : memref<80x128xf32, #tpu.memory_space<vmem>>)
      %dma_start3A_452 = arith.constant 1 : i32
      %dma_start3A_453 = arith.constant 0 : i32
      %dma_start3A_454 = tpu.memref_slice %arg9[%dma_start3A_452, %dma_start3A_453] : memref<5x80xi32, #tpu.memory_space<vmem>> -> memref<1x80xi32, #tpu.memory_space<vmem>>
      %dma_start3A_455 = tpu.memref_squeeze %dma_start3A_454 : memref<1x80xi32, #tpu.memory_space<vmem>> -> memref<80xi32, #tpu.memory_space<vmem>>
      %dma_start3A_456 = arith.constant 0 : i32
      %dma_start3A_457 = arith.constant 0 : i32
      %dma_start3A_458 = tpu.memref_slice %arg16[%dma_start3A_456, %dma_start3A_457] : memref<5008x128xf32, #tpu.memory_space<vmem_shared>> -> memref<5008x128xf32, #tpu.memory_space<vmem_shared>>
      tpu.enqueue_indirect_dma source(%arg11 : memref<80x128xf32, #tpu.memory_space<vmem>>) target(%dma_start3A_458 : memref<5008x128xf32, #tpu.memory_space<vmem_shared>>) offsets(%dma_start3A_455 : memref<80xi32, #tpu.memory_space<vmem>>) semaphore(%arg23 : memref<!tpu.dma_semaphore, #tpu.memory_space<semaphore_mem>>) {add = true}
      %mul3A_459 = arith.constant 5 : i32
      %mul3A_460 = arith.muli %mul3A_459, %while3A_187 : i32
      %add3A_461 = arith.constant 2 : i32
      %add3A_462 = arith.addi %mul3A_460, %add3A_461 : i32
      %ge3A_463 = arith.constant 3 : i32
      %ge3A_464 = arith.cmpi sge, %add3A_462, %ge3A_463 : i32
      %convert_element_type3A_465 = arith.extui %ge3A_464 : i1 to i32
      %cond3A_466 = arith.constant 0 : i32
      %cond3A_467 = arith.cmpi ne, %convert_element_type3A_465, %cond3A_466 : i32
      scf.if %cond3A_467 {
        %dma_wait3A_870 = arith.constant 0 : i32
        %dma_wait3A_871 = arith.constant 0 : i32
        %dma_wait3A_872 = tpu.memref_slice %arg2[%dma_wait3A_870, %dma_wait3A_871] : memref<320000x128xf32, #tpu.memory_space<hbm>> -> memref<80x128xf32, #tpu.memory_space<hbm>>
        %dma_wait3A_873 = arith.constant 0 : i32
        %dma_wait3A_874 = arith.constant 0 : i32
        %dma_wait3A_875 = tpu.memref_slice %arg2[%dma_wait3A_873, %dma_wait3A_874] : memref<320000x128xf32, #tpu.memory_space<hbm>> -> memref<80x128xf32, #tpu.memory_space<hbm>>
        tpu.wait_dma2 semaphore(%arg26 : memref<!tpu.dma_semaphore, #tpu.memory_space<semaphore_mem>>) src(%dma_wait3A_875 : memref<80x128xf32, #tpu.memory_space<hbm>>) dst(%arg14 : memref<80x128xf32, #tpu.memory_space<vmem>>)
      } else {
      }
      %add3A_468 = arith.constant 2 : i32
      %add3A_469 = arith.addi %add3A_462, %add3A_468 : i32
      %lt3A_470 = arith.cmpi slt, %add3A_469, %mul3A_85 : i32
      %convert_element_type3A_471 = arith.extui %lt3A_470 : i1 to i32
      %cond3A_472 = arith.constant 0 : i32
      %cond3A_473 = arith.cmpi ne, %convert_element_type3A_471, %cond3A_472 : i32
      scf.if %cond3A_473 {
        %add3A_870 = arith.constant 2 : i32
        %add3A_871 = arith.addi %add3A_462, %add3A_870 : i32
        %add3A_872 = arith.addi %select_n3A_13, %add3A_871 : i32
        %min3A_873 = arith.constant 3999 : i32
        %min3A_874 = arith.minsi %add3A_872, %min3A_873 : i32
        %mul3A_875 = arith.constant 80 : i32
        %mul3A_876 = arith.muli %min3A_874, %mul3A_875 : i32
        %dma_start3A_877 = arith.constant 0 : i32
        %dma_start3A_878 = tpu.memref_slice %arg2[%mul3A_876, %dma_start3A_877] : memref<320000x128xf32, #tpu.memory_space<hbm>> -> memref<80x128xf32, #tpu.memory_space<hbm>>
        %dma_start3A_879 = arith.constant 0 : i32
        %dma_start3A_880 = tpu.memref_slice %arg2[%mul3A_876, %dma_start3A_879] : memref<320000x128xf32, #tpu.memory_space<hbm>> -> memref<80x128xf32, #tpu.memory_space<hbm>>
        tpu.enqueue_dma source(%dma_start3A_880 : memref<80x128xf32, #tpu.memory_space<hbm>>) target(%arg14 : memref<80x128xf32, #tpu.memory_space<vmem>>) target_semaphore(%arg21 : memref<!tpu.dma_semaphore, #tpu.memory_space<semaphore_mem>>)
      } else {
      }
      %lt3A_474 = arith.cmpi slt, %add3A_462, %select_n3A : i32
      %select_n3A_475 = arith.constant 0 : i32
      %select_n3A_476 = arith.constant 5000 : i32
      %select_n3A_477 = arith.select %lt3A_474, %select_n3A_476, %select_n3A_475 : i32
      %mul3A_478 = arith.constant 80 : i32
      %mul3A_479 = arith.muli %add3A_462, %mul3A_478 : i32
      %add3A_480 = arith.addi %select_n3A_27, %mul3A_479 : i32
      %min3A_481 = arith.constant 19920 : i32
      %min3A_482 = arith.minsi %add3A_480, %min3A_481 : i32
      %add3A_483 = arith.constant 0 : i32
      %add3A_484 = arith.addi %min3A_482, %add3A_483 : i32
      %get3A_485 = arith.index_cast %add3A_484 : i32 to index
      %get3A_486 = tpu.vector_load %arg8[%get3A_485] {strides = array<i32>} : memref<20000xi32, #tpu.memory_space<vmem>>, vector<16xi32>,
      %get3A_487 = vector.shape_cast %get3A_486 : vector<16xi32> to vector<16xi32>
      %sub3A_488 = vector.broadcast %mul3A_82 : i32 to vector<16xi32>
      %sub3A_489 = arith.subi %get3A_487, %sub3A_488 : vector<16xi32>
      %ge3A_490 = arith.constant 0 : i32
      %ge3A_491 = vector.broadcast %ge3A_490 : i32 to vector<16xi32>
      %ge3A_492 = arith.cmpi sge, %sub3A_489, %ge3A_491 : vector<16xi32>
      %lt3A_493 = vector.broadcast %select_n3A_477 : i32 to vector<16xi32>
      %lt3A_494 = arith.cmpi slt, %sub3A_489, %lt3A_493 : vector<16xi32>
      %and3A_495 = arith.andi %ge3A_492, %lt3A_494 : vector<16xi1>
      %select_n3A_496 = arith.select %and3A_495, %sub3A_489, %broadcast_in_dim3A_83 : vector<16xi1>, vector<16xi32>
      %swap3A_497 = arith.constant 2 : i32
      %swap3A_498 = arith.index_cast %swap3A_497 : i32 to index
      %swap3A_499 = arith.constant 0 : index
      %swap3A_500 = tpu.vector_load %arg9[%swap3A_498, %swap3A_499] {strides = array<i32>} : memref<5x80xi32, #tpu.memory_space<vmem>>, vector<1x16xi32>,
      %swap3A_501 = vector.shape_cast %swap3A_500 : vector<1x16xi32> to vector<16xi32>
      %swap3A_502 = vector.shape_cast %select_n3A_496 : vector<16xi32> to vector<1x16xi32>
      tpu.vector_store %arg9[%swap3A_498, %swap3A_499], %swap3A_502 {strides = array<i32>} : memref<5x80xi32, #tpu.memory_space<vmem>>, vector<1x16xi32>,
      %add3A_503 = arith.constant 16 : i32
      %add3A_504 = arith.addi %min3A_482, %add3A_503 : i32
      %get3A_505 = arith.index_cast %add3A_504 : i32 to index
      %get3A_506 = tpu.vector_load %arg8[%get3A_505] {strides = array<i32>} : memref<20000xi32, #tpu.memory_space<vmem>>, vector<16xi32>,
      %get3A_507 = vector.shape_cast %get3A_506 : vector<16xi32> to vector<16xi32>
      %sub3A_508 = vector.broadcast %mul3A_82 : i32 to vector<16xi32>
      %sub3A_509 = arith.subi %get3A_507, %sub3A_508 : vector<16xi32>
      %ge3A_510 = arith.constant 0 : i32
      %ge3A_511 = vector.broadcast %ge3A_510 : i32 to vector<16xi32>
      %ge3A_512 = arith.cmpi sge, %sub3A_509, %ge3A_511 : vector<16xi32>
      %lt3A_513 = vector.broadcast %select_n3A_477 : i32 to vector<16xi32>
      %lt3A_514 = arith.cmpi slt, %sub3A_509, %lt3A_513 : vector<16xi32>
      %and3A_515 = arith.andi %ge3A_512, %lt3A_514 : vector<16xi1>
      %select_n3A_516 = arith.select %and3A_515, %sub3A_509, %broadcast_in_dim3A_83 : vector<16xi1>, vector<16xi32>
      %swap3A_517 = arith.constant 2 : i32
      %swap3A_518 = arith.index_cast %swap3A_517 : i32 to index
      %swap3A_519 = arith.constant 16 : index
      %swap3A_520 = tpu.vector_load %arg9[%swap3A_518, %swap3A_519] {strides = array<i32>} : memref<5x80xi32, #tpu.memory_space<vmem>>, vector<1x16xi32>,
      %swap3A_521 = vector.shape_cast %swap3A_520 : vector<1x16xi32> to vector<16xi32>
      %swap3A_522 = vector.shape_cast %select_n3A_516 : vector<16xi32> to vector<1x16xi32>
      tpu.vector_store %arg9[%swap3A_518, %swap3A_519], %swap3A_522 {strides = array<i32>} : memref<5x80xi32, #tpu.memory_space<vmem>>, vector<1x16xi32>,
      %add3A_523 = arith.constant 32 : i32
      %add3A_524 = arith.addi %min3A_482, %add3A_523 : i32
      %get3A_525 = arith.index_cast %add3A_524 : i32 to index
      %get3A_526 = tpu.vector_load %arg8[%get3A_525] {strides = array<i32>} : memref<20000xi32, #tpu.memory_space<vmem>>, vector<16xi32>,
      %get3A_527 = vector.shape_cast %get3A_526 : vector<16xi32> to vector<16xi32>
      %sub3A_528 = vector.broadcast %mul3A_82 : i32 to vector<16xi32>
      %sub3A_529 = arith.subi %get3A_527, %sub3A_528 : vector<16xi32>
      %ge3A_530 = arith.constant 0 : i32
      %ge3A_531 = vector.broadcast %ge3A_530 : i32 to vector<16xi32>
      %ge3A_532 = arith.cmpi sge, %sub3A_529, %ge3A_531 : vector<16xi32>
      %lt3A_533 = vector.broadcast %select_n3A_477 : i32 to vector<16xi32>
      %lt3A_534 = arith.cmpi slt, %sub3A_529, %lt3A_533 : vector<16xi32>
      %and3A_535 = arith.andi %ge3A_532, %lt3A_534 : vector<16xi1>
      %select_n3A_536 = arith.select %and3A_535, %sub3A_529, %broadcast_in_dim3A_83 : vector<16xi1>, vector<16xi32>
      %swap3A_537 = arith.constant 2 : i32
      %swap3A_538 = arith.index_cast %swap3A_537 : i32 to index
      %swap3A_539 = arith.constant 32 : index
      %swap3A_540 = tpu.vector_load %arg9[%swap3A_538, %swap3A_539] {strides = array<i32>} : memref<5x80xi32, #tpu.memory_space<vmem>>, vector<1x16xi32>,
      %swap3A_541 = vector.shape_cast %swap3A_540 : vector<1x16xi32> to vector<16xi32>
      %swap3A_542 = vector.shape_cast %select_n3A_536 : vector<16xi32> to vector<1x16xi32>
      tpu.vector_store %arg9[%swap3A_538, %swap3A_539], %swap3A_542 {strides = array<i32>} : memref<5x80xi32, #tpu.memory_space<vmem>>, vector<1x16xi32>,
      %add3A_543 = arith.constant 48 : i32
      %add3A_544 = arith.addi %min3A_482, %add3A_543 : i32
      %get3A_545 = arith.index_cast %add3A_544 : i32 to index
      %get3A_546 = tpu.vector_load %arg8[%get3A_545] {strides = array<i32>} : memref<20000xi32, #tpu.memory_space<vmem>>, vector<16xi32>,
      %get3A_547 = vector.shape_cast %get3A_546 : vector<16xi32> to vector<16xi32>
      %sub3A_548 = vector.broadcast %mul3A_82 : i32 to vector<16xi32>
      %sub3A_549 = arith.subi %get3A_547, %sub3A_548 : vector<16xi32>
      %ge3A_550 = arith.constant 0 : i32
      %ge3A_551 = vector.broadcast %ge3A_550 : i32 to vector<16xi32>
      %ge3A_552 = arith.cmpi sge, %sub3A_549, %ge3A_551 : vector<16xi32>
      %lt3A_553 = vector.broadcast %select_n3A_477 : i32 to vector<16xi32>
      %lt3A_554 = arith.cmpi slt, %sub3A_549, %lt3A_553 : vector<16xi32>
      %and3A_555 = arith.andi %ge3A_552, %lt3A_554 : vector<16xi1>
      %select_n3A_556 = arith.select %and3A_555, %sub3A_549, %broadcast_in_dim3A_83 : vector<16xi1>, vector<16xi32>
      %swap3A_557 = arith.constant 2 : i32
      %swap3A_558 = arith.index_cast %swap3A_557 : i32 to index
      %swap3A_559 = arith.constant 48 : index
      %swap3A_560 = tpu.vector_load %arg9[%swap3A_558, %swap3A_559] {strides = array<i32>} : memref<5x80xi32, #tpu.memory_space<vmem>>, vector<1x16xi32>,
      %swap3A_561 = vector.shape_cast %swap3A_560 : vector<1x16xi32> to vector<16xi32>
      %swap3A_562 = vector.shape_cast %select_n3A_556 : vector<16xi32> to vector<1x16xi32>
      tpu.vector_store %arg9[%swap3A_558, %swap3A_559], %swap3A_562 {strides = array<i32>} : memref<5x80xi32, #tpu.memory_space<vmem>>, vector<1x16xi32>,
      %add3A_563 = arith.constant 64 : i32
      %add3A_564 = arith.addi %min3A_482, %add3A_563 : i32
      %get3A_565 = arith.index_cast %add3A_564 : i32 to index
      %get3A_566 = tpu.vector_load %arg8[%get3A_565] {strides = array<i32>} : memref<20000xi32, #tpu.memory_space<vmem>>, vector<16xi32>,
      %get3A_567 = vector.shape_cast %get3A_566 : vector<16xi32> to vector<16xi32>
      %sub3A_568 = vector.broadcast %mul3A_82 : i32 to vector<16xi32>
      %sub3A_569 = arith.subi %get3A_567, %sub3A_568 : vector<16xi32>
      %ge3A_570 = arith.constant 0 : i32
      %ge3A_571 = vector.broadcast %ge3A_570 : i32 to vector<16xi32>
      %ge3A_572 = arith.cmpi sge, %sub3A_569, %ge3A_571 : vector<16xi32>
      %lt3A_573 = vector.broadcast %select_n3A_477 : i32 to vector<16xi32>
      %lt3A_574 = arith.cmpi slt, %sub3A_569, %lt3A_573 : vector<16xi32>
      %and3A_575 = arith.andi %ge3A_572, %lt3A_574 : vector<16xi1>
      %select_n3A_576 = arith.select %and3A_575, %sub3A_569, %broadcast_in_dim3A_83 : vector<16xi1>, vector<16xi32>
      %swap3A_577 = arith.constant 2 : i32
      %swap3A_578 = arith.index_cast %swap3A_577 : i32 to index
      %swap3A_579 = arith.constant 64 : index
      %swap3A_580 = tpu.vector_load %arg9[%swap3A_578, %swap3A_579] {strides = array<i32>} : memref<5x80xi32, #tpu.memory_space<vmem>>, vector<1x16xi32>,
      %swap3A_581 = vector.shape_cast %swap3A_580 : vector<1x16xi32> to vector<16xi32>
      %swap3A_582 = vector.shape_cast %select_n3A_576 : vector<16xi32> to vector<1x16xi32>
      tpu.vector_store %arg9[%swap3A_578, %swap3A_579], %swap3A_582 {strides = array<i32>} : memref<5x80xi32, #tpu.memory_space<vmem>>, vector<1x16xi32>,
      %dma_wait3A_583 = arith.constant 0 : i32
      %dma_wait3A_584 = arith.constant 0 : i32
      %dma_wait3A_585 = tpu.memref_slice %arg2[%dma_wait3A_583, %dma_wait3A_584] : memref<320000x128xf32, #tpu.memory_space<hbm>> -> memref<80x128xf32, #tpu.memory_space<hbm>>
      %dma_wait3A_586 = arith.constant 0 : i32
      %dma_wait3A_587 = arith.constant 0 : i32
      %dma_wait3A_588 = tpu.memref_slice %arg2[%dma_wait3A_586, %dma_wait3A_587] : memref<320000x128xf32, #tpu.memory_space<hbm>> -> memref<80x128xf32, #tpu.memory_space<hbm>>
      tpu.wait_dma2 semaphore(%arg19 : memref<!tpu.dma_semaphore, #tpu.memory_space<semaphore_mem>>) src(%dma_wait3A_588 : memref<80x128xf32, #tpu.memory_space<hbm>>) dst(%arg12 : memref<80x128xf32, #tpu.memory_space<vmem>>)
      %dma_start3A_589 = arith.constant 2 : i32
      %dma_start3A_590 = arith.constant 0 : i32
      %dma_start3A_591 = tpu.memref_slice %arg9[%dma_start3A_589, %dma_start3A_590] : memref<5x80xi32, #tpu.memory_space<vmem>> -> memref<1x80xi32, #tpu.memory_space<vmem>>
      %dma_start3A_592 = tpu.memref_squeeze %dma_start3A_591 : memref<1x80xi32, #tpu.memory_space<vmem>> -> memref<80xi32, #tpu.memory_space<vmem>>
      %dma_start3A_593 = arith.constant 0 : i32
      %dma_start3A_594 = arith.constant 0 : i32
      %dma_start3A_595 = tpu.memref_slice %arg16[%dma_start3A_593, %dma_start3A_594] : memref<5008x128xf32, #tpu.memory_space<vmem_shared>> -> memref<5008x128xf32, #tpu.memory_space<vmem_shared>>
      tpu.enqueue_indirect_dma source(%arg12 : memref<80x128xf32, #tpu.memory_space<vmem>>) target(%dma_start3A_595 : memref<5008x128xf32, #tpu.memory_space<vmem_shared>>) offsets(%dma_start3A_592 : memref<80xi32, #tpu.memory_space<vmem>>) semaphore(%arg24 : memref<!tpu.dma_semaphore, #tpu.memory_space<semaphore_mem>>) {add = true}
      %mul3A_596 = arith.constant 5 : i32
      %mul3A_597 = arith.muli %mul3A_596, %while3A_187 : i32
      %add3A_598 = arith.constant 3 : i32
      %add3A_599 = arith.addi %mul3A_597, %add3A_598 : i32
      %ge3A_600 = arith.constant 3 : i32
      %ge3A_601 = arith.cmpi sge, %add3A_599, %ge3A_600 : i32
      %convert_element_type3A_602 = arith.extui %ge3A_601 : i1 to i32
      %cond3A_603 = arith.constant 0 : i32
      %cond3A_604 = arith.cmpi ne, %convert_element_type3A_602, %cond3A_603 : i32
      scf.if %cond3A_604 {
        %dma_wait3A_870 = arith.constant 0 : i32
        %dma_wait3A_871 = arith.constant 0 : i32
        %dma_wait3A_872 = tpu.memref_slice %arg2[%dma_wait3A_870, %dma_wait3A_871] : memref<320000x128xf32, #tpu.memory_space<hbm>> -> memref<80x128xf32, #tpu.memory_space<hbm>>
        %dma_wait3A_873 = arith.constant 0 : i32
        %dma_wait3A_874 = arith.constant 0 : i32
        %dma_wait3A_875 = tpu.memref_slice %arg2[%dma_wait3A_873, %dma_wait3A_874] : memref<320000x128xf32, #tpu.memory_space<hbm>> -> memref<80x128xf32, #tpu.memory_space<hbm>>
        tpu.wait_dma2 semaphore(%arg22 : memref<!tpu.dma_semaphore, #tpu.memory_space<semaphore_mem>>) src(%dma_wait3A_875 : memref<80x128xf32, #tpu.memory_space<hbm>>) dst(%arg10 : memref<80x128xf32, #tpu.memory_space<vmem>>)
      } else {
      }
      %add3A_605 = arith.constant 2 : i32
      %add3A_606 = arith.addi %add3A_599, %add3A_605 : i32
      %lt3A_607 = arith.cmpi slt, %add3A_606, %mul3A_85 : i32
      %convert_element_type3A_608 = arith.extui %lt3A_607 : i1 to i32
      %cond3A_609 = arith.constant 0 : i32
      %cond3A_610 = arith.cmpi ne, %convert_element_type3A_608, %cond3A_609 : i32
      scf.if %cond3A_610 {
        %add3A_870 = arith.constant 2 : i32
        %add3A_871 = arith.addi %add3A_599, %add3A_870 : i32
        %add3A_872 = arith.addi %select_n3A_13, %add3A_871 : i32
        %min3A_873 = arith.constant 3999 : i32
        %min3A_874 = arith.minsi %add3A_872, %min3A_873 : i32
        %mul3A_875 = arith.constant 80 : i32
        %mul3A_876 = arith.muli %min3A_874, %mul3A_875 : i32
        %dma_start3A_877 = arith.constant 0 : i32
        %dma_start3A_878 = tpu.memref_slice %arg2[%mul3A_876, %dma_start3A_877] : memref<320000x128xf32, #tpu.memory_space<hbm>> -> memref<80x128xf32, #tpu.memory_space<hbm>>
        %dma_start3A_879 = arith.constant 0 : i32
        %dma_start3A_880 = tpu.memref_slice %arg2[%mul3A_876, %dma_start3A_879] : memref<320000x128xf32, #tpu.memory_space<hbm>> -> memref<80x128xf32, #tpu.memory_space<hbm>>
        tpu.enqueue_dma source(%dma_start3A_880 : memref<80x128xf32, #tpu.memory_space<hbm>>) target(%arg10 : memref<80x128xf32, #tpu.memory_space<vmem>>) target_semaphore(%arg17 : memref<!tpu.dma_semaphore, #tpu.memory_space<semaphore_mem>>)
      } else {
      }
      %lt3A_611 = arith.cmpi slt, %add3A_599, %select_n3A : i32
      %select_n3A_612 = arith.constant 0 : i32
      %select_n3A_613 = arith.constant 5000 : i32
      %select_n3A_614 = arith.select %lt3A_611, %select_n3A_613, %select_n3A_612 : i32
      %mul3A_615 = arith.constant 80 : i32
      %mul3A_616 = arith.muli %add3A_599, %mul3A_615 : i32
      %add3A_617 = arith.addi %select_n3A_27, %mul3A_616 : i32
      %min3A_618 = arith.constant 19920 : i32
      %min3A_619 = arith.minsi %add3A_617, %min3A_618 : i32
      %add3A_620 = arith.constant 0 : i32
      %add3A_621 = arith.addi %min3A_619, %add3A_620 : i32
      %get3A_622 = arith.index_cast %add3A_621 : i32 to index
      %get3A_623 = tpu.vector_load %arg8[%get3A_622] {strides = array<i32>} : memref<20000xi32, #tpu.memory_space<vmem>>, vector<16xi32>,
      %get3A_624 = vector.shape_cast %get3A_623 : vector<16xi32> to vector<16xi32>
      %sub3A_625 = vector.broadcast %mul3A_82 : i32 to vector<16xi32>
      %sub3A_626 = arith.subi %get3A_624, %sub3A_625 : vector<16xi32>
      %ge3A_627 = arith.constant 0 : i32
      %ge3A_628 = vector.broadcast %ge3A_627 : i32 to vector<16xi32>
      %ge3A_629 = arith.cmpi sge, %sub3A_626, %ge3A_628 : vector<16xi32>
      %lt3A_630 = vector.broadcast %select_n3A_614 : i32 to vector<16xi32>
      %lt3A_631 = arith.cmpi slt, %sub3A_626, %lt3A_630 : vector<16xi32>
      %and3A_632 = arith.andi %ge3A_629, %lt3A_631 : vector<16xi1>
      %select_n3A_633 = arith.select %and3A_632, %sub3A_626, %broadcast_in_dim3A_83 : vector<16xi1>, vector<16xi32>
      %swap3A_634 = arith.constant 3 : i32
      %swap3A_635 = arith.index_cast %swap3A_634 : i32 to index
      %swap3A_636 = arith.constant 0 : index
      %swap3A_637 = tpu.vector_load %arg9[%swap3A_635, %swap3A_636] {strides = array<i32>} : memref<5x80xi32, #tpu.memory_space<vmem>>, vector<1x16xi32>,
      %swap3A_638 = vector.shape_cast %swap3A_637 : vector<1x16xi32> to vector<16xi32>
      %swap3A_639 = vector.shape_cast %select_n3A_633 : vector<16xi32> to vector<1x16xi32>
      tpu.vector_store %arg9[%swap3A_635, %swap3A_636], %swap3A_639 {strides = array<i32>} : memref<5x80xi32, #tpu.memory_space<vmem>>, vector<1x16xi32>,
      %add3A_640 = arith.constant 16 : i32
      %add3A_641 = arith.addi %min3A_619, %add3A_640 : i32
      %get3A_642 = arith.index_cast %add3A_641 : i32 to index
      %get3A_643 = tpu.vector_load %arg8[%get3A_642] {strides = array<i32>} : memref<20000xi32, #tpu.memory_space<vmem>>, vector<16xi32>,
      %get3A_644 = vector.shape_cast %get3A_643 : vector<16xi32> to vector<16xi32>
      %sub3A_645 = vector.broadcast %mul3A_82 : i32 to vector<16xi32>
      %sub3A_646 = arith.subi %get3A_644, %sub3A_645 : vector<16xi32>
      %ge3A_647 = arith.constant 0 : i32
      %ge3A_648 = vector.broadcast %ge3A_647 : i32 to vector<16xi32>
      %ge3A_649 = arith.cmpi sge, %sub3A_646, %ge3A_648 : vector<16xi32>
      %lt3A_650 = vector.broadcast %select_n3A_614 : i32 to vector<16xi32>
      %lt3A_651 = arith.cmpi slt, %sub3A_646, %lt3A_650 : vector<16xi32>
      %and3A_652 = arith.andi %ge3A_649, %lt3A_651 : vector<16xi1>
      %select_n3A_653 = arith.select %and3A_652, %sub3A_646, %broadcast_in_dim3A_83 : vector<16xi1>, vector<16xi32>
      %swap3A_654 = arith.constant 3 : i32
      %swap3A_655 = arith.index_cast %swap3A_654 : i32 to index
      %swap3A_656 = arith.constant 16 : index
      %swap3A_657 = tpu.vector_load %arg9[%swap3A_655, %swap3A_656] {strides = array<i32>} : memref<5x80xi32, #tpu.memory_space<vmem>>, vector<1x16xi32>,
      %swap3A_658 = vector.shape_cast %swap3A_657 : vector<1x16xi32> to vector<16xi32>
      %swap3A_659 = vector.shape_cast %select_n3A_653 : vector<16xi32> to vector<1x16xi32>
      tpu.vector_store %arg9[%swap3A_655, %swap3A_656], %swap3A_659 {strides = array<i32>} : memref<5x80xi32, #tpu.memory_space<vmem>>, vector<1x16xi32>,
      %add3A_660 = arith.constant 32 : i32
      %add3A_661 = arith.addi %min3A_619, %add3A_660 : i32
      %get3A_662 = arith.index_cast %add3A_661 : i32 to index
      %get3A_663 = tpu.vector_load %arg8[%get3A_662] {strides = array<i32>} : memref<20000xi32, #tpu.memory_space<vmem>>, vector<16xi32>,
      %get3A_664 = vector.shape_cast %get3A_663 : vector<16xi32> to vector<16xi32>
      %sub3A_665 = vector.broadcast %mul3A_82 : i32 to vector<16xi32>
      %sub3A_666 = arith.subi %get3A_664, %sub3A_665 : vector<16xi32>
      %ge3A_667 = arith.constant 0 : i32
      %ge3A_668 = vector.broadcast %ge3A_667 : i32 to vector<16xi32>
      %ge3A_669 = arith.cmpi sge, %sub3A_666, %ge3A_668 : vector<16xi32>
      %lt3A_670 = vector.broadcast %select_n3A_614 : i32 to vector<16xi32>
      %lt3A_671 = arith.cmpi slt, %sub3A_666, %lt3A_670 : vector<16xi32>
      %and3A_672 = arith.andi %ge3A_669, %lt3A_671 : vector<16xi1>
      %select_n3A_673 = arith.select %and3A_672, %sub3A_666, %broadcast_in_dim3A_83 : vector<16xi1>, vector<16xi32>
      %swap3A_674 = arith.constant 3 : i32
      %swap3A_675 = arith.index_cast %swap3A_674 : i32 to index
      %swap3A_676 = arith.constant 32 : index
      %swap3A_677 = tpu.vector_load %arg9[%swap3A_675, %swap3A_676] {strides = array<i32>} : memref<5x80xi32, #tpu.memory_space<vmem>>, vector<1x16xi32>,
      %swap3A_678 = vector.shape_cast %swap3A_677 : vector<1x16xi32> to vector<16xi32>
      %swap3A_679 = vector.shape_cast %select_n3A_673 : vector<16xi32> to vector<1x16xi32>
      tpu.vector_store %arg9[%swap3A_675, %swap3A_676], %swap3A_679 {strides = array<i32>} : memref<5x80xi32, #tpu.memory_space<vmem>>, vector<1x16xi32>,
      %add3A_680 = arith.constant 48 : i32
      %add3A_681 = arith.addi %min3A_619, %add3A_680 : i32
      %get3A_682 = arith.index_cast %add3A_681 : i32 to index
      %get3A_683 = tpu.vector_load %arg8[%get3A_682] {strides = array<i32>} : memref<20000xi32, #tpu.memory_space<vmem>>, vector<16xi32>,
      %get3A_684 = vector.shape_cast %get3A_683 : vector<16xi32> to vector<16xi32>
      %sub3A_685 = vector.broadcast %mul3A_82 : i32 to vector<16xi32>
      %sub3A_686 = arith.subi %get3A_684, %sub3A_685 : vector<16xi32>
      %ge3A_687 = arith.constant 0 : i32
      %ge3A_688 = vector.broadcast %ge3A_687 : i32 to vector<16xi32>
      %ge3A_689 = arith.cmpi sge, %sub3A_686, %ge3A_688 : vector<16xi32>
      %lt3A_690 = vector.broadcast %select_n3A_614 : i32 to vector<16xi32>
      %lt3A_691 = arith.cmpi slt, %sub3A_686, %lt3A_690 : vector<16xi32>
      %and3A_692 = arith.andi %ge3A_689, %lt3A_691 : vector<16xi1>
      %select_n3A_693 = arith.select %and3A_692, %sub3A_686, %broadcast_in_dim3A_83 : vector<16xi1>, vector<16xi32>
      %swap3A_694 = arith.constant 3 : i32
      %swap3A_695 = arith.index_cast %swap3A_694 : i32 to index
      %swap3A_696 = arith.constant 48 : index
      %swap3A_697 = tpu.vector_load %arg9[%swap3A_695, %swap3A_696] {strides = array<i32>} : memref<5x80xi32, #tpu.memory_space<vmem>>, vector<1x16xi32>,
      %swap3A_698 = vector.shape_cast %swap3A_697 : vector<1x16xi32> to vector<16xi32>
      %swap3A_699 = vector.shape_cast %select_n3A_693 : vector<16xi32> to vector<1x16xi32>
      tpu.vector_store %arg9[%swap3A_695, %swap3A_696], %swap3A_699 {strides = array<i32>} : memref<5x80xi32, #tpu.memory_space<vmem>>, vector<1x16xi32>,
      %add3A_700 = arith.constant 64 : i32
      %add3A_701 = arith.addi %min3A_619, %add3A_700 : i32
      %get3A_702 = arith.index_cast %add3A_701 : i32 to index
      %get3A_703 = tpu.vector_load %arg8[%get3A_702] {strides = array<i32>} : memref<20000xi32, #tpu.memory_space<vmem>>, vector<16xi32>,
      %get3A_704 = vector.shape_cast %get3A_703 : vector<16xi32> to vector<16xi32>
      %sub3A_705 = vector.broadcast %mul3A_82 : i32 to vector<16xi32>
      %sub3A_706 = arith.subi %get3A_704, %sub3A_705 : vector<16xi32>
      %ge3A_707 = arith.constant 0 : i32
      %ge3A_708 = vector.broadcast %ge3A_707 : i32 to vector<16xi32>
      %ge3A_709 = arith.cmpi sge, %sub3A_706, %ge3A_708 : vector<16xi32>
      %lt3A_710 = vector.broadcast %select_n3A_614 : i32 to vector<16xi32>
      %lt3A_711 = arith.cmpi slt, %sub3A_706, %lt3A_710 : vector<16xi32>
      %and3A_712 = arith.andi %ge3A_709, %lt3A_711 : vector<16xi1>
      %select_n3A_713 = arith.select %and3A_712, %sub3A_706, %broadcast_in_dim3A_83 : vector<16xi1>, vector<16xi32>
      %swap3A_714 = arith.constant 3 : i32
      %swap3A_715 = arith.index_cast %swap3A_714 : i32 to index
      %swap3A_716 = arith.constant 64 : index
      %swap3A_717 = tpu.vector_load %arg9[%swap3A_715, %swap3A_716] {strides = array<i32>} : memref<5x80xi32, #tpu.memory_space<vmem>>, vector<1x16xi32>,
      %swap3A_718 = vector.shape_cast %swap3A_717 : vector<1x16xi32> to vector<16xi32>
      %swap3A_719 = vector.shape_cast %select_n3A_713 : vector<16xi32> to vector<1x16xi32>
      tpu.vector_store %arg9[%swap3A_715, %swap3A_716], %swap3A_719 {strides = array<i32>} : memref<5x80xi32, #tpu.memory_space<vmem>>, vector<1x16xi32>,
      %dma_wait3A_720 = arith.constant 0 : i32
      %dma_wait3A_721 = arith.constant 0 : i32
      %dma_wait3A_722 = tpu.memref_slice %arg2[%dma_wait3A_720, %dma_wait3A_721] : memref<320000x128xf32, #tpu.memory_space<hbm>> -> memref<80x128xf32, #tpu.memory_space<hbm>>
      %dma_wait3A_723 = arith.constant 0 : i32
      %dma_wait3A_724 = arith.constant 0 : i32
      %dma_wait3A_725 = tpu.memref_slice %arg2[%dma_wait3A_723, %dma_wait3A_724] : memref<320000x128xf32, #tpu.memory_space<hbm>> -> memref<80x128xf32, #tpu.memory_space<hbm>>
      tpu.wait_dma2 semaphore(%arg20 : memref<!tpu.dma_semaphore, #tpu.memory_space<semaphore_mem>>) src(%dma_wait3A_725 : memref<80x128xf32, #tpu.memory_space<hbm>>) dst(%arg13 : memref<80x128xf32, #tpu.memory_space<vmem>>)
      %dma_start3A_726 = arith.constant 3 : i32
      %dma_start3A_727 = arith.constant 0 : i32
      %dma_start3A_728 = tpu.memref_slice %arg9[%dma_start3A_726, %dma_start3A_727] : memref<5x80xi32, #tpu.memory_space<vmem>> -> memref<1x80xi32, #tpu.memory_space<vmem>>
      %dma_start3A_729 = tpu.memref_squeeze %dma_start3A_728 : memref<1x80xi32, #tpu.memory_space<vmem>> -> memref<80xi32, #tpu.memory_space<vmem>>
      %dma_start3A_730 = arith.constant 0 : i32
      %dma_start3A_731 = arith.constant 0 : i32
      %dma_start3A_732 = tpu.memref_slice %arg16[%dma_start3A_730, %dma_start3A_731] : memref<5008x128xf32, #tpu.memory_space<vmem_shared>> -> memref<5008x128xf32, #tpu.memory_space<vmem_shared>>
      tpu.enqueue_indirect_dma source(%arg13 : memref<80x128xf32, #tpu.memory_space<vmem>>) target(%dma_start3A_732 : memref<5008x128xf32, #tpu.memory_space<vmem_shared>>) offsets(%dma_start3A_729 : memref<80xi32, #tpu.memory_space<vmem>>) semaphore(%arg25 : memref<!tpu.dma_semaphore, #tpu.memory_space<semaphore_mem>>) {add = true}
      %mul3A_733 = arith.constant 5 : i32
      %mul3A_734 = arith.muli %mul3A_733, %while3A_187 : i32
      %add3A_735 = arith.constant 4 : i32
      %add3A_736 = arith.addi %mul3A_734, %add3A_735 : i32
      %ge3A_737 = arith.constant 3 : i32
      %ge3A_738 = arith.cmpi sge, %add3A_736, %ge3A_737 : i32
      %convert_element_type3A_739 = arith.extui %ge3A_738 : i1 to i32
      %cond3A_740 = arith.constant 0 : i32
      %cond3A_741 = arith.cmpi ne, %convert_element_type3A_739, %cond3A_740 : i32
      scf.if %cond3A_741 {
        %dma_wait3A_870 = arith.constant 0 : i32
        %dma_wait3A_871 = arith.constant 0 : i32
        %dma_wait3A_872 = tpu.memref_slice %arg2[%dma_wait3A_870, %dma_wait3A_871] : memref<320000x128xf32, #tpu.memory_space<hbm>> -> memref<80x128xf32, #tpu.memory_space<hbm>>
        %dma_wait3A_873 = arith.constant 0 : i32
        %dma_wait3A_874 = arith.constant 0 : i32
        %dma_wait3A_875 = tpu.memref_slice %arg2[%dma_wait3A_873, %dma_wait3A_874] : memref<320000x128xf32, #tpu.memory_space<hbm>> -> memref<80x128xf32, #tpu.memory_space<hbm>>
        tpu.wait_dma2 semaphore(%arg23 : memref<!tpu.dma_semaphore, #tpu.memory_space<semaphore_mem>>) src(%dma_wait3A_875 : memref<80x128xf32, #tpu.memory_space<hbm>>) dst(%arg11 : memref<80x128xf32, #tpu.memory_space<vmem>>)
      } else {
      }
      %add3A_742 = arith.constant 2 : i32
      %add3A_743 = arith.addi %add3A_736, %add3A_742 : i32
      %lt3A_744 = arith.cmpi slt, %add3A_743, %mul3A_85 : i32
      %convert_element_type3A_745 = arith.extui %lt3A_744 : i1 to i32
      %cond3A_746 = arith.constant 0 : i32
      %cond3A_747 = arith.cmpi ne, %convert_element_type3A_745, %cond3A_746 : i32
      scf.if %cond3A_747 {
        %add3A_870 = arith.constant 2 : i32
        %add3A_871 = arith.addi %add3A_736, %add3A_870 : i32
        %add3A_872 = arith.addi %select_n3A_13, %add3A_871 : i32
        %min3A_873 = arith.constant 3999 : i32
        %min3A_874 = arith.minsi %add3A_872, %min3A_873 : i32
        %mul3A_875 = arith.constant 80 : i32
        %mul3A_876 = arith.muli %min3A_874, %mul3A_875 : i32
        %dma_start3A_877 = arith.constant 0 : i32
        %dma_start3A_878 = tpu.memref_slice %arg2[%mul3A_876, %dma_start3A_877] : memref<320000x128xf32, #tpu.memory_space<hbm>> -> memref<80x128xf32, #tpu.memory_space<hbm>>
        %dma_start3A_879 = arith.constant 0 : i32
        %dma_start3A_880 = tpu.memref_slice %arg2[%mul3A_876, %dma_start3A_879] : memref<320000x128xf32, #tpu.memory_space<hbm>> -> memref<80x128xf32, #tpu.memory_space<hbm>>
        tpu.enqueue_dma source(%dma_start3A_880 : memref<80x128xf32, #tpu.memory_space<hbm>>) target(%arg11 : memref<80x128xf32, #tpu.memory_space<vmem>>) target_semaphore(%arg18 : memref<!tpu.dma_semaphore, #tpu.memory_space<semaphore_mem>>)
      } else {
      }
      %lt3A_748 = arith.cmpi slt, %add3A_736, %select_n3A : i32
      %select_n3A_749 = arith.constant 0 : i32
      %select_n3A_750 = arith.constant 5000 : i32
      %select_n3A_751 = arith.select %lt3A_748, %select_n3A_750, %select_n3A_749 : i32
      %mul3A_752 = arith.constant 80 : i32
      %mul3A_753 = arith.muli %add3A_736, %mul3A_752 : i32
      %add3A_754 = arith.addi %select_n3A_27, %mul3A_753 : i32
      %min3A_755 = arith.constant 19920 : i32
      %min3A_756 = arith.minsi %add3A_754, %min3A_755 : i32
      %add3A_757 = arith.constant 0 : i32
      %add3A_758 = arith.addi %min3A_756, %add3A_757 : i32
      %get3A_759 = arith.index_cast %add3A_758 : i32 to index
      %get3A_760 = tpu.vector_load %arg8[%get3A_759] {strides = array<i32>} : memref<20000xi32, #tpu.memory_space<vmem>>, vector<16xi32>,
      %get3A_761 = vector.shape_cast %get3A_760 : vector<16xi32> to vector<16xi32>
      %sub3A_762 = vector.broadcast %mul3A_82 : i32 to vector<16xi32>
      %sub3A_763 = arith.subi %get3A_761, %sub3A_762 : vector<16xi32>
      %ge3A_764 = arith.constant 0 : i32
      %ge3A_765 = vector.broadcast %ge3A_764 : i32 to vector<16xi32>
      %ge3A_766 = arith.cmpi sge, %sub3A_763, %ge3A_765 : vector<16xi32>
      %lt3A_767 = vector.broadcast %select_n3A_751 : i32 to vector<16xi32>
      %lt3A_768 = arith.cmpi slt, %sub3A_763, %lt3A_767 : vector<16xi32>
      %and3A_769 = arith.andi %ge3A_766, %lt3A_768 : vector<16xi1>
      %select_n3A_770 = arith.select %and3A_769, %sub3A_763, %broadcast_in_dim3A_83 : vector<16xi1>, vector<16xi32>
      %swap3A_771 = arith.constant 4 : i32
      %swap3A_772 = arith.index_cast %swap3A_771 : i32 to index
      %swap3A_773 = arith.constant 0 : index
      %swap3A_774 = tpu.vector_load %arg9[%swap3A_772, %swap3A_773] {strides = array<i32>} : memref<5x80xi32, #tpu.memory_space<vmem>>, vector<1x16xi32>,
      %swap3A_775 = vector.shape_cast %swap3A_774 : vector<1x16xi32> to vector<16xi32>
      %swap3A_776 = vector.shape_cast %select_n3A_770 : vector<16xi32> to vector<1x16xi32>
      tpu.vector_store %arg9[%swap3A_772, %swap3A_773], %swap3A_776 {strides = array<i32>} : memref<5x80xi32, #tpu.memory_space<vmem>>, vector<1x16xi32>,
      %add3A_777 = arith.constant 16 : i32
      %add3A_778 = arith.addi %min3A_756, %add3A_777 : i32
      %get3A_779 = arith.index_cast %add3A_778 : i32 to index
      %get3A_780 = tpu.vector_load %arg8[%get3A_779] {strides = array<i32>} : memref<20000xi32, #tpu.memory_space<vmem>>, vector<16xi32>,
      %get3A_781 = vector.shape_cast %get3A_780 : vector<16xi32> to vector<16xi32>
      %sub3A_782 = vector.broadcast %mul3A_82 : i32 to vector<16xi32>
      %sub3A_783 = arith.subi %get3A_781, %sub3A_782 : vector<16xi32>
      %ge3A_784 = arith.constant 0 : i32
      %ge3A_785 = vector.broadcast %ge3A_784 : i32 to vector<16xi32>
      %ge3A_786 = arith.cmpi sge, %sub3A_783, %ge3A_785 : vector<16xi32>
      %lt3A_787 = vector.broadcast %select_n3A_751 : i32 to vector<16xi32>
      %lt3A_788 = arith.cmpi slt, %sub3A_783, %lt3A_787 : vector<16xi32>
      %and3A_789 = arith.andi %ge3A_786, %lt3A_788 : vector<16xi1>
      %select_n3A_790 = arith.select %and3A_789, %sub3A_783, %broadcast_in_dim3A_83 : vector<16xi1>, vector<16xi32>
      %swap3A_791 = arith.constant 4 : i32
      %swap3A_792 = arith.index_cast %swap3A_791 : i32 to index
      %swap3A_793 = arith.constant 16 : index
      %swap3A_794 = tpu.vector_load %arg9[%swap3A_792, %swap3A_793] {strides = array<i32>} : memref<5x80xi32, #tpu.memory_space<vmem>>, vector<1x16xi32>,
      %swap3A_795 = vector.shape_cast %swap3A_794 : vector<1x16xi32> to vector<16xi32>
      %swap3A_796 = vector.shape_cast %select_n3A_790 : vector<16xi32> to vector<1x16xi32>
      tpu.vector_store %arg9[%swap3A_792, %swap3A_793], %swap3A_796 {strides = array<i32>} : memref<5x80xi32, #tpu.memory_space<vmem>>, vector<1x16xi32>,
      %add3A_797 = arith.constant 32 : i32
      %add3A_798 = arith.addi %min3A_756, %add3A_797 : i32
      %get3A_799 = arith.index_cast %add3A_798 : i32 to index
      %get3A_800 = tpu.vector_load %arg8[%get3A_799] {strides = array<i32>} : memref<20000xi32, #tpu.memory_space<vmem>>, vector<16xi32>,
      %get3A_801 = vector.shape_cast %get3A_800 : vector<16xi32> to vector<16xi32>
      %sub3A_802 = vector.broadcast %mul3A_82 : i32 to vector<16xi32>
      %sub3A_803 = arith.subi %get3A_801, %sub3A_802 : vector<16xi32>
      %ge3A_804 = arith.constant 0 : i32
      %ge3A_805 = vector.broadcast %ge3A_804 : i32 to vector<16xi32>
      %ge3A_806 = arith.cmpi sge, %sub3A_803, %ge3A_805 : vector<16xi32>
      %lt3A_807 = vector.broadcast %select_n3A_751 : i32 to vector<16xi32>
      %lt3A_808 = arith.cmpi slt, %sub3A_803, %lt3A_807 : vector<16xi32>
      %and3A_809 = arith.andi %ge3A_806, %lt3A_808 : vector<16xi1>
      %select_n3A_810 = arith.select %and3A_809, %sub3A_803, %broadcast_in_dim3A_83 : vector<16xi1>, vector<16xi32>
      %swap3A_811 = arith.constant 4 : i32
      %swap3A_812 = arith.index_cast %swap3A_811 : i32 to index
      %swap3A_813 = arith.constant 32 : index
      %swap3A_814 = tpu.vector_load %arg9[%swap3A_812, %swap3A_813] {strides = array<i32>} : memref<5x80xi32, #tpu.memory_space<vmem>>, vector<1x16xi32>,
      %swap3A_815 = vector.shape_cast %swap3A_814 : vector<1x16xi32> to vector<16xi32>
      %swap3A_816 = vector.shape_cast %select_n3A_810 : vector<16xi32> to vector<1x16xi32>
      tpu.vector_store %arg9[%swap3A_812, %swap3A_813], %swap3A_816 {strides = array<i32>} : memref<5x80xi32, #tpu.memory_space<vmem>>, vector<1x16xi32>,
      %add3A_817 = arith.constant 48 : i32
      %add3A_818 = arith.addi %min3A_756, %add3A_817 : i32
      %get3A_819 = arith.index_cast %add3A_818 : i32 to index
      %get3A_820 = tpu.vector_load %arg8[%get3A_819] {strides = array<i32>} : memref<20000xi32, #tpu.memory_space<vmem>>, vector<16xi32>,
      %get3A_821 = vector.shape_cast %get3A_820 : vector<16xi32> to vector<16xi32>
      %sub3A_822 = vector.broadcast %mul3A_82 : i32 to vector<16xi32>
      %sub3A_823 = arith.subi %get3A_821, %sub3A_822 : vector<16xi32>
      %ge3A_824 = arith.constant 0 : i32
      %ge3A_825 = vector.broadcast %ge3A_824 : i32 to vector<16xi32>
      %ge3A_826 = arith.cmpi sge, %sub3A_823, %ge3A_825 : vector<16xi32>
      %lt3A_827 = vector.broadcast %select_n3A_751 : i32 to vector<16xi32>
      %lt3A_828 = arith.cmpi slt, %sub3A_823, %lt3A_827 : vector<16xi32>
      %and3A_829 = arith.andi %ge3A_826, %lt3A_828 : vector<16xi1>
      %select_n3A_830 = arith.select %and3A_829, %sub3A_823, %broadcast_in_dim3A_83 : vector<16xi1>, vector<16xi32>
      %swap3A_831 = arith.constant 4 : i32
      %swap3A_832 = arith.index_cast %swap3A_831 : i32 to index
      %swap3A_833 = arith.constant 48 : index
      %swap3A_834 = tpu.vector_load %arg9[%swap3A_832, %swap3A_833] {strides = array<i32>} : memref<5x80xi32, #tpu.memory_space<vmem>>, vector<1x16xi32>,
      %swap3A_835 = vector.shape_cast %swap3A_834 : vector<1x16xi32> to vector<16xi32>
      %swap3A_836 = vector.shape_cast %select_n3A_830 : vector<16xi32> to vector<1x16xi32>
      tpu.vector_store %arg9[%swap3A_832, %swap3A_833], %swap3A_836 {strides = array<i32>} : memref<5x80xi32, #tpu.memory_space<vmem>>, vector<1x16xi32>,
      %add3A_837 = arith.constant 64 : i32
      %add3A_838 = arith.addi %min3A_756, %add3A_837 : i32
      %get3A_839 = arith.index_cast %add3A_838 : i32 to index
      %get3A_840 = tpu.vector_load %arg8[%get3A_839] {strides = array<i32>} : memref<20000xi32, #tpu.memory_space<vmem>>, vector<16xi32>,
      %get3A_841 = vector.shape_cast %get3A_840 : vector<16xi32> to vector<16xi32>
      %sub3A_842 = vector.broadcast %mul3A_82 : i32 to vector<16xi32>
      %sub3A_843 = arith.subi %get3A_841, %sub3A_842 : vector<16xi32>
      %ge3A_844 = arith.constant 0 : i32
      %ge3A_845 = vector.broadcast %ge3A_844 : i32 to vector<16xi32>
      %ge3A_846 = arith.cmpi sge, %sub3A_843, %ge3A_845 : vector<16xi32>
      %lt3A_847 = vector.broadcast %select_n3A_751 : i32 to vector<16xi32>
      %lt3A_848 = arith.cmpi slt, %sub3A_843, %lt3A_847 : vector<16xi32>
      %and3A_849 = arith.andi %ge3A_846, %lt3A_848 : vector<16xi1>
      %select_n3A_850 = arith.select %and3A_849, %sub3A_843, %broadcast_in_dim3A_83 : vector<16xi1>, vector<16xi32>
      %swap3A_851 = arith.constant 4 : i32
      %swap3A_852 = arith.index_cast %swap3A_851 : i32 to index
      %swap3A_853 = arith.constant 64 : index
      %swap3A_854 = tpu.vector_load %arg9[%swap3A_852, %swap3A_853] {strides = array<i32>} : memref<5x80xi32, #tpu.memory_space<vmem>>, vector<1x16xi32>,
      %swap3A_855 = vector.shape_cast %swap3A_854 : vector<1x16xi32> to vector<16xi32>
      %swap3A_856 = vector.shape_cast %select_n3A_850 : vector<16xi32> to vector<1x16xi32>
      tpu.vector_store %arg9[%swap3A_852, %swap3A_853], %swap3A_856 {strides = array<i32>} : memref<5x80xi32, #tpu.memory_space<vmem>>, vector<1x16xi32>,
      %dma_wait3A_857 = arith.constant 0 : i32
      %dma_wait3A_858 = arith.constant 0 : i32
      %dma_wait3A_859 = tpu.memref_slice %arg2[%dma_wait3A_857, %dma_wait3A_858] : memref<320000x128xf32, #tpu.memory_space<hbm>> -> memref<80x128xf32, #tpu.memory_space<hbm>>
      %dma_wait3A_860 = arith.constant 0 : i32
      %dma_wait3A_861 = arith.constant 0 : i32
      %dma_wait3A_862 = tpu.memref_slice %arg2[%dma_wait3A_860, %dma_wait3A_861] : memref<320000x128xf32, #tpu.memory_space<hbm>> -> memref<80x128xf32, #tpu.memory_space<hbm>>
      tpu.wait_dma2 semaphore(%arg21 : memref<!tpu.dma_semaphore, #tpu.memory_space<semaphore_mem>>) src(%dma_wait3A_862 : memref<80x128xf32, #tpu.memory_space<hbm>>) dst(%arg14 : memref<80x128xf32, #tpu.memory_space<vmem>>)
      %dma_start3A_863 = arith.constant 4 : i32
      %dma_start3A_864 = arith.constant 0 : i32
      %dma_start3A_865 = tpu.memref_slice %arg9[%dma_start3A_863, %dma_start3A_864] : memref<5x80xi32, #tpu.memory_space<vmem>> -> memref<1x80xi32, #tpu.memory_space<vmem>>
      %dma_start3A_866 = tpu.memref_squeeze %dma_start3A_865 : memref<1x80xi32, #tpu.memory_space<vmem>> -> memref<80xi32, #tpu.memory_space<vmem>>
      %dma_start3A_867 = arith.constant 0 : i32
      %dma_start3A_868 = arith.constant 0 : i32
      %dma_start3A_869 = tpu.memref_slice %arg16[%dma_start3A_867, %dma_start3A_868] : memref<5008x128xf32, #tpu.memory_space<vmem_shared>> -> memref<5008x128xf32, #tpu.memory_space<vmem_shared>>
      tpu.enqueue_indirect_dma source(%arg14 : memref<80x128xf32, #tpu.memory_space<vmem>>) target(%dma_start3A_869 : memref<5008x128xf32, #tpu.memory_space<vmem_shared>>) offsets(%dma_start3A_866 : memref<80xi32, #tpu.memory_space<vmem>>) semaphore(%arg26 : memref<!tpu.dma_semaphore, #tpu.memory_space<semaphore_mem>>) {add = true}
    }
    %dma_wait3A = arith.constant 0 : i32
    %dma_wait3A_113 = arith.constant 0 : i32
    %dma_wait3A_114 = tpu.memref_slice %arg2[%dma_wait3A, %dma_wait3A_113] : memref<320000x128xf32, #tpu.memory_space<hbm>> -> memref<80x128xf32, #tpu.memory_space<hbm>>
    %dma_wait3A_115 = arith.constant 0 : i32
    %dma_wait3A_116 = arith.constant 0 : i32
    %dma_wait3A_117 = tpu.memref_slice %arg2[%dma_wait3A_115, %dma_wait3A_116] : memref<320000x128xf32, #tpu.memory_space<hbm>> -> memref<80x128xf32, #tpu.memory_space<hbm>>
    tpu.wait_dma2 semaphore(%arg24 : memref<!tpu.dma_semaphore, #tpu.memory_space<semaphore_mem>>) src(%dma_wait3A_117 : memref<80x128xf32, #tpu.memory_space<hbm>>) dst(%arg12 : memref<80x128xf32, #tpu.memory_space<vmem>>)
    %dma_wait3A_118 = arith.constant 0 : i32
    %dma_wait3A_119 = arith.constant 0 : i32
    %dma_wait3A_120 = tpu.memref_slice %arg2[%dma_wait3A_118, %dma_wait3A_119] : memref<320000x128xf32, #tpu.memory_space<hbm>> -> memref<80x128xf32, #tpu.memory_space<hbm>>
    %dma_wait3A_121 = arith.constant 0 : i32
    %dma_wait3A_122 = arith.constant 0 : i32
    %dma_wait3A_123 = tpu.memref_slice %arg2[%dma_wait3A_121, %dma_wait3A_122] : memref<320000x128xf32, #tpu.memory_space<hbm>> -> memref<80x128xf32, #tpu.memory_space<hbm>>
    tpu.wait_dma2 semaphore(%arg25 : memref<!tpu.dma_semaphore, #tpu.memory_space<semaphore_mem>>) src(%dma_wait3A_123 : memref<80x128xf32, #tpu.memory_space<hbm>>) dst(%arg13 : memref<80x128xf32, #tpu.memory_space<vmem>>)
    %dma_wait3A_124 = arith.constant 0 : i32
    %dma_wait3A_125 = arith.constant 0 : i32
    %dma_wait3A_126 = tpu.memref_slice %arg2[%dma_wait3A_124, %dma_wait3A_125] : memref<320000x128xf32, #tpu.memory_space<hbm>> -> memref<80x128xf32, #tpu.memory_space<hbm>>
    %dma_wait3A_127 = arith.constant 0 : i32
    %dma_wait3A_128 = arith.constant 0 : i32
    %dma_wait3A_129 = tpu.memref_slice %arg2[%dma_wait3A_127, %dma_wait3A_128] : memref<320000x128xf32, #tpu.memory_space<hbm>> -> memref<80x128xf32, #tpu.memory_space<hbm>>
    tpu.wait_dma2 semaphore(%arg26 : memref<!tpu.dma_semaphore, #tpu.memory_space<semaphore_mem>>) src(%dma_wait3A_129 : memref<80x128xf32, #tpu.memory_space<hbm>>) dst(%arg14 : memref<80x128xf32, #tpu.memory_space<vmem>>)
    %barrier3A_130 = arith.constant 0 : index
    tpu.barrier barrier_id(%barrier3A_130)
    %add3A_131 = arith.constant 0 : i32
    %add3A_132 = arith.addi %add3A_131, %arg1 : i32
    %lt3A_133 = arith.constant 125 : i32
    %lt3A_134 = arith.cmpi slt, %add3A_132, %lt3A_133 : i32
    %convert_element_type3A_135 = arith.extui %lt3A_134 : i1 to i32
    %cond3A_136 = arith.constant 0 : i32
    %cond3A_137 = arith.cmpi ne, %convert_element_type3A_135, %cond3A_136 : i32
    scf.if %cond3A_137 {
      %mul3A_187 = arith.constant 40 : i32
      %mul3A_188 = arith.muli %add3A_132, %mul3A_187 : i32
      "tpu.region"() ({
        %run_scoped3A = tpu.sem_alloc : memref<!tpu.dma_semaphore, #tpu.memory_space<semaphore_mem>>
        %dma_start3A_194 = arith.constant 0 : i32
        %dma_start3A_195 = tpu.memref_slice %arg16[%mul3A_188, %dma_start3A_194] : memref<5008x128xf32, #tpu.memory_space<vmem_shared>> -> memref<40x128xf32, #tpu.memory_space<vmem_shared>>
        %dma_start3A_196 = arith.constant 0 : i32
        %dma_start3A_197 = tpu.memref_slice %arg16[%mul3A_188, %dma_start3A_196] : memref<5008x128xf32, #tpu.memory_space<vmem_shared>> -> memref<40x128xf32, #tpu.memory_space<vmem_shared>>
        tpu.enqueue_dma source(%dma_start3A_197 : memref<40x128xf32, #tpu.memory_space<vmem_shared>>) target(%arg15 : memref<40x128xf32, #tpu.memory_space<vmem>>) target_semaphore(%run_scoped3A : memref<!tpu.dma_semaphore, #tpu.memory_space<semaphore_mem>>)
        %dma_wait3A_198 = arith.constant 0 : i32
        %dma_wait3A_199 = tpu.memref_slice %arg16[%mul3A_188, %dma_wait3A_198] : memref<5008x128xf32, #tpu.memory_space<vmem_shared>> -> memref<40x128xf32, #tpu.memory_space<vmem_shared>>
        %dma_wait3A_200 = arith.constant 0 : i32
        %dma_wait3A_201 = tpu.memref_slice %arg16[%mul3A_188, %dma_wait3A_200] : memref<5008x128xf32, #tpu.memory_space<vmem_shared>> -> memref<40x128xf32, #tpu.memory_space<vmem_shared>>
        tpu.wait_dma2 semaphore(%run_scoped3A : memref<!tpu.dma_semaphore, #tpu.memory_space<semaphore_mem>>) src(%dma_wait3A_201 : memref<40x128xf32, #tpu.memory_space<vmem_shared>>) dst(%arg15 : memref<40x128xf32, #tpu.memory_space<vmem>>)
        tpu.yield
      }) : () -> ()
      %mul3A_189 = arith.constant 5000 : i32
      %mul3A_190 = arith.muli %arg0, %mul3A_189 : i32
      %mul3A_191 = arith.constant 40 : i32
      %mul3A_192 = arith.muli %add3A_132, %mul3A_191 : i32
      %add3A_193 = arith.addi %mul3A_190, %mul3A_192 : i32
      "tpu.region"() ({
        %run_scoped3A = tpu.sem_alloc : memref<!tpu.dma_semaphore, #tpu.memory_space<semaphore_mem>>
        %dma_start3A_194 = arith.constant 0 : i32
        %dma_start3A_195 = tpu.memref_slice %arg6[%add3A_193, %dma_start3A_194] : memref<10000x128xf32, #tpu.memory_space<hbm>> -> memref<40x128xf32, #tpu.memory_space<hbm>>
        %dma_start3A_196 = arith.constant 0 : i32
        %dma_start3A_197 = tpu.memref_slice %arg6[%add3A_193, %dma_start3A_196] : memref<10000x128xf32, #tpu.memory_space<hbm>> -> memref<40x128xf32, #tpu.memory_space<hbm>>
        tpu.enqueue_dma source(%arg15 : memref<40x128xf32, #tpu.memory_space<vmem>>) target(%dma_start3A_197 : memref<40x128xf32, #tpu.memory_space<hbm>>) target_semaphore(%run_scoped3A : memref<!tpu.dma_semaphore, #tpu.memory_space<semaphore_mem>>)
        %dma_wait3A_198 = arith.constant 0 : i32
        %dma_wait3A_199 = tpu.memref_slice %arg6[%add3A_193, %dma_wait3A_198] : memref<10000x128xf32, #tpu.memory_space<hbm>> -> memref<40x128xf32, #tpu.memory_space<hbm>>
        %dma_wait3A_200 = arith.constant 0 : i32
        %dma_wait3A_201 = tpu.memref_slice %arg6[%add3A_193, %dma_wait3A_200] : memref<10000x128xf32, #tpu.memory_space<hbm>> -> memref<40x128xf32, #tpu.memory_space<hbm>>
        tpu.wait_dma2 semaphore(%run_scoped3A : memref<!tpu.dma_semaphore, #tpu.memory_space<semaphore_mem>>) src(%arg15 : memref<40x128xf32, #tpu.memory_space<vmem>>) dst(%dma_wait3A_201 : memref<40x128xf32, #tpu.memory_space<hbm>>)
        tpu.yield
      }) : () -> ()
    } else {
    }
    %add3A_138 = arith.constant 16 : i32
    %add3A_139 = arith.addi %add3A_138, %arg1 : i32
    %lt3A_140 = arith.constant 125 : i32
    %lt3A_141 = arith.cmpi slt, %add3A_139, %lt3A_140 : i32
    %convert_element_type3A_142 = arith.extui %lt3A_141 : i1 to i32
    %cond3A_143 = arith.constant 0 : i32
    %cond3A_144 = arith.cmpi ne, %convert_element_type3A_142, %cond3A_143 : i32
    scf.if %cond3A_144 {
      %mul3A_187 = arith.constant 40 : i32
      %mul3A_188 = arith.muli %add3A_139, %mul3A_187 : i32
      "tpu.region"() ({
        %run_scoped3A = tpu.sem_alloc : memref<!tpu.dma_semaphore, #tpu.memory_space<semaphore_mem>>
        %dma_start3A_194 = arith.constant 0 : i32
        %dma_start3A_195 = tpu.memref_slice %arg16[%mul3A_188, %dma_start3A_194] : memref<5008x128xf32, #tpu.memory_space<vmem_shared>> -> memref<40x128xf32, #tpu.memory_space<vmem_shared>>
        %dma_start3A_196 = arith.constant 0 : i32
        %dma_start3A_197 = tpu.memref_slice %arg16[%mul3A_188, %dma_start3A_196] : memref<5008x128xf32, #tpu.memory_space<vmem_shared>> -> memref<40x128xf32, #tpu.memory_space<vmem_shared>>
        tpu.enqueue_dma source(%dma_start3A_197 : memref<40x128xf32, #tpu.memory_space<vmem_shared>>) target(%arg15 : memref<40x128xf32, #tpu.memory_space<vmem>>) target_semaphore(%run_scoped3A : memref<!tpu.dma_semaphore, #tpu.memory_space<semaphore_mem>>)
        %dma_wait3A_198 = arith.constant 0 : i32
        %dma_wait3A_199 = tpu.memref_slice %arg16[%mul3A_188, %dma_wait3A_198] : memref<5008x128xf32, #tpu.memory_space<vmem_shared>> -> memref<40x128xf32, #tpu.memory_space<vmem_shared>>
        %dma_wait3A_200 = arith.constant 0 : i32
        %dma_wait3A_201 = tpu.memref_slice %arg16[%mul3A_188, %dma_wait3A_200] : memref<5008x128xf32, #tpu.memory_space<vmem_shared>> -> memref<40x128xf32, #tpu.memory_space<vmem_shared>>
        tpu.wait_dma2 semaphore(%run_scoped3A : memref<!tpu.dma_semaphore, #tpu.memory_space<semaphore_mem>>) src(%dma_wait3A_201 : memref<40x128xf32, #tpu.memory_space<vmem_shared>>) dst(%arg15 : memref<40x128xf32, #tpu.memory_space<vmem>>)
        tpu.yield
      }) : () -> ()
      %mul3A_189 = arith.constant 5000 : i32
      %mul3A_190 = arith.muli %arg0, %mul3A_189 : i32
      %mul3A_191 = arith.constant 40 : i32
      %mul3A_192 = arith.muli %add3A_139, %mul3A_191 : i32
      %add3A_193 = arith.addi %mul3A_190, %mul3A_192 : i32
      "tpu.region"() ({
        %run_scoped3A = tpu.sem_alloc : memref<!tpu.dma_semaphore, #tpu.memory_space<semaphore_mem>>
        %dma_start3A_194 = arith.constant 0 : i32
        %dma_start3A_195 = tpu.memref_slice %arg6[%add3A_193, %dma_start3A_194] : memref<10000x128xf32, #tpu.memory_space<hbm>> -> memref<40x128xf32, #tpu.memory_space<hbm>>
        %dma_start3A_196 = arith.constant 0 : i32
        %dma_start3A_197 = tpu.memref_slice %arg6[%add3A_193, %dma_start3A_196] : memref<10000x128xf32, #tpu.memory_space<hbm>> -> memref<40x128xf32, #tpu.memory_space<hbm>>
        tpu.enqueue_dma source(%arg15 : memref<40x128xf32, #tpu.memory_space<vmem>>) target(%dma_start3A_197 : memref<40x128xf32, #tpu.memory_space<hbm>>) target_semaphore(%run_scoped3A : memref<!tpu.dma_semaphore, #tpu.memory_space<semaphore_mem>>)
        %dma_wait3A_198 = arith.constant 0 : i32
        %dma_wait3A_199 = tpu.memref_slice %arg6[%add3A_193, %dma_wait3A_198] : memref<10000x128xf32, #tpu.memory_space<hbm>> -> memref<40x128xf32, #tpu.memory_space<hbm>>
        %dma_wait3A_200 = arith.constant 0 : i32
        %dma_wait3A_201 = tpu.memref_slice %arg6[%add3A_193, %dma_wait3A_200] : memref<10000x128xf32, #tpu.memory_space<hbm>> -> memref<40x128xf32, #tpu.memory_space<hbm>>
        tpu.wait_dma2 semaphore(%run_scoped3A : memref<!tpu.dma_semaphore, #tpu.memory_space<semaphore_mem>>) src(%arg15 : memref<40x128xf32, #tpu.memory_space<vmem>>) dst(%dma_wait3A_201 : memref<40x128xf32, #tpu.memory_space<hbm>>)
        tpu.yield
      }) : () -> ()
    } else {
    }
    %add3A_145 = arith.constant 32 : i32
    %add3A_146 = arith.addi %add3A_145, %arg1 : i32
    %lt3A_147 = arith.constant 125 : i32
    %lt3A_148 = arith.cmpi slt, %add3A_146, %lt3A_147 : i32
    %convert_element_type3A_149 = arith.extui %lt3A_148 : i1 to i32
    %cond3A_150 = arith.constant 0 : i32
    %cond3A_151 = arith.cmpi ne, %convert_element_type3A_149, %cond3A_150 : i32
    scf.if %cond3A_151 {
      %mul3A_187 = arith.constant 40 : i32
      %mul3A_188 = arith.muli %add3A_146, %mul3A_187 : i32
      "tpu.region"() ({
        %run_scoped3A = tpu.sem_alloc : memref<!tpu.dma_semaphore, #tpu.memory_space<semaphore_mem>>
        %dma_start3A_194 = arith.constant 0 : i32
        %dma_start3A_195 = tpu.memref_slice %arg16[%mul3A_188, %dma_start3A_194] : memref<5008x128xf32, #tpu.memory_space<vmem_shared>> -> memref<40x128xf32, #tpu.memory_space<vmem_shared>>
        %dma_start3A_196 = arith.constant 0 : i32
        %dma_start3A_197 = tpu.memref_slice %arg16[%mul3A_188, %dma_start3A_196] : memref<5008x128xf32, #tpu.memory_space<vmem_shared>> -> memref<40x128xf32, #tpu.memory_space<vmem_shared>>
        tpu.enqueue_dma source(%dma_start3A_197 : memref<40x128xf32, #tpu.memory_space<vmem_shared>>) target(%arg15 : memref<40x128xf32, #tpu.memory_space<vmem>>) target_semaphore(%run_scoped3A : memref<!tpu.dma_semaphore, #tpu.memory_space<semaphore_mem>>)
        %dma_wait3A_198 = arith.constant 0 : i32
        %dma_wait3A_199 = tpu.memref_slice %arg16[%mul3A_188, %dma_wait3A_198] : memref<5008x128xf32, #tpu.memory_space<vmem_shared>> -> memref<40x128xf32, #tpu.memory_space<vmem_shared>>
        %dma_wait3A_200 = arith.constant 0 : i32
        %dma_wait3A_201 = tpu.memref_slice %arg16[%mul3A_188, %dma_wait3A_200] : memref<5008x128xf32, #tpu.memory_space<vmem_shared>> -> memref<40x128xf32, #tpu.memory_space<vmem_shared>>
        tpu.wait_dma2 semaphore(%run_scoped3A : memref<!tpu.dma_semaphore, #tpu.memory_space<semaphore_mem>>) src(%dma_wait3A_201 : memref<40x128xf32, #tpu.memory_space<vmem_shared>>) dst(%arg15 : memref<40x128xf32, #tpu.memory_space<vmem>>)
        tpu.yield
      }) : () -> ()
      %mul3A_189 = arith.constant 5000 : i32
      %mul3A_190 = arith.muli %arg0, %mul3A_189 : i32
      %mul3A_191 = arith.constant 40 : i32
      %mul3A_192 = arith.muli %add3A_146, %mul3A_191 : i32
      %add3A_193 = arith.addi %mul3A_190, %mul3A_192 : i32
      "tpu.region"() ({
        %run_scoped3A = tpu.sem_alloc : memref<!tpu.dma_semaphore, #tpu.memory_space<semaphore_mem>>
        %dma_start3A_194 = arith.constant 0 : i32
        %dma_start3A_195 = tpu.memref_slice %arg6[%add3A_193, %dma_start3A_194] : memref<10000x128xf32, #tpu.memory_space<hbm>> -> memref<40x128xf32, #tpu.memory_space<hbm>>
        %dma_start3A_196 = arith.constant 0 : i32
        %dma_start3A_197 = tpu.memref_slice %arg6[%add3A_193, %dma_start3A_196] : memref<10000x128xf32, #tpu.memory_space<hbm>> -> memref<40x128xf32, #tpu.memory_space<hbm>>
        tpu.enqueue_dma source(%arg15 : memref<40x128xf32, #tpu.memory_space<vmem>>) target(%dma_start3A_197 : memref<40x128xf32, #tpu.memory_space<hbm>>) target_semaphore(%run_scoped3A : memref<!tpu.dma_semaphore, #tpu.memory_space<semaphore_mem>>)
        %dma_wait3A_198 = arith.constant 0 : i32
        %dma_wait3A_199 = tpu.memref_slice %arg6[%add3A_193, %dma_wait3A_198] : memref<10000x128xf32, #tpu.memory_space<hbm>> -> memref<40x128xf32, #tpu.memory_space<hbm>>
        %dma_wait3A_200 = arith.constant 0 : i32
        %dma_wait3A_201 = tpu.memref_slice %arg6[%add3A_193, %dma_wait3A_200] : memref<10000x128xf32, #tpu.memory_space<hbm>> -> memref<40x128xf32, #tpu.memory_space<hbm>>
        tpu.wait_dma2 semaphore(%run_scoped3A : memref<!tpu.dma_semaphore, #tpu.memory_space<semaphore_mem>>) src(%arg15 : memref<40x128xf32, #tpu.memory_space<vmem>>) dst(%dma_wait3A_201 : memref<40x128xf32, #tpu.memory_space<hbm>>)
        tpu.yield
      }) : () -> ()
    } else {
    }
    %add3A_152 = arith.constant 48 : i32
    %add3A_153 = arith.addi %add3A_152, %arg1 : i32
    %lt3A_154 = arith.constant 125 : i32
    %lt3A_155 = arith.cmpi slt, %add3A_153, %lt3A_154 : i32
    %convert_element_type3A_156 = arith.extui %lt3A_155 : i1 to i32
    %cond3A_157 = arith.constant 0 : i32
    %cond3A_158 = arith.cmpi ne, %convert_element_type3A_156, %cond3A_157 : i32
    scf.if %cond3A_158 {
      %mul3A_187 = arith.constant 40 : i32
      %mul3A_188 = arith.muli %add3A_153, %mul3A_187 : i32
      "tpu.region"() ({
        %run_scoped3A = tpu.sem_alloc : memref<!tpu.dma_semaphore, #tpu.memory_space<semaphore_mem>>
        %dma_start3A_194 = arith.constant 0 : i32
        %dma_start3A_195 = tpu.memref_slice %arg16[%mul3A_188, %dma_start3A_194] : memref<5008x128xf32, #tpu.memory_space<vmem_shared>> -> memref<40x128xf32, #tpu.memory_space<vmem_shared>>
        %dma_start3A_196 = arith.constant 0 : i32
        %dma_start3A_197 = tpu.memref_slice %arg16[%mul3A_188, %dma_start3A_196] : memref<5008x128xf32, #tpu.memory_space<vmem_shared>> -> memref<40x128xf32, #tpu.memory_space<vmem_shared>>
        tpu.enqueue_dma source(%dma_start3A_197 : memref<40x128xf32, #tpu.memory_space<vmem_shared>>) target(%arg15 : memref<40x128xf32, #tpu.memory_space<vmem>>) target_semaphore(%run_scoped3A : memref<!tpu.dma_semaphore, #tpu.memory_space<semaphore_mem>>)
        %dma_wait3A_198 = arith.constant 0 : i32
        %dma_wait3A_199 = tpu.memref_slice %arg16[%mul3A_188, %dma_wait3A_198] : memref<5008x128xf32, #tpu.memory_space<vmem_shared>> -> memref<40x128xf32, #tpu.memory_space<vmem_shared>>
        %dma_wait3A_200 = arith.constant 0 : i32
        %dma_wait3A_201 = tpu.memref_slice %arg16[%mul3A_188, %dma_wait3A_200] : memref<5008x128xf32, #tpu.memory_space<vmem_shared>> -> memref<40x128xf32, #tpu.memory_space<vmem_shared>>
        tpu.wait_dma2 semaphore(%run_scoped3A : memref<!tpu.dma_semaphore, #tpu.memory_space<semaphore_mem>>) src(%dma_wait3A_201 : memref<40x128xf32, #tpu.memory_space<vmem_shared>>) dst(%arg15 : memref<40x128xf32, #tpu.memory_space<vmem>>)
        tpu.yield
      }) : () -> ()
      %mul3A_189 = arith.constant 5000 : i32
      %mul3A_190 = arith.muli %arg0, %mul3A_189 : i32
      %mul3A_191 = arith.constant 40 : i32
      %mul3A_192 = arith.muli %add3A_153, %mul3A_191 : i32
      %add3A_193 = arith.addi %mul3A_190, %mul3A_192 : i32
      "tpu.region"() ({
        %run_scoped3A = tpu.sem_alloc : memref<!tpu.dma_semaphore, #tpu.memory_space<semaphore_mem>>
        %dma_start3A_194 = arith.constant 0 : i32
        %dma_start3A_195 = tpu.memref_slice %arg6[%add3A_193, %dma_start3A_194] : memref<10000x128xf32, #tpu.memory_space<hbm>> -> memref<40x128xf32, #tpu.memory_space<hbm>>
        %dma_start3A_196 = arith.constant 0 : i32
        %dma_start3A_197 = tpu.memref_slice %arg6[%add3A_193, %dma_start3A_196] : memref<10000x128xf32, #tpu.memory_space<hbm>> -> memref<40x128xf32, #tpu.memory_space<hbm>>
        tpu.enqueue_dma source(%arg15 : memref<40x128xf32, #tpu.memory_space<vmem>>) target(%dma_start3A_197 : memref<40x128xf32, #tpu.memory_space<hbm>>) target_semaphore(%run_scoped3A : memref<!tpu.dma_semaphore, #tpu.memory_space<semaphore_mem>>)
        %dma_wait3A_198 = arith.constant 0 : i32
        %dma_wait3A_199 = tpu.memref_slice %arg6[%add3A_193, %dma_wait3A_198] : memref<10000x128xf32, #tpu.memory_space<hbm>> -> memref<40x128xf32, #tpu.memory_space<hbm>>
        %dma_wait3A_200 = arith.constant 0 : i32
        %dma_wait3A_201 = tpu.memref_slice %arg6[%add3A_193, %dma_wait3A_200] : memref<10000x128xf32, #tpu.memory_space<hbm>> -> memref<40x128xf32, #tpu.memory_space<hbm>>
        tpu.wait_dma2 semaphore(%run_scoped3A : memref<!tpu.dma_semaphore, #tpu.memory_space<semaphore_mem>>) src(%arg15 : memref<40x128xf32, #tpu.memory_space<vmem>>) dst(%dma_wait3A_201 : memref<40x128xf32, #tpu.memory_space<hbm>>)
        tpu.yield
      }) : () -> ()
    } else {
    }
    %add3A_159 = arith.constant 64 : i32
    %add3A_160 = arith.addi %add3A_159, %arg1 : i32
    %lt3A_161 = arith.constant 125 : i32
    %lt3A_162 = arith.cmpi slt, %add3A_160, %lt3A_161 : i32
    %convert_element_type3A_163 = arith.extui %lt3A_162 : i1 to i32
    %cond3A_164 = arith.constant 0 : i32
    %cond3A_165 = arith.cmpi ne, %convert_element_type3A_163, %cond3A_164 : i32
    scf.if %cond3A_165 {
      %mul3A_187 = arith.constant 40 : i32
      %mul3A_188 = arith.muli %add3A_160, %mul3A_187 : i32
      "tpu.region"() ({
        %run_scoped3A = tpu.sem_alloc : memref<!tpu.dma_semaphore, #tpu.memory_space<semaphore_mem>>
        %dma_start3A_194 = arith.constant 0 : i32
        %dma_start3A_195 = tpu.memref_slice %arg16[%mul3A_188, %dma_start3A_194] : memref<5008x128xf32, #tpu.memory_space<vmem_shared>> -> memref<40x128xf32, #tpu.memory_space<vmem_shared>>
        %dma_start3A_196 = arith.constant 0 : i32
        %dma_start3A_197 = tpu.memref_slice %arg16[%mul3A_188, %dma_start3A_196] : memref<5008x128xf32, #tpu.memory_space<vmem_shared>> -> memref<40x128xf32, #tpu.memory_space<vmem_shared>>
        tpu.enqueue_dma source(%dma_start3A_197 : memref<40x128xf32, #tpu.memory_space<vmem_shared>>) target(%arg15 : memref<40x128xf32, #tpu.memory_space<vmem>>) target_semaphore(%run_scoped3A : memref<!tpu.dma_semaphore, #tpu.memory_space<semaphore_mem>>)
        %dma_wait3A_198 = arith.constant 0 : i32
        %dma_wait3A_199 = tpu.memref_slice %arg16[%mul3A_188, %dma_wait3A_198] : memref<5008x128xf32, #tpu.memory_space<vmem_shared>> -> memref<40x128xf32, #tpu.memory_space<vmem_shared>>
        %dma_wait3A_200 = arith.constant 0 : i32
        %dma_wait3A_201 = tpu.memref_slice %arg16[%mul3A_188, %dma_wait3A_200] : memref<5008x128xf32, #tpu.memory_space<vmem_shared>> -> memref<40x128xf32, #tpu.memory_space<vmem_shared>>
        tpu.wait_dma2 semaphore(%run_scoped3A : memref<!tpu.dma_semaphore, #tpu.memory_space<semaphore_mem>>) src(%dma_wait3A_201 : memref<40x128xf32, #tpu.memory_space<vmem_shared>>) dst(%arg15 : memref<40x128xf32, #tpu.memory_space<vmem>>)
        tpu.yield
      }) : () -> ()
      %mul3A_189 = arith.constant 5000 : i32
      %mul3A_190 = arith.muli %arg0, %mul3A_189 : i32
      %mul3A_191 = arith.constant 40 : i32
      %mul3A_192 = arith.muli %add3A_160, %mul3A_191 : i32
      %add3A_193 = arith.addi %mul3A_190, %mul3A_192 : i32
      "tpu.region"() ({
        %run_scoped3A = tpu.sem_alloc : memref<!tpu.dma_semaphore, #tpu.memory_space<semaphore_mem>>
        %dma_start3A_194 = arith.constant 0 : i32
        %dma_start3A_195 = tpu.memref_slice %arg6[%add3A_193, %dma_start3A_194] : memref<10000x128xf32, #tpu.memory_space<hbm>> -> memref<40x128xf32, #tpu.memory_space<hbm>>
        %dma_start3A_196 = arith.constant 0 : i32
        %dma_start3A_197 = tpu.memref_slice %arg6[%add3A_193, %dma_start3A_196] : memref<10000x128xf32, #tpu.memory_space<hbm>> -> memref<40x128xf32, #tpu.memory_space<hbm>>
        tpu.enqueue_dma source(%arg15 : memref<40x128xf32, #tpu.memory_space<vmem>>) target(%dma_start3A_197 : memref<40x128xf32, #tpu.memory_space<hbm>>) target_semaphore(%run_scoped3A : memref<!tpu.dma_semaphore, #tpu.memory_space<semaphore_mem>>)
        %dma_wait3A_198 = arith.constant 0 : i32
        %dma_wait3A_199 = tpu.memref_slice %arg6[%add3A_193, %dma_wait3A_198] : memref<10000x128xf32, #tpu.memory_space<hbm>> -> memref<40x128xf32, #tpu.memory_space<hbm>>
        %dma_wait3A_200 = arith.constant 0 : i32
        %dma_wait3A_201 = tpu.memref_slice %arg6[%add3A_193, %dma_wait3A_200] : memref<10000x128xf32, #tpu.memory_space<hbm>> -> memref<40x128xf32, #tpu.memory_space<hbm>>
        tpu.wait_dma2 semaphore(%run_scoped3A : memref<!tpu.dma_semaphore, #tpu.memory_space<semaphore_mem>>) src(%arg15 : memref<40x128xf32, #tpu.memory_space<vmem>>) dst(%dma_wait3A_201 : memref<40x128xf32, #tpu.memory_space<hbm>>)
        tpu.yield
      }) : () -> ()
    } else {
    }
    %add3A_166 = arith.constant 80 : i32
    %add3A_167 = arith.addi %add3A_166, %arg1 : i32
    %lt3A_168 = arith.constant 125 : i32
    %lt3A_169 = arith.cmpi slt, %add3A_167, %lt3A_168 : i32
    %convert_element_type3A_170 = arith.extui %lt3A_169 : i1 to i32
    %cond3A_171 = arith.constant 0 : i32
    %cond3A_172 = arith.cmpi ne, %convert_element_type3A_170, %cond3A_171 : i32
    scf.if %cond3A_172 {
      %mul3A_187 = arith.constant 40 : i32
      %mul3A_188 = arith.muli %add3A_167, %mul3A_187 : i32
      "tpu.region"() ({
        %run_scoped3A = tpu.sem_alloc : memref<!tpu.dma_semaphore, #tpu.memory_space<semaphore_mem>>
        %dma_start3A_194 = arith.constant 0 : i32
        %dma_start3A_195 = tpu.memref_slice %arg16[%mul3A_188, %dma_start3A_194] : memref<5008x128xf32, #tpu.memory_space<vmem_shared>> -> memref<40x128xf32, #tpu.memory_space<vmem_shared>>
        %dma_start3A_196 = arith.constant 0 : i32
        %dma_start3A_197 = tpu.memref_slice %arg16[%mul3A_188, %dma_start3A_196] : memref<5008x128xf32, #tpu.memory_space<vmem_shared>> -> memref<40x128xf32, #tpu.memory_space<vmem_shared>>
        tpu.enqueue_dma source(%dma_start3A_197 : memref<40x128xf32, #tpu.memory_space<vmem_shared>>) target(%arg15 : memref<40x128xf32, #tpu.memory_space<vmem>>) target_semaphore(%run_scoped3A : memref<!tpu.dma_semaphore, #tpu.memory_space<semaphore_mem>>)
        %dma_wait3A_198 = arith.constant 0 : i32
        %dma_wait3A_199 = tpu.memref_slice %arg16[%mul3A_188, %dma_wait3A_198] : memref<5008x128xf32, #tpu.memory_space<vmem_shared>> -> memref<40x128xf32, #tpu.memory_space<vmem_shared>>
        %dma_wait3A_200 = arith.constant 0 : i32
        %dma_wait3A_201 = tpu.memref_slice %arg16[%mul3A_188, %dma_wait3A_200] : memref<5008x128xf32, #tpu.memory_space<vmem_shared>> -> memref<40x128xf32, #tpu.memory_space<vmem_shared>>
        tpu.wait_dma2 semaphore(%run_scoped3A : memref<!tpu.dma_semaphore, #tpu.memory_space<semaphore_mem>>) src(%dma_wait3A_201 : memref<40x128xf32, #tpu.memory_space<vmem_shared>>) dst(%arg15 : memref<40x128xf32, #tpu.memory_space<vmem>>)
        tpu.yield
      }) : () -> ()
      %mul3A_189 = arith.constant 5000 : i32
      %mul3A_190 = arith.muli %arg0, %mul3A_189 : i32
      %mul3A_191 = arith.constant 40 : i32
      %mul3A_192 = arith.muli %add3A_167, %mul3A_191 : i32
      %add3A_193 = arith.addi %mul3A_190, %mul3A_192 : i32
      "tpu.region"() ({
        %run_scoped3A = tpu.sem_alloc : memref<!tpu.dma_semaphore, #tpu.memory_space<semaphore_mem>>
        %dma_start3A_194 = arith.constant 0 : i32
        %dma_start3A_195 = tpu.memref_slice %arg6[%add3A_193, %dma_start3A_194] : memref<10000x128xf32, #tpu.memory_space<hbm>> -> memref<40x128xf32, #tpu.memory_space<hbm>>
        %dma_start3A_196 = arith.constant 0 : i32
        %dma_start3A_197 = tpu.memref_slice %arg6[%add3A_193, %dma_start3A_196] : memref<10000x128xf32, #tpu.memory_space<hbm>> -> memref<40x128xf32, #tpu.memory_space<hbm>>
        tpu.enqueue_dma source(%arg15 : memref<40x128xf32, #tpu.memory_space<vmem>>) target(%dma_start3A_197 : memref<40x128xf32, #tpu.memory_space<hbm>>) target_semaphore(%run_scoped3A : memref<!tpu.dma_semaphore, #tpu.memory_space<semaphore_mem>>)
        %dma_wait3A_198 = arith.constant 0 : i32
        %dma_wait3A_199 = tpu.memref_slice %arg6[%add3A_193, %dma_wait3A_198] : memref<10000x128xf32, #tpu.memory_space<hbm>> -> memref<40x128xf32, #tpu.memory_space<hbm>>
        %dma_wait3A_200 = arith.constant 0 : i32
        %dma_wait3A_201 = tpu.memref_slice %arg6[%add3A_193, %dma_wait3A_200] : memref<10000x128xf32, #tpu.memory_space<hbm>> -> memref<40x128xf32, #tpu.memory_space<hbm>>
        tpu.wait_dma2 semaphore(%run_scoped3A : memref<!tpu.dma_semaphore, #tpu.memory_space<semaphore_mem>>) src(%arg15 : memref<40x128xf32, #tpu.memory_space<vmem>>) dst(%dma_wait3A_201 : memref<40x128xf32, #tpu.memory_space<hbm>>)
        tpu.yield
      }) : () -> ()
    } else {
    }
    %add3A_173 = arith.constant 96 : i32
    %add3A_174 = arith.addi %add3A_173, %arg1 : i32
    %lt3A_175 = arith.constant 125 : i32
    %lt3A_176 = arith.cmpi slt, %add3A_174, %lt3A_175 : i32
    %convert_element_type3A_177 = arith.extui %lt3A_176 : i1 to i32
    %cond3A_178 = arith.constant 0 : i32
    %cond3A_179 = arith.cmpi ne, %convert_element_type3A_177, %cond3A_178 : i32
    scf.if %cond3A_179 {
      %mul3A_187 = arith.constant 40 : i32
      %mul3A_188 = arith.muli %add3A_174, %mul3A_187 : i32
      "tpu.region"() ({
        %run_scoped3A = tpu.sem_alloc : memref<!tpu.dma_semaphore, #tpu.memory_space<semaphore_mem>>
        %dma_start3A_194 = arith.constant 0 : i32
        %dma_start3A_195 = tpu.memref_slice %arg16[%mul3A_188, %dma_start3A_194] : memref<5008x128xf32, #tpu.memory_space<vmem_shared>> -> memref<40x128xf32, #tpu.memory_space<vmem_shared>>
        %dma_start3A_196 = arith.constant 0 : i32
        %dma_start3A_197 = tpu.memref_slice %arg16[%mul3A_188, %dma_start3A_196] : memref<5008x128xf32, #tpu.memory_space<vmem_shared>> -> memref<40x128xf32, #tpu.memory_space<vmem_shared>>
        tpu.enqueue_dma source(%dma_start3A_197 : memref<40x128xf32, #tpu.memory_space<vmem_shared>>) target(%arg15 : memref<40x128xf32, #tpu.memory_space<vmem>>) target_semaphore(%run_scoped3A : memref<!tpu.dma_semaphore, #tpu.memory_space<semaphore_mem>>)
        %dma_wait3A_198 = arith.constant 0 : i32
        %dma_wait3A_199 = tpu.memref_slice %arg16[%mul3A_188, %dma_wait3A_198] : memref<5008x128xf32, #tpu.memory_space<vmem_shared>> -> memref<40x128xf32, #tpu.memory_space<vmem_shared>>
        %dma_wait3A_200 = arith.constant 0 : i32
        %dma_wait3A_201 = tpu.memref_slice %arg16[%mul3A_188, %dma_wait3A_200] : memref<5008x128xf32, #tpu.memory_space<vmem_shared>> -> memref<40x128xf32, #tpu.memory_space<vmem_shared>>
        tpu.wait_dma2 semaphore(%run_scoped3A : memref<!tpu.dma_semaphore, #tpu.memory_space<semaphore_mem>>) src(%dma_wait3A_201 : memref<40x128xf32, #tpu.memory_space<vmem_shared>>) dst(%arg15 : memref<40x128xf32, #tpu.memory_space<vmem>>)
        tpu.yield
      }) : () -> ()
      %mul3A_189 = arith.constant 5000 : i32
      %mul3A_190 = arith.muli %arg0, %mul3A_189 : i32
      %mul3A_191 = arith.constant 40 : i32
      %mul3A_192 = arith.muli %add3A_174, %mul3A_191 : i32
      %add3A_193 = arith.addi %mul3A_190, %mul3A_192 : i32
      "tpu.region"() ({
        %run_scoped3A = tpu.sem_alloc : memref<!tpu.dma_semaphore, #tpu.memory_space<semaphore_mem>>
        %dma_start3A_194 = arith.constant 0 : i32
        %dma_start3A_195 = tpu.memref_slice %arg6[%add3A_193, %dma_start3A_194] : memref<10000x128xf32, #tpu.memory_space<hbm>> -> memref<40x128xf32, #tpu.memory_space<hbm>>
        %dma_start3A_196 = arith.constant 0 : i32
        %dma_start3A_197 = tpu.memref_slice %arg6[%add3A_193, %dma_start3A_196] : memref<10000x128xf32, #tpu.memory_space<hbm>> -> memref<40x128xf32, #tpu.memory_space<hbm>>
        tpu.enqueue_dma source(%arg15 : memref<40x128xf32, #tpu.memory_space<vmem>>) target(%dma_start3A_197 : memref<40x128xf32, #tpu.memory_space<hbm>>) target_semaphore(%run_scoped3A : memref<!tpu.dma_semaphore, #tpu.memory_space<semaphore_mem>>)
        %dma_wait3A_198 = arith.constant 0 : i32
        %dma_wait3A_199 = tpu.memref_slice %arg6[%add3A_193, %dma_wait3A_198] : memref<10000x128xf32, #tpu.memory_space<hbm>> -> memref<40x128xf32, #tpu.memory_space<hbm>>
        %dma_wait3A_200 = arith.constant 0 : i32
        %dma_wait3A_201 = tpu.memref_slice %arg6[%add3A_193, %dma_wait3A_200] : memref<10000x128xf32, #tpu.memory_space<hbm>> -> memref<40x128xf32, #tpu.memory_space<hbm>>
        tpu.wait_dma2 semaphore(%run_scoped3A : memref<!tpu.dma_semaphore, #tpu.memory_space<semaphore_mem>>) src(%arg15 : memref<40x128xf32, #tpu.memory_space<vmem>>) dst(%dma_wait3A_201 : memref<40x128xf32, #tpu.memory_space<hbm>>)
        tpu.yield
      }) : () -> ()
    } else {
    }
    %add3A_180 = arith.constant 112 : i32
    %add3A_181 = arith.addi %add3A_180, %arg1 : i32
    %lt3A_182 = arith.constant 125 : i32
    %lt3A_183 = arith.cmpi slt, %add3A_181, %lt3A_182 : i32
    %convert_element_type3A_184 = arith.extui %lt3A_183 : i1 to i32
    %cond3A_185 = arith.constant 0 : i32
    %cond3A_186 = arith.cmpi ne, %convert_element_type3A_184, %cond3A_185 : i32
    scf.if %cond3A_186 {
      %mul3A_187 = arith.constant 40 : i32
      %mul3A_188 = arith.muli %add3A_181, %mul3A_187 : i32
      "tpu.region"() ({
        %run_scoped3A = tpu.sem_alloc : memref<!tpu.dma_semaphore, #tpu.memory_space<semaphore_mem>>
        %dma_start3A_194 = arith.constant 0 : i32
        %dma_start3A_195 = tpu.memref_slice %arg16[%mul3A_188, %dma_start3A_194] : memref<5008x128xf32, #tpu.memory_space<vmem_shared>> -> memref<40x128xf32, #tpu.memory_space<vmem_shared>>
        %dma_start3A_196 = arith.constant 0 : i32
        %dma_start3A_197 = tpu.memref_slice %arg16[%mul3A_188, %dma_start3A_196] : memref<5008x128xf32, #tpu.memory_space<vmem_shared>> -> memref<40x128xf32, #tpu.memory_space<vmem_shared>>
        tpu.enqueue_dma source(%dma_start3A_197 : memref<40x128xf32, #tpu.memory_space<vmem_shared>>) target(%arg15 : memref<40x128xf32, #tpu.memory_space<vmem>>) target_semaphore(%run_scoped3A : memref<!tpu.dma_semaphore, #tpu.memory_space<semaphore_mem>>)
        %dma_wait3A_198 = arith.constant 0 : i32
        %dma_wait3A_199 = tpu.memref_slice %arg16[%mul3A_188, %dma_wait3A_198] : memref<5008x128xf32, #tpu.memory_space<vmem_shared>> -> memref<40x128xf32, #tpu.memory_space<vmem_shared>>
        %dma_wait3A_200 = arith.constant 0 : i32
        %dma_wait3A_201 = tpu.memref_slice %arg16[%mul3A_188, %dma_wait3A_200] : memref<5008x128xf32, #tpu.memory_space<vmem_shared>> -> memref<40x128xf32, #tpu.memory_space<vmem_shared>>
        tpu.wait_dma2 semaphore(%run_scoped3A : memref<!tpu.dma_semaphore, #tpu.memory_space<semaphore_mem>>) src(%dma_wait3A_201 : memref<40x128xf32, #tpu.memory_space<vmem_shared>>) dst(%arg15 : memref<40x128xf32, #tpu.memory_space<vmem>>)
        tpu.yield
      }) : () -> ()
      %mul3A_189 = arith.constant 5000 : i32
      %mul3A_190 = arith.muli %arg0, %mul3A_189 : i32
      %mul3A_191 = arith.constant 40 : i32
      %mul3A_192 = arith.muli %add3A_181, %mul3A_191 : i32
      %add3A_193 = arith.addi %mul3A_190, %mul3A_192 : i32
      "tpu.region"() ({
        %run_scoped3A = tpu.sem_alloc : memref<!tpu.dma_semaphore, #tpu.memory_space<semaphore_mem>>
        %dma_start3A_194 = arith.constant 0 : i32
        %dma_start3A_195 = tpu.memref_slice %arg6[%add3A_193, %dma_start3A_194] : memref<10000x128xf32, #tpu.memory_space<hbm>> -> memref<40x128xf32, #tpu.memory_space<hbm>>
        %dma_start3A_196 = arith.constant 0 : i32
        %dma_start3A_197 = tpu.memref_slice %arg6[%add3A_193, %dma_start3A_196] : memref<10000x128xf32, #tpu.memory_space<hbm>> -> memref<40x128xf32, #tpu.memory_space<hbm>>
        tpu.enqueue_dma source(%arg15 : memref<40x128xf32, #tpu.memory_space<vmem>>) target(%dma_start3A_197 : memref<40x128xf32, #tpu.memory_space<hbm>>) target_semaphore(%run_scoped3A : memref<!tpu.dma_semaphore, #tpu.memory_space<semaphore_mem>>)
        %dma_wait3A_198 = arith.constant 0 : i32
        %dma_wait3A_199 = tpu.memref_slice %arg6[%add3A_193, %dma_wait3A_198] : memref<10000x128xf32, #tpu.memory_space<hbm>> -> memref<40x128xf32, #tpu.memory_space<hbm>>
        %dma_wait3A_200 = arith.constant 0 : i32
        %dma_wait3A_201 = tpu.memref_slice %arg6[%add3A_193, %dma_wait3A_200] : memref<10000x128xf32, #tpu.memory_space<hbm>> -> memref<40x128xf32, #tpu.memory_space<hbm>>
        tpu.wait_dma2 semaphore(%run_scoped3A : memref<!tpu.dma_semaphore, #tpu.memory_space<semaphore_mem>>) src(%arg15 : memref<40x128xf32, #tpu.memory_space<vmem>>) dst(%dma_wait3A_201 : memref<40x128xf32, #tpu.memory_space<hbm>>)
        tpu.yield
      }) : () -> ()
    } else {
    }
    return
  }
}

</mosaic_0001>

<sc_bundles>
// kernel: kernel.3.cloned.1.call-start
scs
__scs_entry_jumppad:
0x0: {  	(pc) =	sbr.rel $0x88, $3  }
0x1: {  	(tag) =	ssettag $0x0;
	lr =	simm.s32 $0x1  }
0x2: {  	[smem:$0x3F9F] =	sst lr;
	_ =	strace $0xD0000000  }
0x3: {  	_ = 	snop  }
0x4: {  	_ = 	snop  }
0x5: {  	_ = 	snop  }
0x6: {  	_ = 	snop  }
0x7: {  	_ = 	snop  }
__scs_overlays_trampoline_lowered:
0x8: {  	[smem:$0x3FAE] =	sst s0  }
0x9: {  	[smem:$0x3FAF] =	sst s1  }
0xa: {  	[smem:$0x3FB0] =	sst s2  }
0xb: {  	[smem:$0x3FB1] =	sst s3  }
0xc: {  	[smem:$0x3FB2] =	sst s4  }
0xd: {  	[smem:$0x3FB3] =	sst s5  }
0xe: {  	[smem:$0x3FB4] =	sst s6  }
0xf: {  	[smem:$0x3FB5] =	sst s7  }
0x10: {  	[smem:$0x3FB6] =	sst s8  }
0x11: {  	[smem:$0x3FB7] =	sst s9;
	s0 =	simm.s32 @!p0 $0x0  }
0x12: {  	s1 =	sld [smem:$0x3F9D];
	s0 =	simm.s32 @p0 $0x1  }
0x13: {  	[smem:$0x3FB8] =	sst s0;
	s0 =	simm.s32 @!p1 $0x0  }
0x14: {  	s2 =	sld [smem:$0x3F9C];
	s0 =	simm.s32 @p1 $0x1  }
0x15: {  	[smem:$0x3FB9] =	sst s0;
	s0 =	simm.s32 @!p2 $0x0  }
0x16: {  	s3 =	sld [smem:$0x3FDB];
	s0 =	simm.s32 @p2 $0x1  }
0x17: {  	s4 =	simm.s32 $0x1BF5;
	[smem:$0x3FBB] =	sst s0  }
0x18: {  	s0 =	sld [smem:$0x3F9E];
	_ =	swait.ge [sflag:s4], $0x0  }
0x19: {  	s7 =	sld [smem:$0x3F9F]  }
0x1a: {  	s8 =	sadd.s32 $0xFFFFE003, lr  }
0x1b: {  	s9 =	sadd.s32 $0xFFFFFEF7, lr;
	s5 =	simm.s32 $0xFFFFFFFF;
	p2 =	slt.u32 s8, $0xFFFFF086  }
0x1c: {  	p1 =	slt.u32 s9, $0xF7A;
	s5 =	simm.s32 @!p2 $0x0  }
0x1d: {  	s5 =	simm.s32 @p1 $0x1;
	p0 =	seq.s32 s7, s2  }
0x1e: {  	s7 =	smul.u32 @!p0 $0xF7A, s2;
	p2 =	seq.s32 @!p0 s5, $0x0  }
0x1f: {  	s9 =	smul.u32 $0xF7A, s1;
	s8 =	simm.s32 @!p0 $0x1BF5;
	p2 =	por !p2, p0  }
0x20: {  	[sflag:s8] =	ssyncset.s32 @!p0 $0xFFFFF086;
	s6 =	sadd.s32 @!p0 s3, s7;
	s7 =	simm.s32 @!p0 $0x108  }
0x21: {  	s3 =	sadd.s32 s3, s9;
	s6 =	sadd.s32 @!p0 $0x88, s6;
	s7 =	simm.s32 @p2 $0x1082  }
0x22: {  	[simem:s7], [sflag:s8] =	dma.local @!p0 [hbm:s6], $0xF7A  }
0x23: {  	s9 =	sor.u32 $0xD0000000, s2;
	s6 =	simm.s32 $0x108;
	_ =	swait.ge @!p0 [sflag:s8], $0x0  }
0x24: {  	s3 =	sadd.s32 $0x88, s3;
	s6 =	simm.s32 @!p1 $0x1082;
	[sflag:s4] =	ssyncset.s32 $0xFFFFF086  }
0x25: {  	[simem:s6], [sflag:s4] =	dma.local [hbm:s3], $0xF7A  }
0x26: {  	[smem:$0x3F9F] =	sst s1;
	(tag) =	ssettag s2;
	_ =	strace s9  }
0x27: {  	s1 =	sld [smem:$0x3FAF]  }
0x28: {  	s2 =	sld [smem:$0x3FB0]  }
0x29: {  	s4 =	sld [smem:$0x3FB2]  }
0x2a: {  	p0 =	seq.s32 s5, $0x0;
	s5 =	sld [smem:$0x3FB3]  }
0x2b: {  	s6 =	sld [smem:$0x3FB4]  }
0x2c: {  	s7 =	sld [smem:$0x3FB5]  }
0x2d: {  	s3 =	simm.s32 $0x108;
	s8 =	sld [smem:$0x3FB6]  }
0x2e: {  	s3 =	simm.s32 @!p0 $0x1082;
	s9 =	sld [smem:$0x3FB7]  }
0x2f: {  	lr =	sadd.s32 s0, s3;
	s0 =	sld [smem:$0x3FAE]  }
0x30: {  	s3 =	sld [smem:$0x3FB1]  }
0x31: {  	[smem:$0x3FBA] =	sst s10  }
0x32: {  	s10 =	sld [smem:$0x3FB8];
	_ =	sdelay $0x3  }
0x33: {  	p0 =	seq.s32 s10, $0x1;
	s10 =	sld [smem:$0x3FBA];
	_ =	sdelay $0x3  }
0x34: {  	[smem:$0x3FBA] =	sst s10  }
0x35: {  	s10 =	sld [smem:$0x3FB9];
	_ =	sdelay $0x3  }
0x36: {  	p1 =	seq.s32 s10, $0x1;
	s10 =	sld [smem:$0x3FBA];
	_ =	sdelay $0x3  }
0x37: {  	[smem:$0x3FBA] =	sst s10  }
0x38: {  	s10 =	sld [smem:$0x3FBB]  }
0x39: {  	_ = 	snop;
	(pc) =	sbr.ind lr, $3  }
0x3a: {  	_ = 	snop  }
0x3b: {  	_ = 	snop  }
0x3c: {  	p2 =	seq.s32 s10, $0x1;
	s10 =	sld [smem:$0x3FBA]  }
0x3d: {  	_ =	shalt  }
0x3e: {  	_ =	shalt  }
0x3f: {  	_ =	shalt  }
0x40: {  	_ =	shalt  }
0x41: {  	_ =	shalt  }
0x42: {  	_ =	shalt  }
0x43: {  	_ =	shalt  }
0x44: {  	_ =	shalt  }
0x45: {  	_ =	shalt  }
0x46: {  	_ =	shalt  }
0x47: {  	_ =	shalt  }
0x48: {  	_ =	shalt  }
0x49: {  	_ =	shalt  }
0x4a: {  	_ =	shalt  }
0x4b: {  	_ =	shalt  }
0x4c: {  	_ =	shalt  }
0x4d: {  	_ =	shalt  }
0x4e: {  	_ =	shalt  }
0x4f: {  	_ =	shalt  }
0x50: {  	_ =	shalt  }
0x51: {  	_ =	shalt  }
0x52: {  	_ =	shalt  }
0x53: {  	_ =	shalt  }
0x54: {  	_ =	shalt  }
0x55: {  	_ =	shalt  }
0x56: {  	_ =	shalt  }
0x57: {  	_ =	shalt  }
0x58: {  	_ =	shalt  }
0x59: {  	_ =	shalt  }
0x5a: {  	_ =	shalt  }
0x5b: {  	_ =	shalt  }
0x5c: {  	_ =	shalt  }
0x5d: {  	_ =	shalt  }
0x5e: {  	_ =	shalt  }
0x5f: {  	_ =	shalt  }
0x60: {  	_ =	shalt  }
0x61: {  	_ =	shalt  }
0x62: {  	_ =	shalt  }
0x63: {  	_ =	shalt  }
0x64: {  	_ =	shalt  }
0x65: {  	_ =	shalt  }
0x66: {  	_ =	shalt  }
0x67: {  	_ =	shalt  }
0x68: {  	_ =	shalt  }
0x69: {  	_ =	shalt  }
0x6a: {  	_ =	shalt  }
0x6b: {  	_ =	shalt  }
0x6c: {  	_ =	shalt  }
0x6d: {  	_ =	shalt  }
0x6e: {  	_ =	shalt  }
0x6f: {  	_ =	shalt  }
0x70: {  	_ =	shalt  }
0x71: {  	_ =	shalt  }
0x72: {  	_ =	shalt  }
0x73: {  	_ =	shalt  }
0x74: {  	_ =	shalt  }
0x75: {  	_ =	shalt  }
0x76: {  	_ =	shalt  }
0x77: {  	_ =	shalt  }
0x78: {  	_ =	shalt  }
0x79: {  	_ =	shalt  }
0x7a: {  	_ =	shalt  }
0x7b: {  	_ =	shalt  }
0x7c: {  	_ =	shalt  }
0x7d: {  	_ =	shalt  }
0x7e: {  	_ =	shalt  }
0x7f: {  	_ =	shalt  }
0x80: {  	_ =	shalt  }
0x81: {  	_ =	shalt  }
0x82: {  	_ =	shalt  }
0x83: {  	_ =	shalt  }
0x84: {  	_ =	shalt  }
0x85: {  	_ =	shalt  }
0x86: {  	_ =	shalt  }
0x87: {  	_ =	shalt  }
.Lfunc_end0:
.L_simem_size_0:
called_computation_lowered:
.L_overlay_start_0:
0x88: {  	s2 =	sld [smem:$0x3FD9]  }
0x89: {  	s3 =	sld [smem:$0x3FFE];
	_ =	sdelay $0x1  }
0x8a: {  	s1 =	srdreg.scid  }
0x8b: {  	s0 =	sand.u32 $0x1, s1  }
0x8c: {  	s17 =	sshll.u32 s0, $0xA;
	s2 =	sadd.s32 s3, s2  }
0x8d: {  	s2 =	sadd.s32 s2, s17  }
0x8e: {  	[smem:$0x3FC6] =	sst s2  }
0x8f: {  	_ = 	snop  }
0x90: {  	s2 =	sld [smem:$0x3FC9]  }
0x91: {  	s18 =	sld [smem:$0x3FC8]  }
0x92: {  	s4 =	sld [smem:$0x3FD0];
	(tm) =	ssettm $0x1  }
0x93: {  	s5 =	sld [smem:$0x3FFB];
	_ =	sdelay $0x3  }
0x94: {  	_ =	strace s5  }
0x95: {  	s5 =	sld [smem:$0x3FFC];
	_ =	sdelay $0x3  }
0x96: {  	_ =	strace s5  }
0x97: {  	s5 =	sld [smem:$0x3FFD];
	_ =	sdelay $0x3  }
0x98: {  	_ =	strace s5  }
0x99: {  	_ =	strace $0x8FFFFFFF  }
0x9a: {  	s19 =	sld [smem:$0x3FDB];
	_ =	sdelay $0x1  }
0x9b: {  	s6 =	simm.s32 $_scs_section_size  }
0x9c: {  	s7 =	simm.s32 $_size__tile_overlayer_lowered;
	s8 =	simm.s32 $_tile_overlayer_lowered  }
0x9d: {  	s22 =	simm.s32 $0x1BFF;
	s21 =	sshll.u32 s8, $0x1;
	s5 =	sadd.s32 s6, s19  }
0x9e: {  	s9 =	simm.s32 $0x0;
	s20 =	sshll.u32 s7, $0x1;
	s7 =	sadd.s32 s21, s5  }
0x9f: {  	[timem:s9], [sflag:s22] =	dma.local [hbm:s7], s20  }
0xa0: {  	_ =	swait.ge [sflag:s22], s20  }
0xa1: {  	s6 =	ssub.s32 $0x0, s20;
	[sflag:s22] =	ssyncset.done $0x0  }
0xa2: {  	[sflag:s22] =	ssyncadd.s32 s6;
	_ =	sdelay $0x1  }
0xa3: {  	s23 =	simm.s32 $0x1B8B  }
0xa4: {  	_ =	swait.ge [sflag:s23], $0x1  }
0xa5: {  	[sflag:s23] =	ssyncset.done $0x0  }
0xa6: {  	s25 =	simm.s32 $0x1B8E;
	s24 =	sld [smem:$0x3FFE];
	[sflag:s23] =	ssyncadd.s32 $0xFFFFFFFF  }
0xa7: {  	s26 =	simm.s32 $execute0_lowered;
	[smem:$0x3FD2] =	sst s25  }
0xa8: {  	s7 =	sshll.u32 s26, $0x1;
	_ =	strace $0x80000046;
	[dreg:$0x1] =	wrdreg $0xFFFFFFFF  }
0xa9: {  	s28 =	simm.s32 $_size_execute0_lowered;
	s5 =	sadd.s32 s5, s7;
	[dreg:$0x0] =	wrdreg $0x0  }
0xaa: {  	s7 =	sshll.u32 s28, $0x1;
	[dreg:$0x2] =	wrdreg s5  }
0xab: {  	[dreg:$0x3] =	wrdreg s7  }
0xac: {  	[dreg:$0x4] =	wrdreg $0xC0  }
0xad: {  	_ =	task [dreg:s9], $0x5FFFF  }
0xae: {  	[dreg:$0x1] =	wrdreg $0xFFFFFFFF  }
0xaf: {  	[dreg:$0x0] =	wrdreg $0x60  }
0xb0: {  	[dreg:$0x2] =	wrdreg s2  }
0xb1: {  	[dreg:$0x3] =	wrdreg s18  }
0xb2: {  	[dreg:$0x4] =	wrdreg s24  }
0xb3: {  	[dreg:$0x5] =	wrdreg s4  }
0xb4: {  	[dreg:$0x6] =	wrdreg $0x12F000  }
0xb5: {  	[dreg:$0x7] =	wrdreg $0x9  }
0xb6: {  	_ =	task.clear_ibuf [dreg:s9], $0x8FFFF;
	_ =	strace $0x90000046  }
0xb7: {  	s29 =	simm.s32 $0x9;
	_ =	strace $0x80000048  }
0xb8: {  	_ =	swait.ge [sflag:s29], $0x1  }
0xb9: {  	[sflag:s29] =	ssyncadd.s32 $0xFFFFFFFF  }
0xba: {  	_ =	strace $0x90000048  }
0xbb: {  	_ =	sfence  }
0xbc: {  	s30 =	sld [smem:$0x0];
	_ =	sdelay $0x2  }
0xbd: {  	s31 =	sshll.u32 s1, $0xD;
	s1 =	sshrl.u32 s1, $0x2  }
0xbe: {  	s3 =	sand.u32 $0x4000, s31;
	s1 =	sadd.s32 s1, s30  }
0xbf: {  	s0 =	sor.u32 s3, s0;
	s1 =	sshll.u32 s1, $0x11  }
0xc0: {  	s0 =	sor.u32 s1, s0  }
0xc1: {  	s0 =	sadd.s32 $0x8F2B, s0  }
0xc2: {  	[sflag:s0] =	ssyncadd.remote.s32 $0x1  }
0xc3: {  	_ =	sfence.sel $0xFFFF  }
0xc4: {  	[dreg:$0x0] =	wrdreg $0xFFFFFFFF;
	(pc) =	sbr.abs _section_cstart, $3  }
0xc5: {  	[dreg:$0x1] =	wrdreg $0xFFFFFFFF  }
0xc6: {  	_ =	task.clear_ibuf [dreg:s9], $0x2FFFF;
	_ =	strace $0x9FFFFFFF  }
0xc7: {  	(tm) =	ssettm $0x7FFFFFFF  }
tec
execute0_lowered:
.L_overlay_start_1:
0x0: {  	(tag) =	ssettag $0x1  }
0x1: {  	s1 =	rddreg [dreg:$0x0]  }
0x2: {  	s2 =	rddreg [dreg:$0x2]  }
0x3: {  	s5 =	rddreg [dreg:$0x3]  }
0x4: {  	s3 =	rddreg [dreg:$0x4];
	s0 =	srdreg.scid  }
0x5: {  	s23 =	simm.s32 $0x0;
	s4 =	stileid.u32;
	s29 =	simm.s32 $0x11B00  }
0x6: {  	s30 =	simm.s32 $0x5300;
	s6 =	sand.u32 $0x1, s0;
	s11 =	smul.u32 $0x28, s4  }
0x7: {  	s31 =	simm.s32 $0x7B00;
	s9 =	sor.u32 $0x20, s4;
	s8 =	smul.u32 $0x1388, s6  }
0x8: {  	s28 =	simm.s32 $0x2;
	s10 =	sor.u32 $0x30, s4;
	s16 =	smul.u32 $0x28, s9  }
0x9: {  	[smem:$0x7FF] =	sst s23;
	s12 =	sor.u32 $0x40, s4;
	s17 =	smul.u32 $0x28, s10  }
0xa: {  	s13 =	sor.u32 $0x50, s4;
	s15 =	sor.u32 $0x60, s4;
	s20 =	smul.u32 $0x28, s12  }
0xb: {  	s18 =	sor.u32 $0x70, s4;
	p6 =	sgt.u32 s4, $0xC;
	s26 =	smul.u32 $0x28, s13  }
0xc: {  	s0 =	ssub.s32 $0x2, s6;
	_ =	strace $0x80000047;
	s9 =	smul.u32 $0x5000, s9  }
0xd: {  	p4 =	seq.s32 s6, $0x0;
	s13 =	smul.u32 $0x5000, s13;
	s7 =	sshrl.u32 s0, $0x1  }
0xe: {  	s0 =	ssub.s32 s0, s7;
	s7 =	sor.u32 $0x10, s4;
	s11 =	sadd.s32 s11, s8  }
0xf: {  	s16 =	sadd.s32 s8, s16;
	s19 =	sadd.s32 s8, s17;
	s25 =	sadd.s32 s8, s20  }
0x10: {  	s17 =	simm.s32 $0x4F00;
	s20 =	simm.s32 $0x4F80;
	s14 =	smul.u32 $0x28, s7  }
0x11: {  	s11 =	sshll.u32 s11, $0x4;
	s21 =	sshll.u32 s16, $0x4;
	[dreg:$0x6] =	wrdreg s17  }
0x12: {  	s22 =	sshll.u32 s19, $0x4;
	[dreg:$0x7] =	wrdreg s20;
	s16 =	simm.s32 $0x5000  }
0x13: {  	s19 =	smul.u32 $0x28, s15;
	s17 =	simm.s32 $0xA300;
	[dreg:$0x8] =	wrdreg s16  }
0x14: {  	s20 =	smul.u32 $0x5000, s4;
	s0 =	smax.u32 s0, $0x1;
	[dreg:$0x9] =	wrdreg s17  }
0x15: {  	s7 =	smul.u32 $0x5000, s7;
	s11 =	sadd.s32 s5, s11;
	[smem:$0x7FA] =	sst s0  }
0x16: {  	s15 =	smul.u32 $0x5000, s15;
	s24 =	sadd.s32 s5, s22;
	[dreg:$0xe] =	wrdreg s11  }
0x17: {  	s16 =	smul.u32 $0x5000, s18;
	s14 =	sadd.s32 s8, s14;
	[dreg:$0x11] =	wrdreg s24  }
0x18: {  	s24 =	sadd.s32 s8, s19;
	s19 =	simm.s32 $0x5080;
	s14 =	sshll.u32 s14, $0x4  }
0x19: {  	s0 =	simm.s32 $0x1;
	[dreg:$0xa] =	wrdreg s19;
	s11 =	sadd.s32 s5, s14  }
0x1a: {  	s14 =	sadd.s32 s8, s26;
	[dreg:$0xf] =	wrdreg s11;
	s11 =	sadd.s32 s5, s21  }
0x1b: {  	s21 =	smul.u32 $0x28, s18;
	s22 =	sshll.u32 s14, $0x4;
	[dreg:$0x10] =	wrdreg s11  }
0x1c: {  	s11 =	sshll.u32 s25, $0x4;
	s25 =	sshll.u32 s24, $0x4;
	s24 =	simm.s32 $0xF300  }
0x1d: {  	s11 =	sadd.s32 s5, s11;
	s26 =	sadd.s32 s8, s21;
	[dreg:$0xd] =	wrdreg s24  }
0x1e: {  	s21 =	simm.s32 $0xCB00;
	[dreg:$0x12] =	wrdreg s11;
	s11 =	sadd.s32 s5, s22  }
0x1f: {  	s14 =	sshll.u32 s26, $0x4;
	[dreg:$0xb] =	wrdreg s21;
	s22 =	simm.s32 $0x5100  }
0x20: {  	s26 =	smul.u32 $0x5000, s10;
	s10 =	sshrl.u32 s20, $0x2;
	[dreg:$0x13] =	wrdreg s11  }
0x21: {  	s21 =	sshrl.u32 s13, $0x2;
	s11 =	sadd.s32 s5, s25;
	[dreg:$0xc] =	wrdreg s22  }
0x22: {  	s5 =	sadd.s32 s5, s14;
	s25 =	sadd.s32 $0x200, s2;
	[dreg:$0x14] =	wrdreg s11  }
0x23: {  	s2 =	sadd.s32 $0x400, s2;
	s24 =	sadd.s32 s10, s3;
	[dreg:$0x15] =	wrdreg s5  }
0x24: {  	s14 =	sshrl.u32 s9, $0x2;
	s22 =	sshrl.u32 s15, $0x2;
	[dreg:$0x16] =	wrdreg s25  }
0x25: {  	s21 =	sadd.s32 s21, s3;
	[dreg:$0x17] =	wrdreg s2;
	s11 =	smul.u32 $0x5000, s12  }
0x26: {  	s12 =	sshrl.u32 s7, $0x2;
	s5 =	sshrl.u32 s26, $0x2;
	[dreg:$0x18] =	wrdreg s24  }
0x27: {  	s18 =	sadd.s32 s14, s3;
	s26 =	sxor.u32 $0xFFFFFFFF, s4;
	[dreg:$0x1d] =	wrdreg s21  }
0x28: {  	s25 =	sshrl.u32 s16, $0x2;
	s22 =	sadd.s32 s22, s3;
	[smem:$0x7FB] =	sst s26  }
0x29: {  	s2 =	simm.s32 $0x50;
	s4 =	simm.s32 @!p4 $0x0;
	[dreg:$0x1a] =	wrdreg s18  }
0x2a: {  	s7 =	simm.s32 $0x5;
	s4 =	simm.s32 @p4 $0x1;
	[dreg:$0x1e] =	wrdreg s22  }
0x2b: {  	s17 =	sadd.s32 s12, s3;
	s19 =	sadd.s32 s5, s3;
	[smem:$0x7FC] =	sst s4  }
.Ltmp0:
0x2c: {  	s25 =	sadd.s32 s25, s3;
	[dreg:$0x19] =	wrdreg s17;
	(pc) =	sbr.rel .LBB2_1-.Ltmp0, $4  }
0x2d: {  	s26 =	simm.s32 $0xB;
	s6 =	sshrl.u32 s11, $0x2;
	[dreg:$0x1b] =	wrdreg s19  }
0x2e: {  	[dreg:$0x1f] =	wrdreg s25;
	s4 =	simm.s32 @!p6 $0x0;
	s20 =	sadd.s32 s6, s3  }
0x2f: {  	s5 =	simm.s32 $0x3;
	s4 =	simm.s32 @p6 $0x1;
	[dreg:$0x1c] =	wrdreg s20  }
0x30: {  	v0 =	vmov s8;
	s11 =	simm.s32 $0x0;
	s6 =	simm.s32 $0x4;
	[smem:$0x7FD] =	sst s4  }
.LBB2_3:
0x31: {  	s16 =	smov.u32 s21;
	s10 =	simm.s32 $0x0;
	s9 =	simm.s32 $0x0  }
.LBB2_8:
0x32: {  	v1 =	vld @p1 [tilespmem:s19+$0xA0];
	_ =	sdelay $0x4  }
0x33: {  	v1 =	vsub.s32 @p1 v1, v0  }
0x34: {  	vm0 =	vgt.s32 @p1 v1, $0xFFFFFFFF;
	vm1 =	vlt.s32 @p1 v1, s20  }
0x35: {  	vm0 =	vmand @p1 vm0, vm1  }
0x36: {  	v1 =	vnsel @p1 vm0, $0x1388, v1  }
0x37: {  	[tilespmem:$0x5120] =	vst @p1 v1  }
0x38: {  	v1 =	vld @p1 [tilespmem:s19+$0xB0];
	_ =	sdelay $0x4  }
0x39: {  	v1 =	vsub.s32 @p1 v1, v0  }
0x3a: {  	vm0 =	vgt.s32 @p1 v1, $0xFFFFFFFF;
	vm1 =	vlt.s32 @p1 v1, s20  }
0x3b: {  	vm0 =	vmand @p1 vm0, vm1  }
0x3c: {  	v1 =	vnsel @p1 vm0, $0x1388, v1  }
0x3d: {  	[tilespmem:$0x5130] =	vst @p1 v1  }
0x3e: {  	v1 =	vld @p1 [tilespmem:s19+$0xC0];
	_ =	sdelay $0x4  }
0x3f: {  	v1 =	vsub.s32 @p1 v1, v0  }
0x40: {  	vm0 =	vgt.s32 @p1 v1, $0xFFFFFFFF;
	vm1 =	vlt.s32 @p1 v1, s20  }
0x41: {  	p0 =	slt.s32 @!p5 s22, $0xF9F;
	vm0 =	vmand @p1 vm0, vm1  }
0x42: {  	s16 =	sadd.s32 @p1 $0x190, s16;
	p0 =	por !p0, p5;
	v1 =	vnsel @p1 vm0, $0x1388, v1  }
0x43: {  	s21 =	smov.u32 @p1 s16;
	s22 =	simm.s32 @p0 $0xF9F;
	[tilespmem:$0x5140] =	vst @p1 v1  }
0x44: {  	p0 =	slt.s32 s10, $0x3;
	s12 =	smul.u32 @!p5 $0x2800, s22;
	_ =	swait.ge @p1 [sflag:s7], $0x2800  }
0x45: {  	s17 =	simm.s32 @!p0 $0x8;
	s4 =	rddreg [dreg:$0xc];
	[sflag:s7] =	ssyncset.done @p1 $0x0  }
0x46: {  	s12 =	sshrl.u32 @!p5 s12, $0x3;
	s13 =	rddreg [dreg:$0xd];
	[sflag:s7] =	ssyncadd.s32 @p1 $0xFFFFD800  }
0x47: {  	[spmem:s3] =	stream.indirect.scatter.add.f32 @p1 [tilespmem:s13], [sflag:$0xA], $0x80, s4, s2, $0xb8;
	[tilespmem:$0x1CB80] =	vst v63  }
0x48: {  	s16 =	simm.s32 @!p5 $0xA300;
	s4 =	sadd.s32 @!p5 s1, s12;
	_ =	swait.ge @!p0 [sflag:s17], $0x2800  }
0x49: {  	p1 =	slt.s32 s21, $0x4DD0;
	s13 =	smov.u32 s21;
	[sflag:s17] =	ssyncset.done @!p0 $0x0  }
0x4a: {  	s12 =	simm.s32 @!p5 $0x0;
	s13 =	simm.s32 @!p1 $0x4DD0;
	[sflag:s17] =	ssyncadd.s32 @!p0 $0xFFFFD800  }
0x4b: {  	[tilespmem:s16], [sflag:$0x3] =	stream.linear.gather @!p5 [hbm4b:s4+s12], $0x2800, $0x38;
	[tilespmem:$0x1CB80] =	vst v63  }
0x4c: {  	v1 =	vld [tilespmem:s13+$0x80];
	_ =	sdelay $0x3  }
0x4d: {  	p0 =	slt.s32 s10, s14;
	s4 =	simm.s32 $0x1388  }
0x4e: {  	s4 =	simm.s32 @!p0 $0x0;
	v1 =	vsub.s32 v1, v0  }
0x4f: {  	vm14 =	vgt.s32 v1, $0xFFFFFFFF;
	vm15 =	vlt.s32 v1, s4  }
0x50: {  	vm0 =	vmand vm14, vm15  }
0x51: {  	v1 =	vnsel vm0, $0x1388, v1  }
0x52: {  	[tilespmem:$0x4F00] =	vst v1  }
0x53: {  	v1 =	vld [tilespmem:s13+$0x90];
	_ =	sdelay $0x4  }
0x54: {  	v1 =	vsub.s32 v1, v0  }
0x55: {  	vm4 =	vgt.s32 v1, $0xFFFFFFFF;
	vm5 =	vlt.s32 v1, s4  }
0x56: {  	vm0 =	vmand vm4, vm5  }
0x57: {  	v1 =	vnsel vm0, $0x1388, v1  }
0x58: {  	[tilespmem:$0x4F10] =	vst v1  }
0x59: {  	v1 =	vld [tilespmem:s13+$0xA0];
	_ =	sdelay $0x4  }
0x5a: {  	v1 =	vsub.s32 v1, v0  }
0x5b: {  	vm6 =	vgt.s32 v1, $0xFFFFFFFF;
	vm7 =	vlt.s32 v1, s4  }
0x5c: {  	vm0 =	vmand vm6, vm7  }
0x5d: {  	v1 =	vnsel vm0, $0x1388, v1  }
0x5e: {  	[tilespmem:$0x4F20] =	vst v1  }
0x5f: {  	v1 =	vld [tilespmem:s13+$0xB0];
	_ =	sdelay $0x4  }
0x60: {  	v1 =	vsub.s32 v1, v0  }
0x61: {  	vm8 =	vgt.s32 v1, $0xFFFFFFFF;
	vm9 =	vlt.s32 v1, s4  }
0x62: {  	vm0 =	vmand vm8, vm9  }
0x63: {  	v1 =	vnsel vm0, $0x1388, v1  }
0x64: {  	[tilespmem:$0x4F30] =	vst v1  }
0x65: {  	v1 =	vld [tilespmem:s13+$0xC0];
	_ =	sdelay $0x3  }
0x66: {  	s17 =	sadd.s32 $0x3, s10  }
0x67: {  	p0 =	sge.s32 s17, s25;
	v1 =	vsub.s32 v1, v0  }
0x68: {  	vm10 =	vgt.s32 v1, $0xFFFFFFFF;
	vm11 =	vlt.s32 v1, s4;
	s4 =	sadd.s32 @!p0 s10, s15  }
0x69: {  	vm0 =	vmand vm10, vm11;
	s4 =	sadd.s32 @!p0 $0x3, s4  }
0x6a: {  	v1 =	vnsel vm0, $0x1388, v1;
	p1 =	slt.s32 @!p0 s4, $0xF9F  }
0x6b: {  	s12 =	sadd.s32 $0x50, s21;
	[tilespmem:$0x4F40] =	vst v1;
	p1 =	por !p1, p0  }
0x6c: {  	s13 =	sadd.s32 $0x1, s10;
	_ =	swait.ge [sflag:s0], $0x2800;
	s4 =	simm.s32 @p1 $0xF9F  }
0x6d: {  	p1 =	slt.s32 s13, $0x3;
	s22 =	rddreg [dreg:$0x6];
	[sflag:s0] =	ssyncset.done $0x0  }
0x6e: {  	s4 =	smul.u32 @!p0 $0x2800, s4;
	s19 =	simm.s32 @!p1 $0x9;
	[sflag:s0] =	ssyncadd.s32 $0xFFFFD800  }
0x6f: {  	[spmem:s3] =	stream.indirect.scatter.add.f32 [tilespmem:s30], [sflag:$0x6], $0x80, s22, s2, $0xb8;
	[tilespmem:$0x1CB80] =	vst v63  }
0x70: {  	p2 =	slt.s32 s12, $0x4DD0;
	s16 =	simm.s32 @!p0 $0xCB00;
	_ =	swait.ge @!p1 [sflag:s19], $0x2800  }
0x71: {  	s20 =	simm.s32 @!p0 $0x0;
	s4 =	sshrl.u32 @!p0 s4, $0x3;
	[sflag:s19] =	ssyncset.done @!p1 $0x0  }
0x72: {  	s12 =	simm.s32 @!p2 $0x4DD0;
	s4 =	sadd.s32 @!p0 s1, s4;
	[sflag:s19] =	ssyncadd.s32 @!p1 $0xFFFFD800  }
0x73: {  	[tilespmem:s16], [sflag:$0x4] =	stream.linear.gather @!p0 [hbm4b:s4+s20], $0x2800, $0x38;
	[tilespmem:$0x1CB80] =	vst v63  }
0x74: {  	v1 =	vld [tilespmem:s12+$0x80];
	_ =	sdelay $0x3  }
0x75: {  	p0 =	slt.s32 s13, s14;
	s4 =	simm.s32 $0x1388  }
0x76: {  	s4 =	simm.s32 @!p0 $0x0;
	v1 =	vsub.s32 v1, v0  }
0x77: {  	vm12 =	vgt.s32 v1, $0xFFFFFFFF;
	vm13 =	vlt.s32 v1, s4  }
0x78: {  	vm0 =	vmand vm12, vm13  }
0x79: {  	v1 =	vnsel vm0, $0x1388, v1  }
0x7a: {  	[tilespmem:$0x4F80] =	vst v1  }
0x7b: {  	v1 =	vld [tilespmem:s12+$0x90];
	_ =	sdelay $0x4  }
0x7c: {  	v1 =	vsub.s32 v1, v0  }
0x7d: {  	vm14 =	vgt.s32 v1, $0xFFFFFFFF;
	vm15 =	vlt.s32 v1, s4  }
0x7e: {  	vm0 =	vmand vm14, vm15  }
0x7f: {  	v1 =	vnsel vm0, $0x1388, v1  }
0x80: {  	[tilespmem:$0x4F90] =	vst v1  }
0x81: {  	v1 =	vld [tilespmem:s12+$0xA0];
	_ =	sdelay $0x4  }
0x82: {  	v1 =	vsub.s32 v1, v0  }
0x83: {  	vm4 =	vgt.s32 v1, $0xFFFFFFFF;
	vm5 =	vlt.s32 v1, s4  }
0x84: {  	vm0 =	vmand vm4, vm5  }
0x85: {  	v1 =	vnsel vm0, $0x1388, v1  }
0x86: {  	[tilespmem:$0x4FA0] =	vst v1  }
0x87: {  	v1 =	vld [tilespmem:s12+$0xB0];
	_ =	sdelay $0x4  }
0x88: {  	v1 =	vsub.s32 v1, v0  }
0x89: {  	vm6 =	vgt.s32 v1, $0xFFFFFFFF;
	vm7 =	vlt.s32 v1, s4  }
0x8a: {  	vm0 =	vmand vm6, vm7  }
0x8b: {  	v1 =	vnsel vm0, $0x1388, v1  }
0x8c: {  	[tilespmem:$0x4FB0] =	vst v1  }
0x8d: {  	v1 =	vld [tilespmem:s12+$0xC0];
	_ =	sdelay $0x3  }
0x8e: {  	s19 =	sadd.s32 $0x4, s10  }
0x8f: {  	p0 =	sge.s32 s19, s25;
	v1 =	vsub.s32 v1, v0  }
0x90: {  	s12 =	sadd.s32 @!p0 s10, s15;
	vm8 =	vgt.s32 v1, $0xFFFFFFFF;
	vm9 =	vlt.s32 v1, s4  }
0x91: {  	s4 =	sadd.s32 @!p0 $0x4, s12;
	vm0 =	vmand vm8, vm9  }
0x92: {  	p1 =	slt.s32 @!p0 s4, $0xF9F;
	v1 =	vnsel vm0, $0x1388, v1  }
0x93: {  	p1 =	por !p1, p0;
	[tilespmem:$0x4FC0] =	vst v1  }
0x94: {  	s12 =	sadd.s32 $0xA0, s21;
	s4 =	simm.s32 @p1 $0xF9F;
	_ =	swait.ge [sflag:s28], $0x2800  }
0x95: {  	p1 =	slt.s32 s18, $0x3;
	s4 =	smul.u32 @!p0 $0x2800, s4;
	[sflag:s28] =	ssyncset.done $0x0  }
0x96: {  	s13 =	simm.s32 @!p1 $0xA;
	s20 =	rddreg [dreg:$0x7];
	[sflag:s28] =	ssyncadd.s32 $0xFFFFD800  }
0x97: {  	[spmem:s3] =	stream.indirect.scatter.add.f32 [tilespmem:s31], [sflag:$0x7], $0x80, s20, s2, $0xb8;
	[tilespmem:$0x1CB80] =	vst v63  }
0x98: {  	s16 =	simm.s32 @!p0 $0xF300;
	p2 =	slt.s32 s12, $0x4DD0;
	_ =	swait.ge @!p1 [sflag:s13], $0x2800  }
0x99: {  	s12 =	simm.s32 @!p2 $0x4DD0;
	s4 =	sshrl.u32 @!p0 s4, $0x3;
	[sflag:s13] =	ssyncset.done @!p1 $0x0  }
0x9a: {  	s4 =	sadd.s32 @!p0 s1, s4;
	[sflag:s13] =	ssyncadd.s32 @!p1 $0xFFFFD800;
	s13 =	simm.s32 @!p0 $0x0  }
0x9b: {  	[tilespmem:s16], [sflag:$0x5] =	stream.linear.gather @!p0 [hbm4b:s4+s13], $0x2800, $0x38;
	[tilespmem:$0x1CB80] =	vst v63  }
0x9c: {  	v1 =	vld [tilespmem:s12+$0x80];
	_ =	sdelay $0x3  }
0x9d: {  	s4 =	simm.s32 $0x1388  }
0x9e: {  	s4 =	simm.s32 @!p3 $0x0;
	v1 =	vsub.s32 v1, v0  }
0x9f: {  	vm10 =	vgt.s32 v1, $0xFFFFFFFF;
	vm11 =	vlt.s32 v1, s4  }
0xa0: {  	vm0 =	vmand vm10, vm11  }
0xa1: {  	v1 =	vnsel vm0, $0x1388, v1  }
0xa2: {  	[tilespmem:$0x5000] =	vst v1  }
0xa3: {  	v1 =	vld [tilespmem:s12+$0x90];
	_ =	sdelay $0x4  }
0xa4: {  	v1 =	vsub.s32 v1, v0  }
0xa5: {  	vm12 =	vgt.s32 v1, $0xFFFFFFFF;
	vm13 =	vlt.s32 v1, s4  }
0xa6: {  	vm0 =	vmand vm12, vm13  }
0xa7: {  	v1 =	vnsel vm0, $0x1388, v1  }
0xa8: {  	[tilespmem:$0x5010] =	vst v1  }
0xa9: {  	v1 =	vld [tilespmem:s12+$0xA0];
	_ =	sdelay $0x4  }
0xaa: {  	v1 =	vsub.s32 v1, v0  }
0xab: {  	vm14 =	vgt.s32 v1, $0xFFFFFFFF;
	vm15 =	vlt.s32 v1, s4  }
0xac: {  	vm0 =	vmand vm14, vm15  }
0xad: {  	v1 =	vnsel vm0, $0x1388, v1  }
0xae: {  	[tilespmem:$0x5020] =	vst v1  }
0xaf: {  	v1 =	vld [tilespmem:s12+$0xB0];
	_ =	sdelay $0x4  }
0xb0: {  	v1 =	vsub.s32 v1, v0  }
0xb1: {  	vm4 =	vgt.s32 v1, $0xFFFFFFFF;
	vm5 =	vlt.s32 v1, s4  }
0xb2: {  	vm0 =	vmand vm4, vm5  }
0xb3: {  	v1 =	vnsel vm0, $0x1388, v1  }
0xb4: {  	[tilespmem:$0x5030] =	vst v1  }
0xb5: {  	v1 =	vld [tilespmem:s12+$0xC0];
	_ =	sdelay $0x3  }
0xb6: {  	s22 =	sadd.s32 $0x5, s10  }
0xb7: {  	p0 =	sge.s32 s22, s25;
	v1 =	vsub.s32 v1, v0  }
0xb8: {  	vm6 =	vgt.s32 v1, $0xFFFFFFFF;
	vm7 =	vlt.s32 v1, s4;
	s4 =	sadd.s32 @!p0 s9, s15  }
0xb9: {  	vm0 =	vmand vm6, vm7;
	s4 =	sadd.s32 @!p0 $0x5, s4  }
0xba: {  	s10 =	sadd.s32 $0xF0, s21;
	v1 =	vnsel vm0, $0x1388, v1;
	p1 =	slt.s32 @!p0 s4, $0xF9F  }
0xbb: {  	p2 =	slt.s32 s10, $0x4DD0;
	[tilespmem:$0x5040] =	vst v1;
	p1 =	por !p1, p0  }
0xbc: {  	_ =	swait.ge [sflag:s5], $0x2800;
	s4 =	simm.s32 @p1 $0xF9F;
	p1 =	sgt.u32 s9, $0x7FFFFFFC  }
0xbd: {  	s12 =	rddreg [dreg:$0x9];
	s4 =	smul.u32 @!p0 $0x2800, s4;
	[sflag:s5] =	ssyncset.done $0x0  }
0xbe: {  	s16 =	rddreg [dreg:$0x8];
	s13 =	simm.s32 @!p1 $0x6;
	[sflag:s5] =	ssyncadd.s32 $0xFFFFD800  }
0xbf: {  	[spmem:s3] =	stream.indirect.scatter.add.f32 [tilespmem:s12], [sflag:$0x8], $0x80, s16, s2, $0xb8;
	[tilespmem:$0x1CB80] =	vst v63  }
0xc0: {  	s10 =	simm.s32 @!p2 $0x4DD0;
	_ =	swait.ge @!p1 [sflag:s13], $0x2800  }
0xc1: {  	s4 =	sshrl.u32 @!p0 s4, $0x3;
	s12 =	simm.s32 @!p0 $0x0;
	[sflag:s13] =	ssyncset.done @!p1 $0x0  }
0xc2: {  	s16 =	simm.s32 @!p0 $0x5300;
	s4 =	sadd.s32 @!p0 s1, s4;
	[sflag:s13] =	ssyncadd.s32 @!p1 $0xFFFFD800  }
0xc3: {  	[tilespmem:s16], [sflag:$0x1] =	stream.linear.gather @!p0 [hbm4b:s4+s12], $0x2800, $0x38;
	[tilespmem:$0x1CB80] =	vst v63  }
0xc4: {  	v1 =	vld [tilespmem:s10+$0x80];
	_ =	sdelay $0x3  }
0xc5: {  	p0 =	slt.s32 s17, s14;
	s4 =	simm.s32 $0x1388  }
0xc6: {  	s4 =	simm.s32 @!p0 $0x0;
	v1 =	vsub.s32 v1, v0  }
0xc7: {  	vm8 =	vgt.s32 v1, $0xFFFFFFFF;
	vm9 =	vlt.s32 v1, s4  }
0xc8: {  	vm0 =	vmand vm8, vm9  }
0xc9: {  	v1 =	vnsel vm0, $0x1388, v1  }
0xca: {  	[tilespmem:$0x5080] =	vst v1  }
0xcb: {  	v1 =	vld [tilespmem:s10+$0x90];
	_ =	sdelay $0x4  }
0xcc: {  	v1 =	vsub.s32 v1, v0  }
0xcd: {  	vm10 =	vgt.s32 v1, $0xFFFFFFFF;
	vm11 =	vlt.s32 v1, s4  }
0xce: {  	vm0 =	vmand vm10, vm11  }
0xcf: {  	v1 =	vnsel vm0, $0x1388, v1  }
0xd0: {  	[tilespmem:$0x5090] =	vst v1  }
0xd1: {  	v1 =	vld [tilespmem:s10+$0xA0];
	_ =	sdelay $0x4  }
0xd2: {  	v1 =	vsub.s32 v1, v0  }
0xd3: {  	vm12 =	vgt.s32 v1, $0xFFFFFFFF;
	vm13 =	vlt.s32 v1, s4  }
0xd4: {  	vm0 =	vmand vm12, vm13  }
0xd5: {  	v1 =	vnsel vm0, $0x1388, v1  }
0xd6: {  	[tilespmem:$0x50A0] =	vst v1  }
0xd7: {  	v1 =	vld [tilespmem:s10+$0xB0];
	_ =	sdelay $0x4  }
0xd8: {  	v1 =	vsub.s32 v1, v0  }
0xd9: {  	vm14 =	vgt.s32 v1, $0xFFFFFFFF;
	vm15 =	vlt.s32 v1, s4  }
0xda: {  	vm0 =	vmand vm14, vm15  }
0xdb: {  	v1 =	vnsel vm0, $0x1388, v1  }
0xdc: {  	[tilespmem:$0x50B0] =	vst v1  }
0xdd: {  	v1 =	vld [tilespmem:s10+$0xC0];
	_ =	sdelay $0x4  }
0xde: {  	p0 =	sge.s32 s8, s25;
	v1 =	vsub.s32 v1, v0  }
0xdf: {  	vm4 =	vgt.s32 v1, $0xFFFFFFFF;
	vm5 =	vlt.s32 v1, s4;
	s4 =	sadd.s32 @!p0 s9, s15  }
0xe0: {  	vm0 =	vmand vm4, vm5;
	s4 =	sadd.s32 @!p0 $0x6, s4  }
0xe1: {  	v1 =	vnsel vm0, $0x1388, v1;
	p1 =	slt.s32 @!p0 s4, $0xF9F  }
0xe2: {  	s8 =	sadd.s32 $0x140, s21;
	[tilespmem:$0x50C0] =	vst v1;
	p1 =	por !p1, p0  }
0xe3: {  	_ =	swait.ge [sflag:s6], $0x2800;
	s4 =	simm.s32 @p1 $0xF9F;
	p1 =	slt.s32 s19, $0x3  }
0xe4: {  	s18 =	rddreg [dreg:$0xa];
	s4 =	smul.u32 @!p0 $0x2800, s4;
	[sflag:s6] =	ssyncset.done $0x0  }
0xe5: {  	s20 =	rddreg [dreg:$0xb];
	s10 =	simm.s32 @!p1 $0x7;
	[sflag:s6] =	ssyncadd.s32 $0xFFFFD800  }
0xe6: {  	[spmem:s3] =	stream.indirect.scatter.add.f32 [tilespmem:s20], [sflag:$0x9], $0x80, s18, s2, $0xb8;
	[tilespmem:$0x1CB80] =	vst v63  }
0xe7: {  	p2 =	slt.s32 s8, $0x4DD0;
	s12 =	simm.s32 @!p0 $0x7B00;
	_ =	swait.ge @!p1 [sflag:s10], $0x2800  }
0xe8: {  	s8 =	simm.s32 @!p2 $0x4DD0;
	s4 =	sshrl.u32 @!p0 s4, $0x3;
	[sflag:s10] =	ssyncset.done @!p1 $0x0  }
0xe9: {  	s9 =	simm.s32 @!p0 $0x0;
	s4 =	sadd.s32 @!p0 s1, s4;
	[sflag:s10] =	ssyncadd.s32 @!p1 $0xFFFFD800  }
0xea: {  	[tilespmem:s12], [sflag:$0x2] =	stream.linear.gather @!p0 [hbm4b:s4+s9], $0x2800, $0x38;
	[tilespmem:$0x1CB80] =	vst v63  }
0xeb: {  	v1 =	vld [tilespmem:s8+$0x80];
	_ =	sdelay $0x3  }
0xec: {  	p0 =	slt.s32 s19, s14;
	s4 =	simm.s32 $0x1388  }
0xed: {  	s4 =	simm.s32 @!p0 $0x0;
	v1 =	vsub.s32 v1, v0  }
0xee: {  	vm6 =	vgt.s32 v1, $0xFFFFFFFF;
	vm7 =	vlt.s32 v1, s4  }
0xef: {  	vm0 =	vmand vm6, vm7  }
0xf0: {  	v1 =	vnsel vm0, $0x1388, v1  }
0xf1: {  	[tilespmem:$0x5100] =	vst v1  }
0xf2: {  	v1 =	vld [tilespmem:s8+$0x90];
	_ =	sdelay $0x4  }
0xf3: {  	v1 =	vsub.s32 v1, v0  }
0xf4: {  	vm8 =	vgt.s32 v1, $0xFFFFFFFF;
	vm9 =	vlt.s32 v1, s4  }
0xf5: {  	vm0 =	vmand vm8, vm9  }
0xf6: {  	v1 =	vnsel vm0, $0x1388, v1  }
0xf7: {  	[tilespmem:$0x5110] =	vst v1  }
0xf8: {  	v1 =	vld [tilespmem:s8+$0xA0];
	_ =	sdelay $0x4  }
0xf9: {  	v1 =	vsub.s32 v1, v0  }
0xfa: {  	vm10 =	vgt.s32 v1, $0xFFFFFFFF;
	vm11 =	vlt.s32 v1, s4  }
0xfb: {  	vm0 =	vmand vm10, vm11  }
0xfc: {  	v1 =	vnsel vm0, $0x1388, v1  }
0xfd: {  	[tilespmem:$0x5120] =	vst v1  }
0xfe: {  	v1 =	vld [tilespmem:s8+$0xB0];
	_ =	sdelay $0x4  }
0xff: {  	v1 =	vsub.s32 v1, v0  }
0x100: {  	vm12 =	vgt.s32 v1, $0xFFFFFFFF;
	vm13 =	vlt.s32 v1, s4  }
0x101: {  	vm0 =	vmand vm12, vm13  }
0x102: {  	v1 =	vnsel vm0, $0x1388, v1  }
0x103: {  	[tilespmem:$0x5130] =	vst v1  }
0x104: {  	v1 =	vld [tilespmem:s8+$0xC0];
	_ =	sdelay $0x4  }
0x105: {  	v1 =	vsub.s32 v1, v0  }
0x106: {  	vm14 =	vgt.s32 v1, $0xFFFFFFFF;
	vm15 =	vlt.s32 v1, s4  }
0x107: {  	vm0 =	vmand vm14, vm15  }
0x108: {  	v1 =	vnsel vm0, $0x1388, v1  }
0x109: {  	[tilespmem:$0x5140] =	vst v1  }
0x10a: {  	_ =	swait.ge [sflag:s7], $0x2800  }
0x10b: {  	s22 =	rddreg [dreg:$0xc]  }
0x10c: {  	s25 =	rddreg [dreg:$0xd]  }
0x10d: {  	s17 =	rddreg [dreg:$0x19]  }
0x10e: {  	s18 =	rddreg [dreg:$0x1a]  }
0x10f: {  	s19 =	rddreg [dreg:$0x1b]  }
0x110: {  	s20 =	rddreg [dreg:$0x1c]  }
0x111: {  	[sflag:s7] =	ssyncset.done $0x0;
	s21 =	rddreg [dreg:$0x1d]  }
0x112: {  	s12 =	sld [smem:$0x7F8];
	[sflag:s7] =	ssyncadd.s32 $0xFFFFD800  }
0x113: {  	[spmem:s3] =	stream.indirect.scatter.add.f32 [tilespmem:s25], [sflag:$0xA], $0x80, s22, s2, $0xb8;
	[tilespmem:$0x1CB80] =	vst v63  }
0x114: {  	s22 =	rddreg [dreg:$0x1e]  }
0x115: {  	s25 =	rddreg [dreg:$0x1f]  }
.LBB2_9:
0x116: {  	s4 =	simm.s32 $0x8  }
0x117: {  	_ =	swait.ge [sflag:s4], $0x2800  }
0x118: {  	[sflag:s4] =	ssyncset.done $0x0  }
0x119: {  	s14 =	simm.s32 $0x9;
	[sflag:s4] =	ssyncadd.s32 $0xFFFFD800  }
0x11a: {  	_ =	swait.ge [sflag:s14], $0x2800  }
0x11b: {  	[sflag:s14] =	ssyncset.done $0x0  }
0x11c: {  	s15 =	simm.s32 $0xA;
	[sflag:s14] =	ssyncadd.s32 $0xFFFFD800  }
0x11d: {  	_ =	swait.ge [sflag:s15], $0x2800  }
0x11e: {  	[sflag:s15] =	ssyncset.done $0x0  }
0x11f: {  	[sflag:s15] =	ssyncadd.s32 $0xFFFFD800  }
0x120: {  	[bflag:$0x0] =	sbarrier.arrive $0xFFFF  }
0x121: {  	[tilespmem:s29], [sflag:$0xB] =	stream.linear.gather [spmem:s24], $0x1400, $0x38;
	[tilespmem:$0x1CB80] =	vst v63  }
0x122: {  	_ =	swait.ge [sflag:s26], $0x1400  }
0x123: {  	[sflag:s26] =	ssyncset.done $0x0  }
0x124: {  	s16 =	rddreg [dreg:$0xe];
	[sflag:s26] =	ssyncadd.s32 $0xFFFFEC00  }
0x125: {  	[hbm4b:s16+s23] =	stream.linear.scatter [tilespmem:s29], [sflag:$0xB], $0x1400, $0x38;
	[tilespmem:$0x1CB80] =	vst v63  }
0x126: {  	_ =	swait.ge [sflag:s26], $0x1400  }
0x127: {  	[sflag:s26] =	ssyncset.done $0x0  }
0x128: {  	[sflag:s26] =	ssyncadd.s32 $0xFFFFEC00  }
0x129: {  	[tilespmem:s29], [sflag:$0xB] =	stream.linear.gather [spmem:s17], $0x1400, $0x38;
	[tilespmem:$0x1CB80] =	vst v63  }
0x12a: {  	_ =	swait.ge [sflag:s26], $0x1400  }
0x12b: {  	[sflag:s26] =	ssyncset.done $0x0  }
0x12c: {  	s8 =	rddreg [dreg:$0xf];
	[sflag:s26] =	ssyncadd.s32 $0xFFFFEC00  }
0x12d: {  	[hbm4b:s8+s23] =	stream.linear.scatter [tilespmem:s29], [sflag:$0xB], $0x1400, $0x38;
	[tilespmem:$0x1CB80] =	vst v63  }
0x12e: {  	_ =	swait.ge [sflag:s26], $0x1400  }
0x12f: {  	[sflag:s26] =	ssyncset.done $0x0  }
0x130: {  	[sflag:s26] =	ssyncadd.s32 $0xFFFFEC00  }
0x131: {  	[tilespmem:s29], [sflag:$0xB] =	stream.linear.gather [spmem:s18], $0x1400, $0x38;
	[tilespmem:$0x1CB80] =	vst v63  }
0x132: {  	_ =	swait.ge [sflag:s26], $0x1400  }
0x133: {  	[sflag:s26] =	ssyncset.done $0x0  }
0x134: {  	s9 =	rddreg [dreg:$0x10];
	[sflag:s26] =	ssyncadd.s32 $0xFFFFEC00  }
0x135: {  	[hbm4b:s9+s23] =	stream.linear.scatter [tilespmem:s29], [sflag:$0xB], $0x1400, $0x38;
	[tilespmem:$0x1CB80] =	vst v63  }
0x136: {  	_ =	swait.ge [sflag:s26], $0x1400  }
0x137: {  	[sflag:s26] =	ssyncset.done $0x0  }
0x138: {  	[sflag:s26] =	ssyncadd.s32 $0xFFFFEC00  }
0x139: {  	[tilespmem:s29], [sflag:$0xB] =	stream.linear.gather [spmem:s19], $0x1400, $0x38;
	[tilespmem:$0x1CB80] =	vst v63  }
0x13a: {  	_ =	swait.ge [sflag:s26], $0x1400  }
0x13b: {  	[sflag:s26] =	ssyncset.done $0x0  }
0x13c: {  	s10 =	rddreg [dreg:$0x11];
	[sflag:s26] =	ssyncadd.s32 $0xFFFFEC00  }
0x13d: {  	[hbm4b:s10+s23] =	stream.linear.scatter [tilespmem:s29], [sflag:$0xB], $0x1400, $0x38;
	[tilespmem:$0x1CB80] =	vst v63  }
0x13e: {  	_ =	swait.ge [sflag:s26], $0x1400  }
0x13f: {  	[sflag:s26] =	ssyncset.done $0x0  }
0x140: {  	[sflag:s26] =	ssyncadd.s32 $0xFFFFEC00  }
0x141: {  	[tilespmem:s29], [sflag:$0xB] =	stream.linear.gather [spmem:s20], $0x1400, $0x38;
	[tilespmem:$0x1CB80] =	vst v63  }
0x142: {  	_ =	swait.ge [sflag:s26], $0x1400  }
0x143: {  	[sflag:s26] =	ssyncset.done $0x0  }
0x144: {  	s13 =	rddreg [dreg:$0x12];
	[sflag:s26] =	ssyncadd.s32 $0xFFFFEC00  }
0x145: {  	[hbm4b:s13+s23] =	stream.linear.scatter [tilespmem:s29], [sflag:$0xB], $0x1400, $0x38;
	[tilespmem:$0x1CB80] =	vst v63  }
0x146: {  	_ =	swait.ge [sflag:s26], $0x1400  }
0x147: {  	[sflag:s26] =	ssyncset.done $0x0  }
0x148: {  	[sflag:s26] =	ssyncadd.s32 $0xFFFFEC00  }
0x149: {  	[tilespmem:s29], [sflag:$0xB] =	stream.linear.gather [spmem:s21], $0x1400, $0x38;
	[tilespmem:$0x1CB80] =	vst v63  }
0x14a: {  	_ =	swait.ge [sflag:s26], $0x1400  }
0x14b: {  	[sflag:s26] =	ssyncset.done $0x0  }
0x14c: {  	s14 =	rddreg [dreg:$0x13];
	[sflag:s26] =	ssyncadd.s32 $0xFFFFEC00  }
0x14d: {  	[hbm4b:s14+s23] =	stream.linear.scatter [tilespmem:s29], [sflag:$0xB], $0x1400, $0x38;
	[tilespmem:$0x1CB80] =	vst v63  }
0x14e: {  	_ =	swait.ge [sflag:s26], $0x1400  }
0x14f: {  	[sflag:s26] =	ssyncset.done $0x0  }
0x150: {  	[sflag:s26] =	ssyncadd.s32 $0xFFFFEC00  }
0x151: {  	[tilespmem:s29], [sflag:$0xB] =	stream.linear.gather [spmem:s22], $0x1400, $0x38;
	[tilespmem:$0x1CB80] =	vst v63  }
0x152: {  	_ =	swait.ge [sflag:s26], $0x1400  }
0x153: {  	[sflag:s26] =	ssyncset.done $0x0  }
0x154: {  	s15 =	rddreg [dreg:$0x14];
	[sflag:s26] =	ssyncadd.s32 $0xFFFFEC00  }
0x155: {  	[hbm4b:s15+s23] =	stream.linear.scatter [tilespmem:s29], [sflag:$0xB], $0x1400, $0x38;
	[tilespmem:$0x1CB80] =	vst v63  }
0x156: {  	_ =	swait.ge [sflag:s26], $0x1400  }
0x157: {  	s9 =	sld [smem:$0x7F9]  }
0x158: {  	[sflag:s26] =	ssyncset.done $0x0  }
0x159: {  	[sflag:s26] =	ssyncadd.s32 $0xFFFFEC00  }
0x15a: {  	[tilespmem:s9], [sflag:$0xB] =	stream.linear.gather @!p6 [spmem:s25], $0x1400, $0x38;
	[tilespmem:$0x1CB80] =	vst v63  }
0x15b: {  	_ =	swait.ge @!p6 [sflag:s12], $0x1400  }
0x15c: {  	[sflag:s12] =	ssyncset.done @!p6 $0x0  }
0x15d: {  	s4 =	simm.s32 @!p6 $0x0;
	s8 =	rddreg [dreg:$0x15];
	[sflag:s12] =	ssyncadd.s32 @!p6 $0xFFFFEC00  }
0x15e: {  	[hbm4b:s8+s4] =	stream.linear.scatter @!p6 [tilespmem:s9], [sflag:$0xB], $0x1400, $0x38;
	[tilespmem:$0x1CB80] =	vst v63  }
0x15f: {  	_ =	swait.ge @!p6 [sflag:s12], $0x1400  }
0x160: {  	s16 =	sld [smem:$0x7FA];
	_ =	sdelay $0x1  }
0x161: {  	s11 =	sadd.s32 $0x1, s11  }
0x162: {  	p0 =	sne.s32 s11, s16  }
.Ltmp1:
0x163: {  	_ = 	snop;
	(pc) =	sbr.rel @!p0 .LBB2_10-.Ltmp1, $3  }
0x164: {  	_ =	sdelay $0x1  }
0x165: {  	[sflag:s12] =	ssyncset.done @!p6 $0x0  }
0x166: {  	[sflag:s12] =	ssyncadd.s32 @!p6 $0xFFFFEC00  }
.LBB2_1:
0x167: {  	s4 =	rddreg [dreg:$0x16]  }
0x168: {  	[tilespmem:s23], [sflag:$0xB] =	stream.linear.gather [hbm4b:s4+s23], $0x80, $0x38;
	[tilespmem:$0x1CB80] =	vst v63  }
0x169: {  	_ =	swait.ge [sflag:s26], $0x80  }
0x16a: {  	[sflag:s26] =	ssyncset.done $0x0  }
0x16b: {  	[sflag:s26] =	ssyncadd.s32 $0xFFFFFF80  }
0x16c: {  	v1 =	vld [tilespmem:$0x0];
	_ =	sdelay $0x4  }
0x16d: {  	(v2sf) =	vpush v1, $0x0  }
0x16e: {  	(v2sf) =	vpush v1, $0x1;
	_ =	sdelay $0x9  }
0x16f: {  	(v2sf) =	vpush v1, $0x2  }
0x170: {  	(v2sf) =	vpush v1, $0x3;
	_ =	sdelay $0x1  }
0x171: {  	s10 =	sld [smem:$0x7FB]  }
0x172: {  	s8 =	spop (v2sf)  }
0x173: {  	s14 =	spop (v2sf)  }
0x174: {  	s12 =	stileid.u32;
	s9 =	smul.u32 s10, s14  }
0x175: {  	s10 =	smul.u32 s12, s8  }
0x176: {  	s15 =	sadd.s32 $0xFA0, s9  }
0x177: {  	s15 =	smov.u32 @p4 s10  }
0x178: {  	s13 =	sadd.s32 s14, s15  }
0x179: {  	s9 =	smul.u32 $0x50, s13  }
0x17a: {  	s10 =	smul.u32 $0x50, s10  }
0x17b: {  	s9 =	sadd.s32 $0xFFFFB1E0, s9  }
0x17c: {  	s9 =	smov.u32 @p4 s10  }
0x17d: {  	s16 =	rddreg [dreg:$0x1];
	s10 =	spop (v2sf);
	s12 =	sshrl.u32 s9, $0x3  }
0x17e: {  	s13 =	simm.s32 $0x80;
	s9 =	spop (v2sf);
	s12 =	sadd.s32 s16, s12  }
0x17f: {  	[tilespmem:s13], [sflag:$0xB] =	stream.linear.gather [hbm4b:s12+s23], $0x4E20, $0x38;
	[tilespmem:$0x1CB80] =	vst v63  }
0x180: {  	_ =	swait.ge [sflag:s26], $0x4E20  }
0x181: {  	[sflag:s26] =	ssyncset.done $0x0  }
0x182: {  	s16 =	rddreg [dreg:$0x17];
	[sflag:s26] =	ssyncadd.s32 $0xFFFFB1E0  }
0x183: {  	[tilespmem:s29], [sflag:$0xB] =	stream.linear.gather [hbm4b:s16+s23], $0x1400, $0x38;
	[tilespmem:$0x1CB80] =	vst v63  }
0x184: {  	_ =	swait.ge [sflag:s26], $0x1400  }
0x185: {  	[sflag:s26] =	ssyncset.done $0x0  }
0x186: {  	[sflag:s26] =	ssyncadd.s32 $0xFFFFEC00  }
0x187: {  	[spmem:s24] =	stream.linear.scatter [tilespmem:s29], [sflag:$0xB], $0x1400, $0x38;
	[tilespmem:$0x1CB80] =	vst v63  }
0x188: {  	_ =	swait.ge [sflag:s26], $0x1400  }
0x189: {  	[sflag:s26] =	ssyncset.done $0x0  }
0x18a: {  	[sflag:s26] =	ssyncadd.s32 $0xFFFFEC00  }
0x18b: {  	[spmem:s17] =	stream.linear.scatter [tilespmem:s29], [sflag:$0xB], $0x1400, $0x38;
	[tilespmem:$0x1CB80] =	vst v63  }
0x18c: {  	_ =	swait.ge [sflag:s26], $0x1400  }
0x18d: {  	[sflag:s26] =	ssyncset.done $0x0  }
0x18e: {  	[sflag:s26] =	ssyncadd.s32 $0xFFFFEC00  }
0x18f: {  	[spmem:s18] =	stream.linear.scatter [tilespmem:s29], [sflag:$0xB], $0x1400, $0x38;
	[tilespmem:$0x1CB80] =	vst v63  }
0x190: {  	_ =	swait.ge [sflag:s26], $0x1400  }
0x191: {  	[sflag:s26] =	ssyncset.done $0x0  }
0x192: {  	[sflag:s26] =	ssyncadd.s32 $0xFFFFEC00  }
0x193: {  	[spmem:s19] =	stream.linear.scatter [tilespmem:s29], [sflag:$0xB], $0x1400, $0x38;
	[tilespmem:$0x1CB80] =	vst v63  }
0x194: {  	_ =	swait.ge [sflag:s26], $0x1400  }
0x195: {  	[sflag:s26] =	ssyncset.done $0x0  }
0x196: {  	[sflag:s26] =	ssyncadd.s32 $0xFFFFEC00  }
0x197: {  	[spmem:s20] =	stream.linear.scatter [tilespmem:s29], [sflag:$0xB], $0x1400, $0x38;
	[tilespmem:$0x1CB80] =	vst v63  }
0x198: {  	_ =	swait.ge [sflag:s26], $0x1400  }
0x199: {  	[sflag:s26] =	ssyncset.done $0x0  }
0x19a: {  	[sflag:s26] =	ssyncadd.s32 $0xFFFFEC00  }
0x19b: {  	[spmem:s21] =	stream.linear.scatter [tilespmem:s29], [sflag:$0xB], $0x1400, $0x38;
	[tilespmem:$0x1CB80] =	vst v63  }
0x19c: {  	_ =	swait.ge [sflag:s26], $0x1400  }
0x19d: {  	[sflag:s26] =	ssyncset.done $0x0  }
0x19e: {  	s4 =	simm.s32 @!p6 $0x11B00;
	[sflag:s26] =	ssyncadd.s32 $0xFFFFEC00  }
0x19f: {  	[spmem:s22] =	stream.linear.scatter [tilespmem:s29], [sflag:$0xB], $0x1400, $0x38;
	[tilespmem:$0x1CB80] =	vst v63  }
0x1a0: {  	p0 =	slt.s32 s15, $0xF9F;
	s9 =	smov.u32 @p4 s10;
	_ =	swait.ge [sflag:s26], $0x1400  }
0x1a1: {  	s12 =	simm.s32 @!p6 $0x11B00;
	s13 =	smov.u32 s15;
	[sflag:s26] =	ssyncset.done $0x0  }
0x1a2: {  	s13 =	simm.s32 @!p0 $0xF9F;
	s16 =	sadd.s32 $0x1, s15;
	[sflag:s26] =	ssyncadd.s32 $0xFFFFEC00  }
0x1a3: {  	[spmem:s25] =	stream.linear.scatter @!p6 [tilespmem:s12], [sflag:$0xB], $0x1400, $0x38;
	[tilespmem:$0x1CB80] =	vst v63  }
0x1a4: {  	p0 =	slt.s32 s16, $0xF9F;
	[smem:$0x7F9] =	sst s4;
	s12 =	simm.s32 @!p6 $0xB  }
0x1a5: {  	s13 =	smul.u32 $0x2800, s13;
	s16 =	simm.s32 @!p0 $0xF9F;
	_ =	swait.ge @!p6 [sflag:s12], $0x1400  }
0x1a6: {  	p0 =	slt.s32 s9, $0x1;
	s16 =	smul.u32 $0x2800, s16;
	[sflag:s12] =	ssyncset.done @!p6 $0x0  }
.Ltmp2:
0x1a7: {  	s13 =	sshrl.u32 s13, $0x3;
	[sflag:s12] =	ssyncadd.s32 @!p6 $0xFFFFEC00;
	(pc) =	sbr.rel @p0 .LBB2_9-.Ltmp2, $4  }
0x1a8: {  	s13 =	sadd.s32 s1, s13;
	s4 =	sshrl.u32 s16, $0x3;
	[bflag:$0x0] =	sbarrier.arrive $0xFFFF  }
0x1a9: {  	[tilespmem:s30], [sflag:$0x1] =	stream.linear.gather [hbm4b:s13+s23], $0x2800, $0x38;
	[tilespmem:$0x1CB80] =	vst v63  }
0x1aa: {  	s16 =	sadd.s32 s1, s4  }
0x1ab: {  	[tilespmem:s31], [sflag:$0x2] =	stream.linear.gather [hbm4b:s16+s23], $0x2800, $0x38;
	[tilespmem:$0x1CB80] =	vst v63  }
0x1ac: {  	s25 =	smul.u32 $0x5, s9;
	s9 =	sadd.s32 $0xFFFFFFFF, s9  }
0x1ad: {  	p0 =	sne.s32 s9, $0x0  }
.Ltmp3:
0x1ae: {  	s4 =	simm.s32 @!p6 $0xB;
	(pc) =	sbr.rel @!p0 .LBB2_3-.Ltmp3, $4  }
0x1af: {  	s10 =	smul.u32 $0xFFFFFFB0, s14;
	s14 =	smov.u32 @p4 s8;
	s8 =	simm.s32 $0x6  }
0x1b0: {  	s18 =	simm.s32 $0x2;
	p1 =	por $0x0, $0x0;
	p5 =	sle.s32 s25, $0x2  }
0x1b1: {  	[smem:$0x7F8] =	sst s4;
	s21 =	sadd.s32 $0x4E20, s10;
	s10 =	sadd.s32 @!p5 $0x0, s15  }
0x1b2: {  	p3 =	sgt.s32 s14, $0x2;
	s21 =	simm.s32 @p4 $0x0;
	s22 =	sadd.s32 @!p5 $0x2, s10  }
0x1b3: {  	p0 =	slt.s32 @!p5 s22, $0xF9F  }
0x1b4: {  	p0 =	por !p0, p5  }
0x1b5: {  	s22 =	simm.s32 @p0 $0xF9F;
	p0 =	por $0x1, $0x1  }
0x1b6: {  	s13 =	simm.s32 @!p5 $0x0;
	s8 =	smul.u32 @!p5 $0x2800, s22;
	s10 =	simm.s32 @!p0 $0x8  }
0x1b7: {  	p1 =	slt.s32 s21, $0x4DD0;
	s16 =	smov.u32 s21;
	_ =	swait.ge @!p0 [sflag:s10], $0x2800  }
0x1b8: {  	s17 =	simm.s32 @!p5 $0xA300;
	s8 =	sshrl.u32 @!p5 s8, $0x3;
	[sflag:s10] =	ssyncset.done @!p0 $0x0  }
0x1b9: {  	s16 =	simm.s32 @!p1 $0x4DD0;
	s8 =	sadd.s32 @!p5 s1, s8;
	[sflag:s10] =	ssyncadd.s32 @!p0 $0xFFFFD800  }
0x1ba: {  	[tilespmem:s17], [sflag:$0x3] =	stream.linear.gather @!p5 [hbm4b:s8+s13], $0x2800, $0x38;
	[tilespmem:$0x1CB80] =	vst v63  }
0x1bb: {  	v1 =	vld [tilespmem:s16+$0x80];
	_ =	sdelay $0x3  }
0x1bc: {  	p0 =	sgt.s32 s14, $0x0;
	s8 =	simm.s32 $0x1388  }
0x1bd: {  	s8 =	simm.s32 @!p0 $0x0;
	v1 =	vsub.s32 v1, v0  }
0x1be: {  	vm0 =	vgt.s32 v1, $0xFFFFFFFF;
	vm1 =	vlt.s32 v1, s8  }
0x1bf: {  	vm0 =	vmand vm0, vm1  }
0x1c0: {  	v1 =	vnsel vm0, $0x1388, v1  }
0x1c1: {  	[tilespmem:$0x4F00] =	vst v1  }
0x1c2: {  	v1 =	vld [tilespmem:s16+$0x90];
	_ =	sdelay $0x4  }
0x1c3: {  	v1 =	vsub.s32 v1, v0  }
0x1c4: {  	vm10 =	vgt.s32 v1, $0xFFFFFFFF;
	vm11 =	vlt.s32 v1, s8  }
0x1c5: {  	vm0 =	vmand vm10, vm11  }
0x1c6: {  	v1 =	vnsel vm0, $0x1388, v1  }
0x1c7: {  	[tilespmem:$0x4F10] =	vst v1  }
0x1c8: {  	v1 =	vld [tilespmem:s16+$0xA0];
	_ =	sdelay $0x4  }
0x1c9: {  	v1 =	vsub.s32 v1, v0  }
0x1ca: {  	vm12 =	vgt.s32 v1, $0xFFFFFFFF;
	vm13 =	vlt.s32 v1, s8  }
0x1cb: {  	vm0 =	vmand vm12, vm13  }
0x1cc: {  	v1 =	vnsel vm0, $0x1388, v1  }
0x1cd: {  	[tilespmem:$0x4F20] =	vst v1  }
0x1ce: {  	v1 =	vld [tilespmem:s16+$0xB0];
	_ =	sdelay $0x4  }
0x1cf: {  	v1 =	vsub.s32 v1, v0  }
0x1d0: {  	vm14 =	vgt.s32 v1, $0xFFFFFFFF;
	vm15 =	vlt.s32 v1, s8  }
0x1d1: {  	vm0 =	vmand vm14, vm15  }
0x1d2: {  	v1 =	vnsel vm0, $0x1388, v1  }
0x1d3: {  	[tilespmem:$0x4F30] =	vst v1  }
0x1d4: {  	v1 =	vld [tilespmem:s16+$0xC0];
	_ =	sdelay $0x4  }
0x1d5: {  	p0 =	sle.s32 s25, $0x3;
	v1 =	vsub.s32 v1, v0  }
0x1d6: {  	vm4 =	vgt.s32 v1, $0xFFFFFFFF;
	vm5 =	vlt.s32 v1, s8;
	s8 =	sadd.s32 @!p0 $0x0, s15  }
0x1d7: {  	vm0 =	vmand vm4, vm5;
	s8 =	sadd.s32 @!p0 $0x3, s8  }
0x1d8: {  	v1 =	vnsel vm0, $0x1388, v1;
	p1 =	slt.s32 @!p0 s8, $0xF9F  }
0x1d9: {  	s10 =	sadd.s32 $0x50, s21;
	[tilespmem:$0x4F40] =	vst v1;
	p1 =	por !p1, p0  }
0x1da: {  	p2 =	slt.s32 s10, $0x4DD0;
	_ =	swait.ge [sflag:s0], $0x2800;
	s8 =	simm.s32 @p1 $0xF9F  }
0x1db: {  	p1 =	por $0x1, $0x1;
	s18 =	rddreg [dreg:$0x6];
	[sflag:s0] =	ssyncset.done $0x0  }
0x1dc: {  	s8 =	smul.u32 @!p0 $0x2800, s8;
	s16 =	simm.s32 @!p1 $0x9;
	[sflag:s0] =	ssyncadd.s32 $0xFFFFD800  }
0x1dd: {  	[spmem:s3] =	stream.indirect.scatter.add.f32 [tilespmem:s30], [sflag:$0x6], $0x80, s18, s2, $0xb8;
	[tilespmem:$0x1CB80] =	vst v63  }
0x1de: {  	s10 =	simm.s32 @!p2 $0x4DD0;
	_ =	swait.ge @!p1 [sflag:s16], $0x2800  }
0x1df: {  	s13 =	simm.s32 @!p0 $0xCB00;
	s8 =	sshrl.u32 @!p0 s8, $0x3;
	[sflag:s16] =	ssyncset.done @!p1 $0x0  }
0x1e0: {  	s17 =	simm.s32 @!p0 $0x0;
	s8 =	sadd.s32 @!p0 s1, s8;
	[sflag:s16] =	ssyncadd.s32 @!p1 $0xFFFFD800  }
0x1e1: {  	[tilespmem:s13], [sflag:$0x4] =	stream.linear.gather @!p0 [hbm4b:s8+s17], $0x2800, $0x38;
	[tilespmem:$0x1CB80] =	vst v63  }
0x1e2: {  	v1 =	vld [tilespmem:s10+$0x80];
	_ =	sdelay $0x3  }
0x1e3: {  	p0 =	sgt.s32 s14, $0x1;
	s8 =	simm.s32 $0x1388  }
0x1e4: {  	s8 =	simm.s32 @!p0 $0x0;
	v1 =	vsub.s32 v1, v0  }
0x1e5: {  	vm6 =	vgt.s32 v1, $0xFFFFFFFF;
	vm7 =	vlt.s32 v1, s8  }
0x1e6: {  	vm0 =	vmand vm6, vm7  }
0x1e7: {  	v1 =	vnsel vm0, $0x1388, v1  }
0x1e8: {  	[tilespmem:$0x4F80] =	vst v1  }
0x1e9: {  	v1 =	vld [tilespmem:s10+$0x90];
	_ =	sdelay $0x4  }
0x1ea: {  	v1 =	vsub.s32 v1, v0  }
0x1eb: {  	vm8 =	vgt.s32 v1, $0xFFFFFFFF;
	vm9 =	vlt.s32 v1, s8  }
0x1ec: {  	vm0 =	vmand vm8, vm9  }
0x1ed: {  	v1 =	vnsel vm0, $0x1388, v1  }
0x1ee: {  	[tilespmem:$0x4F90] =	vst v1  }
0x1ef: {  	v1 =	vld [tilespmem:s10+$0xA0];
	_ =	sdelay $0x4  }
0x1f0: {  	v1 =	vsub.s32 v1, v0  }
0x1f1: {  	vm10 =	vgt.s32 v1, $0xFFFFFFFF;
	vm11 =	vlt.s32 v1, s8  }
0x1f2: {  	vm0 =	vmand vm10, vm11  }
0x1f3: {  	v1 =	vnsel vm0, $0x1388, v1  }
0x1f4: {  	[tilespmem:$0x4FA0] =	vst v1  }
0x1f5: {  	v1 =	vld [tilespmem:s10+$0xB0];
	_ =	sdelay $0x4  }
0x1f6: {  	v1 =	vsub.s32 v1, v0  }
0x1f7: {  	vm12 =	vgt.s32 v1, $0xFFFFFFFF;
	vm13 =	vlt.s32 v1, s8  }
0x1f8: {  	vm0 =	vmand vm12, vm13  }
0x1f9: {  	v1 =	vnsel vm0, $0x1388, v1  }
0x1fa: {  	[tilespmem:$0x4FB0] =	vst v1  }
0x1fb: {  	v1 =	vld [tilespmem:s10+$0xC0];
	_ =	sdelay $0x4  }
0x1fc: {  	p0 =	sle.s32 s25, $0x4;
	v1 =	vsub.s32 v1, v0  }
0x1fd: {  	s10 =	sadd.s32 @!p0 $0x0, s15;
	vm14 =	vgt.s32 v1, $0xFFFFFFFF;
	vm15 =	vlt.s32 v1, s8  }
0x1fe: {  	s8 =	sadd.s32 @!p0 $0x4, s10;
	vm0 =	vmand vm14, vm15  }
0x1ff: {  	p1 =	slt.s32 @!p0 s8, $0xF9F;
	v1 =	vnsel vm0, $0x1388, v1  }
0x200: {  	p1 =	por !p1, p0;
	[tilespmem:$0x4FC0] =	vst v1  }
0x201: {  	s10 =	sadd.s32 $0xA0, s21;
	s8 =	simm.s32 @p1 $0xF9F;
	_ =	swait.ge [sflag:s28], $0x2800  }
0x202: {  	p1 =	por $0x1, $0x1;
	s8 =	smul.u32 @!p0 $0x2800, s8;
	[sflag:s28] =	ssyncset.done $0x0  }
0x203: {  	s13 =	simm.s32 @!p1 $0xA;
	s19 =	rddreg [dreg:$0x7];
	[sflag:s28] =	ssyncadd.s32 $0xFFFFD800  }
0x204: {  	[spmem:s3] =	stream.indirect.scatter.add.f32 [tilespmem:s31], [sflag:$0x7], $0x80, s19, s2, $0xb8;
	[tilespmem:$0x1CB80] =	vst v63  }
0x205: {  	s16 =	simm.s32 @!p0 $0xF300;
	p2 =	slt.s32 s10, $0x4DD0;
	_ =	swait.ge @!p1 [sflag:s13], $0x2800  }
0x206: {  	s10 =	simm.s32 @!p2 $0x4DD0;
	s8 =	sshrl.u32 @!p0 s8, $0x3;
	[sflag:s13] =	ssyncset.done @!p1 $0x0  }
0x207: {  	s8 =	sadd.s32 @!p0 s1, s8;
	[sflag:s13] =	ssyncadd.s32 @!p1 $0xFFFFD800;
	s13 =	simm.s32 @!p0 $0x0  }
0x208: {  	[tilespmem:s16], [sflag:$0x5] =	stream.linear.gather @!p0 [hbm4b:s8+s13], $0x2800, $0x38;
	[tilespmem:$0x1CB80] =	vst v63  }
0x209: {  	v1 =	vld [tilespmem:s10+$0x80];
	_ =	sdelay $0x3  }
0x20a: {  	s8 =	simm.s32 $0x1388  }
0x20b: {  	s8 =	simm.s32 @!p3 $0x0;
	v1 =	vsub.s32 v1, v0  }
0x20c: {  	vm4 =	vgt.s32 v1, $0xFFFFFFFF;
	vm5 =	vlt.s32 v1, s8  }
0x20d: {  	vm0 =	vmand vm4, vm5  }
0x20e: {  	v1 =	vnsel vm0, $0x1388, v1  }
0x20f: {  	[tilespmem:$0x5000] =	vst v1  }
0x210: {  	v1 =	vld [tilespmem:s10+$0x90];
	_ =	sdelay $0x4  }
0x211: {  	v1 =	vsub.s32 v1, v0  }
0x212: {  	vm6 =	vgt.s32 v1, $0xFFFFFFFF;
	vm7 =	vlt.s32 v1, s8  }
0x213: {  	vm0 =	vmand vm6, vm7  }
0x214: {  	v1 =	vnsel vm0, $0x1388, v1  }
0x215: {  	[tilespmem:$0x5010] =	vst v1  }
0x216: {  	v1 =	vld [tilespmem:s10+$0xA0];
	_ =	sdelay $0x4  }
0x217: {  	v1 =	vsub.s32 v1, v0  }
0x218: {  	vm8 =	vgt.s32 v1, $0xFFFFFFFF;
	vm9 =	vlt.s32 v1, s8  }
0x219: {  	vm0 =	vmand vm8, vm9  }
0x21a: {  	v1 =	vnsel vm0, $0x1388, v1  }
0x21b: {  	[tilespmem:$0x5020] =	vst v1  }
0x21c: {  	v1 =	vld [tilespmem:s10+$0xB0];
	_ =	sdelay $0x4  }
0x21d: {  	v1 =	vsub.s32 v1, v0  }
0x21e: {  	vm10 =	vgt.s32 v1, $0xFFFFFFFF;
	vm11 =	vlt.s32 v1, s8  }
0x21f: {  	vm0 =	vmand vm10, vm11  }
0x220: {  	v1 =	vnsel vm0, $0x1388, v1  }
0x221: {  	[tilespmem:$0x5030] =	vst v1  }
0x222: {  	v1 =	vld [tilespmem:s10+$0xC0];
	_ =	sdelay $0x4  }
0x223: {  	p0 =	sle.s32 s25, $0x5;
	v1 =	vsub.s32 v1, v0  }
0x224: {  	vm12 =	vgt.s32 v1, $0xFFFFFFFF;
	vm13 =	vlt.s32 v1, s8;
	s8 =	sadd.s32 @!p0 $0x0, s15  }
0x225: {  	vm0 =	vmand vm12, vm13;
	s8 =	sadd.s32 @!p0 $0x5, s8  }
0x226: {  	v1 =	vnsel vm0, $0x1388, v1;
	p1 =	slt.s32 @!p0 s8, $0xF9F  }
0x227: {  	s13 =	simm.s32 @!p0 $0x0;
	[tilespmem:$0x5040] =	vst v1;
	p1 =	por !p1, p0  }
0x228: {  	_ =	swait.ge [sflag:s5], $0x2800;
	s8 =	simm.s32 @p1 $0xF9F;
	p1 =	por $0x0, $0x0  }
0x229: {  	s20 =	rddreg [dreg:$0x9];
	s8 =	smul.u32 @!p0 $0x2800, s8;
	[sflag:s5] =	ssyncset.done $0x0  }
0x22a: {  	s22 =	rddreg [dreg:$0x8];
	s16 =	simm.s32 @!p1 $0x6;
	[sflag:s5] =	ssyncadd.s32 $0xFFFFD800  }
0x22b: {  	[spmem:s3] =	stream.indirect.scatter.add.f32 [tilespmem:s20], [sflag:$0x8], $0x80, s22, s2, $0xb8;
	[tilespmem:$0x1CB80] =	vst v63  }
0x22c: {  	s17 =	simm.s32 @!p0 $0x5300;
	s10 =	sadd.s32 $0xF0, s21;
	_ =	swait.ge @!p1 [sflag:s16], $0x2800  }
0x22d: {  	p2 =	slt.s32 s10, $0x4DD0;
	s8 =	sshrl.u32 @!p0 s8, $0x3;
	[sflag:s16] =	ssyncset.done @!p1 $0x0  }
0x22e: {  	s10 =	simm.s32 @!p2 $0x4DD0;
	s8 =	sadd.s32 @!p0 s1, s8;
	[sflag:s16] =	ssyncadd.s32 @!p1 $0xFFFFD800  }
0x22f: {  	[tilespmem:s17], [sflag:$0x1] =	stream.linear.gather @!p0 [hbm4b:s8+s13], $0x2800, $0x38;
	[tilespmem:$0x1CB80] =	vst v63  }
0x230: {  	v1 =	vld [tilespmem:s10+$0x80];
	_ =	sdelay $0x3  }
0x231: {  	p0 =	sgt.s32 s14, $0x3;
	s8 =	simm.s32 $0x1388  }
0x232: {  	s8 =	simm.s32 @!p0 $0x0;
	v1 =	vsub.s32 v1, v0  }
0x233: {  	vm14 =	vgt.s32 v1, $0xFFFFFFFF;
	vm15 =	vlt.s32 v1, s8  }
0x234: {  	vm0 =	vmand vm14, vm15  }
0x235: {  	v1 =	vnsel vm0, $0x1388, v1  }
0x236: {  	[tilespmem:$0x5080] =	vst v1  }
0x237: {  	v1 =	vld [tilespmem:s10+$0x90];
	_ =	sdelay $0x4  }
0x238: {  	v1 =	vsub.s32 v1, v0  }
0x239: {  	vm4 =	vgt.s32 v1, $0xFFFFFFFF;
	vm5 =	vlt.s32 v1, s8  }
0x23a: {  	vm0 =	vmand vm4, vm5  }
0x23b: {  	v1 =	vnsel vm0, $0x1388, v1  }
0x23c: {  	[tilespmem:$0x5090] =	vst v1  }
0x23d: {  	v1 =	vld [tilespmem:s10+$0xA0];
	_ =	sdelay $0x4  }
0x23e: {  	v1 =	vsub.s32 v1, v0  }
0x23f: {  	vm6 =	vgt.s32 v1, $0xFFFFFFFF;
	vm7 =	vlt.s32 v1, s8  }
0x240: {  	vm0 =	vmand vm6, vm7  }
0x241: {  	v1 =	vnsel vm0, $0x1388, v1  }
0x242: {  	[tilespmem:$0x50A0] =	vst v1  }
0x243: {  	v1 =	vld [tilespmem:s10+$0xB0];
	_ =	sdelay $0x4  }
0x244: {  	v1 =	vsub.s32 v1, v0  }
0x245: {  	vm8 =	vgt.s32 v1, $0xFFFFFFFF;
	vm9 =	vlt.s32 v1, s8  }
0x246: {  	vm0 =	vmand vm8, vm9  }
0x247: {  	v1 =	vnsel vm0, $0x1388, v1  }
0x248: {  	[tilespmem:$0x50B0] =	vst v1  }
0x249: {  	v1 =	vld [tilespmem:s10+$0xC0];
	_ =	sdelay $0x4  }
0x24a: {  	p0 =	sle.s32 s25, $0x6;
	v1 =	vsub.s32 v1, v0  }
0x24b: {  	vm10 =	vgt.s32 v1, $0xFFFFFFFF;
	vm11 =	vlt.s32 v1, s8;
	s8 =	sadd.s32 @!p0 $0x0, s15  }
0x24c: {  	vm0 =	vmand vm10, vm11;
	s8 =	sadd.s32 @!p0 $0x6, s8  }
0x24d: {  	s19 =	sadd.s32 $0x140, s21;
	v1 =	vnsel vm0, $0x1388, v1;
	p1 =	slt.s32 @!p0 s8, $0xF9F  }
0x24e: {  	p2 =	slt.s32 s19, $0x4DD0;
	[tilespmem:$0x50C0] =	vst v1;
	p1 =	por !p1, p0  }
0x24f: {  	_ =	swait.ge [sflag:s6], $0x2800;
	s8 =	simm.s32 @p1 $0xF9F;
	p1 =	por $0x0, $0x0  }
0x250: {  	s23 =	rddreg [dreg:$0xa];
	s8 =	smul.u32 @!p0 $0x2800, s8;
	[sflag:s6] =	ssyncset.done $0x0  }
0x251: {  	s24 =	rddreg [dreg:$0xb];
	s16 =	simm.s32 @!p1 $0x7;
	[sflag:s6] =	ssyncadd.s32 $0xFFFFD800  }
0x252: {  	[spmem:s3] =	stream.indirect.scatter.add.f32 [tilespmem:s24], [sflag:$0x9], $0x80, s23, s2, $0xb8;
	[tilespmem:$0x1CB80] =	vst v63  }
0x253: {  	s19 =	simm.s32 @!p2 $0x4DD0;
	_ =	swait.ge @!p1 [sflag:s16], $0x2800  }
0x254: {  	s13 =	simm.s32 @!p0 $0x7B00;
	s8 =	sshrl.u32 @!p0 s8, $0x3;
	[sflag:s16] =	ssyncset.done @!p1 $0x0  }
0x255: {  	s10 =	simm.s32 @!p0 $0x0;
	s8 =	sadd.s32 @!p0 s1, s8;
	[sflag:s16] =	ssyncadd.s32 @!p1 $0xFFFFD800  }
0x256: {  	[tilespmem:s13], [sflag:$0x2] =	stream.linear.gather @!p0 [hbm4b:s8+s10], $0x2800, $0x38;
	[tilespmem:$0x1CB80] =	vst v63  }
0x257: {  	v1 =	vld [tilespmem:s19+$0x80];
	_ =	sdelay $0x3  }
0x258: {  	s20 =	simm.s32 $0x1388;
	p0 =	sgt.s32 s14, $0x4  }
0x259: {  	s20 =	simm.s32 @!p0 $0x0;
	v1 =	vsub.s32 v1, v0  }
0x25a: {  	vm12 =	vgt.s32 v1, $0xFFFFFFFF;
	vm13 =	vlt.s32 v1, s20  }
0x25b: {  	vm0 =	vmand vm12, vm13  }
0x25c: {  	v1 =	vnsel vm0, $0x1388, v1  }
0x25d: {  	[tilespmem:$0x5100] =	vst v1  }
0x25e: {  	v1 =	vld [tilespmem:s19+$0x90];
	_ =	sdelay $0x2  }
0x25f: {  	s17 =	sadd.s32 $0xFFFFFFFF, s9  }
0x260: {  	p0 =	sne.s32 s17, $0x0  }
.Ltmp4:
0x261: {  	v1 =	vsub.s32 v1, v0;
	(pc) =	sbr.rel @!p0 .LBB2_5-.Ltmp4, $4  }
0x262: {  	p5 =	sle.s32 s25, $0x7;
	vm14 =	vgt.s32 v1, $0xFFFFFFFF;
	vm15 =	vlt.s32 v1, s20  }
0x263: {  	s18 =	simm.s32 $0x7;
	s9 =	sadd.s32 @!p5 $0x5, s15;
	vm0 =	vmand vm14, vm15  }
0x264: {  	p3 =	sgt.s32 s14, $0x7;
	s22 =	sadd.s32 @!p5 $0x2, s9;
	s9 =	simm.s32 $0x5;
	v1 =	vnsel vm0, $0x1388, v1  }
0x265: {  	s16 =	smov.u32 s21;
	s10 =	simm.s32 $0x5;
	s8 =	simm.s32 $0xB;
	[tilespmem:$0x5110] =	vst v1  }
.LBB2_6:
0x266: {  	v1 =	vld [tilespmem:s19+$0xA0];
	_ =	sdelay $0x4  }
0x267: {  	v1 =	vsub.s32 v1, v0  }
0x268: {  	vm0 =	vgt.s32 v1, $0xFFFFFFFF;
	vm1 =	vlt.s32 v1, s20  }
0x269: {  	vm0 =	vmand vm0, vm1  }
0x26a: {  	v1 =	vnsel vm0, $0x1388, v1  }
0x26b: {  	[tilespmem:$0x5120] =	vst v1  }
0x26c: {  	v1 =	vld [tilespmem:s19+$0xB0];
	_ =	sdelay $0x4  }
0x26d: {  	v1 =	vsub.s32 v1, v0  }
0x26e: {  	vm4 =	vgt.s32 v1, $0xFFFFFFFF;
	vm5 =	vlt.s32 v1, s20  }
0x26f: {  	vm0 =	vmand vm4, vm5  }
0x270: {  	v1 =	vnsel vm0, $0x1388, v1  }
0x271: {  	[tilespmem:$0x5130] =	vst v1  }
0x272: {  	v1 =	vld [tilespmem:s19+$0xC0];
	_ =	sdelay $0x4  }
0x273: {  	v1 =	vsub.s32 v1, v0  }
0x274: {  	vm6 =	vgt.s32 v1, $0xFFFFFFFF;
	vm7 =	vlt.s32 v1, s20  }
0x275: {  	vm0 =	vmand vm6, vm7  }
0x276: {  	p0 =	slt.s32 @!p5 s22, $0xF9F;
	v1 =	vnsel vm0, $0x1388, v1  }
0x277: {  	s16 =	sadd.s32 $0x190, s16;
	s23 =	simm.s32 @!p5 $0x0;
	p0 =	por !p0, p5;
	[tilespmem:$0x5140] =	vst v1  }
0x278: {  	s22 =	simm.s32 @p0 $0xF9F;
	p0 =	slt.s32 s10, $0x3;
	_ =	swait.ge [sflag:s7], $0x2800  }
0x279: {  	s13 =	smul.u32 @!p5 $0x2800, s22;
	[sflag:s7] =	ssyncset.done $0x0;
	s20 =	rddreg [dreg:$0xc]  }
0x27a: {  	s12 =	simm.s32 @!p0 $0x8;
	s4 =	rddreg [dreg:$0xd];
	[sflag:s7] =	ssyncadd.s32 $0xFFFFD800  }
0x27b: {  	[spmem:s3] =	stream.indirect.scatter.add.f32 [tilespmem:s4], [sflag:$0xA], $0x80, s20, s2, $0xb8;
	[tilespmem:$0x1CB80] =	vst v63  }
0x27c: {  	p1 =	slt.s32 s16, $0x4DD0;
	s24 =	smov.u32 s16;
	_ =	swait.ge @!p0 [sflag:s12], $0x2800  }
0x27d: {  	s24 =	simm.s32 @!p1 $0x4DD0;
	s13 =	sshrl.u32 @!p5 s13, $0x3;
	[sflag:s12] =	ssyncset.done @!p0 $0x0  }
0x27e: {  	s22 =	sadd.s32 @!p5 s1, s13;
	s13 =	simm.s32 @!p5 $0xA300;
	[sflag:s12] =	ssyncadd.s32 @!p0 $0xFFFFD800  }
0x27f: {  	[tilespmem:s13], [sflag:$0x3] =	stream.linear.gather @!p5 [hbm4b:s22+s23], $0x2800, $0x38;
	[tilespmem:$0x1CB80] =	vst v63  }
0x280: {  	v1 =	vld [tilespmem:s24+$0x80];
	_ =	sdelay $0x3  }
0x281: {  	p1 =	slt.s32 s10, s14;
	s20 =	simm.s32 $0x1388  }
0x282: {  	s20 =	simm.s32 @!p1 $0x0;
	v1 =	vsub.s32 v1, v0  }
0x283: {  	vm8 =	vgt.s32 v1, $0xFFFFFFFF;
	vm9 =	vlt.s32 v1, s20  }
0x284: {  	vm0 =	vmand vm8, vm9  }
0x285: {  	v1 =	vnsel vm0, $0x1388, v1  }
0x286: {  	[tilespmem:$0x4F00] =	vst v1  }
0x287: {  	v1 =	vld [tilespmem:s24+$0x90];
	_ =	sdelay $0x4  }
0x288: {  	v1 =	vsub.s32 v1, v0  }
0x289: {  	vm10 =	vgt.s32 v1, $0xFFFFFFFF;
	vm11 =	vlt.s32 v1, s20  }
0x28a: {  	vm0 =	vmand vm10, vm11  }
0x28b: {  	v1 =	vnsel vm0, $0x1388, v1  }
0x28c: {  	[tilespmem:$0x4F10] =	vst v1  }
0x28d: {  	v1 =	vld [tilespmem:s24+$0xA0];
	_ =	sdelay $0x4  }
0x28e: {  	v1 =	vsub.s32 v1, v0  }
0x28f: {  	vm12 =	vgt.s32 v1, $0xFFFFFFFF;
	vm13 =	vlt.s32 v1, s20  }
0x290: {  	vm0 =	vmand vm12, vm13  }
0x291: {  	v1 =	vnsel vm0, $0x1388, v1  }
0x292: {  	[tilespmem:$0x4F20] =	vst v1  }
0x293: {  	v1 =	vld [tilespmem:s24+$0xB0];
	_ =	sdelay $0x4  }
0x294: {  	v1 =	vsub.s32 v1, v0  }
0x295: {  	vm14 =	vgt.s32 v1, $0xFFFFFFFF;
	vm15 =	vlt.s32 v1, s20  }
0x296: {  	vm0 =	vmand vm14, vm15  }
0x297: {  	v1 =	vnsel vm0, $0x1388, v1  }
0x298: {  	[tilespmem:$0x4F30] =	vst v1  }
0x299: {  	v1 =	vld [tilespmem:s24+$0xC0];
	_ =	sdelay $0x4  }
0x29a: {  	s22 =	sadd.s32 $0x3, s10;
	v1 =	vsub.s32 v1, v0  }
0x29b: {  	p0 =	sge.s32 s22, s25;
	vm4 =	vgt.s32 v1, $0xFFFFFFFF;
	vm5 =	vlt.s32 v1, s20  }
0x29c: {  	s19 =	sadd.s32 $0x50, s16;
	s12 =	sadd.s32 @!p0 s10, s15;
	vm0 =	vmand vm4, vm5  }
0x29d: {  	p2 =	slt.s32 s19, $0x4DD0;
	s12 =	sadd.s32 @!p0 $0x3, s12;
	v1 =	vnsel vm0, $0x1388, v1  }
0x29e: {  	s19 =	simm.s32 @!p2 $0x4DD0;
	s23 =	sadd.s32 $0x1, s10;
	p1 =	slt.s32 @!p0 s12, $0xF9F;
	[tilespmem:$0x4F40] =	vst v1  }
0x29f: {  	p5 =	slt.s32 s23, $0x3;
	p1 =	por !p1, p0;
	_ =	swait.ge [sflag:s0], $0x2800  }
0x2a0: {  	s13 =	simm.s32 @!p5 $0x9;
	s12 =	simm.s32 @p1 $0xF9F;
	[sflag:s0] =	ssyncset.done $0x0  }
0x2a1: {  	s12 =	smul.u32 @!p0 $0x2800, s12;
	s4 =	rddreg [dreg:$0x6];
	[sflag:s0] =	ssyncadd.s32 $0xFFFFD800  }
0x2a2: {  	[spmem:s3] =	stream.indirect.scatter.add.f32 [tilespmem:s30], [sflag:$0x6], $0x80, s4, s2, $0xb8;
	[tilespmem:$0x1CB80] =	vst v63  }
0x2a3: {  	p6 =	slt.s32 s22, s14;
	s22 =	simm.s32 @!p0 $0xCB00;
	_ =	swait.ge @!p5 [sflag:s13], $0x2800  }
0x2a4: {  	p1 =	slt.s32 s23, s14;
	s12 =	sshrl.u32 @!p0 s12, $0x3;
	[sflag:s13] =	ssyncset.done @!p5 $0x0  }
0x2a5: {  	s23 =	simm.s32 @!p0 $0x0;
	s12 =	sadd.s32 @!p0 s1, s12;
	[sflag:s13] =	ssyncadd.s32 @!p5 $0xFFFFD800  }
0x2a6: {  	[tilespmem:s22], [sflag:$0x4] =	stream.linear.gather @!p0 [hbm4b:s12+s23], $0x2800, $0x38;
	[tilespmem:$0x1CB80] =	vst v63  }
0x2a7: {  	v1 =	vld [tilespmem:s19+$0x80];
	_ =	sdelay $0x3  }
0x2a8: {  	s22 =	simm.s32 $0x1388  }
0x2a9: {  	s22 =	simm.s32 @!p1 $0x0;
	v1 =	vsub.s32 v1, v0  }
0x2aa: {  	vm6 =	vgt.s32 v1, $0xFFFFFFFF;
	vm7 =	vlt.s32 v1, s22  }
0x2ab: {  	vm0 =	vmand vm6, vm7  }
0x2ac: {  	v1 =	vnsel vm0, $0x1388, v1  }
0x2ad: {  	[tilespmem:$0x4F80] =	vst v1  }
0x2ae: {  	v1 =	vld [tilespmem:s19+$0x90];
	_ =	sdelay $0x4  }
0x2af: {  	v1 =	vsub.s32 v1, v0  }
0x2b0: {  	vm8 =	vgt.s32 v1, $0xFFFFFFFF;
	vm9 =	vlt.s32 v1, s22  }
0x2b1: {  	vm0 =	vmand vm8, vm9  }
0x2b2: {  	v1 =	vnsel vm0, $0x1388, v1  }
0x2b3: {  	[tilespmem:$0x4F90] =	vst v1  }
0x2b4: {  	v1 =	vld [tilespmem:s19+$0xA0];
	_ =	sdelay $0x4  }
0x2b5: {  	v1 =	vsub.s32 v1, v0  }
0x2b6: {  	vm10 =	vgt.s32 v1, $0xFFFFFFFF;
	vm11 =	vlt.s32 v1, s22  }
0x2b7: {  	vm0 =	vmand vm10, vm11  }
0x2b8: {  	v1 =	vnsel vm0, $0x1388, v1  }
0x2b9: {  	[tilespmem:$0x4FA0] =	vst v1  }
0x2ba: {  	v1 =	vld [tilespmem:s19+$0xB0];
	_ =	sdelay $0x4  }
0x2bb: {  	v1 =	vsub.s32 v1, v0  }
0x2bc: {  	vm12 =	vgt.s32 v1, $0xFFFFFFFF;
	vm13 =	vlt.s32 v1, s22  }
0x2bd: {  	vm0 =	vmand vm12, vm13  }
0x2be: {  	v1 =	vnsel vm0, $0x1388, v1  }
0x2bf: {  	[tilespmem:$0x4FB0] =	vst v1  }
0x2c0: {  	v1 =	vld [tilespmem:s19+$0xC0];
	_ =	sdelay $0x4  }
0x2c1: {  	p0 =	slt.s32 s18, $0x3;
	s18 =	sadd.s32 $0x4, s10;
	v1 =	vsub.s32 v1, v0  }
0x2c2: {  	p1 =	sge.s32 s18, s25;
	vm14 =	vgt.s32 v1, $0xFFFFFFFF;
	vm15 =	vlt.s32 v1, s22  }
0x2c3: {  	s12 =	sadd.s32 @!p1 s10, s15;
	vm0 =	vmand vm14, vm15  }
0x2c4: {  	s20 =	simm.s32 $0x1388;
	s12 =	sadd.s32 @!p1 $0x4, s12;
	v1 =	vnsel vm0, $0x1388, v1  }
0x2c5: {  	s24 =	sadd.s32 $0xA0, s16;
	s20 =	simm.s32 @!p3 $0x0;
	p2 =	slt.s32 @!p1 s12, $0xF9F;
	[tilespmem:$0x4FC0] =	vst v1  }
0x2c6: {  	p3 =	slt.s32 s24, $0x4DD0;
	p2 =	por !p2, p1;
	_ =	swait.ge [sflag:s28], $0x2800  }
0x2c7: {  	s23 =	simm.s32 @!p0 $0xA;
	s12 =	simm.s32 @p2 $0xF9F;
	[sflag:s28] =	ssyncset.done $0x0  }
0x2c8: {  	s12 =	smul.u32 @!p1 $0x2800, s12;
	s22 =	rddreg [dreg:$0x7];
	[sflag:s28] =	ssyncadd.s32 $0xFFFFD800  }
0x2c9: {  	[spmem:s3] =	stream.indirect.scatter.add.f32 [tilespmem:s31], [sflag:$0x7], $0x80, s22, s2, $0xb8;
	[tilespmem:$0x1CB80] =	vst v63  }
0x2ca: {  	s24 =	simm.s32 @!p3 $0x4DD0;
	_ =	swait.ge @!p0 [sflag:s23], $0x2800  }
0x2cb: {  	s13 =	simm.s32 @!p1 $0xF300;
	s12 =	sshrl.u32 @!p1 s12, $0x3;
	[sflag:s23] =	ssyncset.done @!p0 $0x0  }
0x2cc: {  	s12 =	sadd.s32 @!p1 s1, s12;
	s19 =	simm.s32 @!p1 $0x0;
	[sflag:s23] =	ssyncadd.s32 @!p0 $0xFFFFD800  }
0x2cd: {  	[tilespmem:s13], [sflag:$0x5] =	stream.linear.gather @!p1 [hbm4b:s12+s19], $0x2800, $0x38;
	[tilespmem:$0x1CB80] =	vst v63  }
0x2ce: {  	v1 =	vld [tilespmem:s24+$0x80];
	_ =	sdelay $0x4  }
0x2cf: {  	v1 =	vsub.s32 v1, v0  }
0x2d0: {  	vm4 =	vgt.s32 v1, $0xFFFFFFFF;
	vm5 =	vlt.s32 v1, s20  }
0x2d1: {  	vm0 =	vmand vm4, vm5  }
0x2d2: {  	v1 =	vnsel vm0, $0x1388, v1  }
0x2d3: {  	[tilespmem:$0x5000] =	vst v1  }
0x2d4: {  	v1 =	vld [tilespmem:s24+$0x90];
	_ =	sdelay $0x4  }
0x2d5: {  	v1 =	vsub.s32 v1, v0  }
0x2d6: {  	vm6 =	vgt.s32 v1, $0xFFFFFFFF;
	vm7 =	vlt.s32 v1, s20  }
0x2d7: {  	vm0 =	vmand vm6, vm7  }
0x2d8: {  	v1 =	vnsel vm0, $0x1388, v1  }
0x2d9: {  	[tilespmem:$0x5010] =	vst v1  }
0x2da: {  	v1 =	vld [tilespmem:s24+$0xA0];
	_ =	sdelay $0x4  }
0x2db: {  	v1 =	vsub.s32 v1, v0  }
0x2dc: {  	vm8 =	vgt.s32 v1, $0xFFFFFFFF;
	vm9 =	vlt.s32 v1, s20  }
0x2dd: {  	vm0 =	vmand vm8, vm9  }
0x2de: {  	v1 =	vnsel vm0, $0x1388, v1  }
0x2df: {  	[tilespmem:$0x5020] =	vst v1  }
0x2e0: {  	v1 =	vld [tilespmem:s24+$0xB0];
	_ =	sdelay $0x4  }
0x2e1: {  	v1 =	vsub.s32 v1, v0  }
0x2e2: {  	vm10 =	vgt.s32 v1, $0xFFFFFFFF;
	vm11 =	vlt.s32 v1, s20  }
0x2e3: {  	vm0 =	vmand vm10, vm11  }
0x2e4: {  	v1 =	vnsel vm0, $0x1388, v1  }
0x2e5: {  	[tilespmem:$0x5030] =	vst v1  }
0x2e6: {  	v1 =	vld [tilespmem:s24+$0xC0];
	_ =	sdelay $0x3  }
0x2e7: {  	s10 =	sadd.s32 $0x5, s10  }
0x2e8: {  	p0 =	sge.s32 s10, s25;
	v1 =	vsub.s32 v1, v0  }
0x2e9: {  	s12 =	sadd.s32 @!p0 s9, s15;
	vm12 =	vgt.s32 v1, $0xFFFFFFFF;
	vm13 =	vlt.s32 v1, s20  }
0x2ea: {  	s12 =	sadd.s32 @!p0 $0x5, s12;
	vm0 =	vmand vm12, vm13  }
0x2eb: {  	p1 =	slt.s32 @!p0 s12, $0xF9F;
	v1 =	vnsel vm0, $0x1388, v1  }
0x2ec: {  	s4 =	simm.s32 @!p0 $0x0;
	p1 =	por !p1, p0;
	[tilespmem:$0x5040] =	vst v1  }
0x2ed: {  	s12 =	simm.s32 @p1 $0xF9F;
	p1 =	sgt.u32 s9, $0x7FFFFFFC;
	_ =	swait.ge [sflag:s5], $0x2800  }
0x2ee: {  	s12 =	smul.u32 @!p0 $0x2800, s12;
	[sflag:s5] =	ssyncset.done $0x0;
	s22 =	rddreg [dreg:$0x9]  }
0x2ef: {  	s13 =	simm.s32 @!p1 $0x6;
	s23 =	rddreg [dreg:$0x8];
	[sflag:s5] =	ssyncadd.s32 $0xFFFFD800  }
0x2f0: {  	[spmem:s3] =	stream.indirect.scatter.add.f32 [tilespmem:s22], [sflag:$0x8], $0x80, s23, s2, $0xb8;
	[tilespmem:$0x1CB80] =	vst v63  }
0x2f1: {  	s12 =	sshrl.u32 @!p0 s12, $0x3;
	s20 =	sadd.s32 $0xF0, s16;
	_ =	swait.ge @!p1 [sflag:s13], $0x2800  }
0x2f2: {  	s12 =	sadd.s32 @!p0 s1, s12;
	p2 =	slt.s32 s20, $0x4DD0;
	[sflag:s13] =	ssyncset.done @!p1 $0x0  }
0x2f3: {  	s20 =	simm.s32 @!p2 $0x4DD0;
	s22 =	simm.s32 @!p0 $0x5300;
	[sflag:s13] =	ssyncadd.s32 @!p1 $0xFFFFD800  }
0x2f4: {  	[tilespmem:s22], [sflag:$0x1] =	stream.linear.gather @!p0 [hbm4b:s12+s4], $0x2800, $0x38;
	[tilespmem:$0x1CB80] =	vst v63  }
0x2f5: {  	v1 =	vld [tilespmem:s20+$0x80];
	_ =	sdelay $0x3  }
0x2f6: {  	s24 =	simm.s32 $0x1388  }
0x2f7: {  	s24 =	simm.s32 @!p6 $0x0;
	v1 =	vsub.s32 v1, v0  }
0x2f8: {  	vm14 =	vgt.s32 v1, $0xFFFFFFFF;
	vm15 =	vlt.s32 v1, s24  }
0x2f9: {  	vm0 =	vmand vm14, vm15  }
0x2fa: {  	v1 =	vnsel vm0, $0x1388, v1  }
0x2fb: {  	[tilespmem:$0x5080] =	vst v1  }
0x2fc: {  	v1 =	vld [tilespmem:s20+$0x90];
	_ =	sdelay $0x4  }
0x2fd: {  	v1 =	vsub.s32 v1, v0  }
0x2fe: {  	vm4 =	vgt.s32 v1, $0xFFFFFFFF;
	vm5 =	vlt.s32 v1, s24  }
0x2ff: {  	vm0 =	vmand vm4, vm5  }
0x300: {  	v1 =	vnsel vm0, $0x1388, v1  }
0x301: {  	[tilespmem:$0x5090] =	vst v1  }
0x302: {  	v1 =	vld [tilespmem:s20+$0xA0];
	_ =	sdelay $0x4  }
0x303: {  	v1 =	vsub.s32 v1, v0  }
0x304: {  	vm6 =	vgt.s32 v1, $0xFFFFFFFF;
	vm7 =	vlt.s32 v1, s24  }
0x305: {  	vm0 =	vmand vm6, vm7  }
0x306: {  	v1 =	vnsel vm0, $0x1388, v1  }
0x307: {  	[tilespmem:$0x50A0] =	vst v1  }
0x308: {  	v1 =	vld [tilespmem:s20+$0xB0];
	_ =	sdelay $0x4  }
0x309: {  	v1 =	vsub.s32 v1, v0  }
0x30a: {  	vm8 =	vgt.s32 v1, $0xFFFFFFFF;
	vm9 =	vlt.s32 v1, s24  }
0x30b: {  	vm0 =	vmand vm8, vm9  }
0x30c: {  	v1 =	vnsel vm0, $0x1388, v1  }
0x30d: {  	[tilespmem:$0x50B0] =	vst v1  }
0x30e: {  	v1 =	vld [tilespmem:s20+$0xC0];
	_ =	sdelay $0x4  }
0x30f: {  	v1 =	vsub.s32 v1, v0  }
0x310: {  	p1 =	sge.s32 s8, s25;
	vm10 =	vgt.s32 v1, $0xFFFFFFFF;
	vm11 =	vlt.s32 v1, s24  }
0x311: {  	s19 =	sadd.s32 $0x6, s10;
	s12 =	sadd.s32 @!p1 s9, s15;
	vm0 =	vmand vm10, vm11  }
0x312: {  	s8 =	smov.u32 s19;
	s12 =	sadd.s32 @!p1 $0x6, s12;
	v1 =	vnsel vm0, $0x1388, v1  }
0x313: {  	s19 =	sadd.s32 $0x140, s16;
	p0 =	slt.s32 s18, $0x3;
	p2 =	slt.s32 @!p1 s12, $0xF9F;
	[tilespmem:$0x50C0] =	vst v1  }
0x314: {  	s4 =	simm.s32 @!p0 $0x7;
	p2 =	por !p2, p1;
	_ =	swait.ge [sflag:s6], $0x2800  }
0x315: {  	s12 =	simm.s32 @p2 $0xF9F;
	s23 =	rddreg [dreg:$0xa];
	[sflag:s6] =	ssyncset.done $0x0  }
0x316: {  	s12 =	smul.u32 @!p1 $0x2800, s12;
	s24 =	rddreg [dreg:$0xb];
	[sflag:s6] =	ssyncadd.s32 $0xFFFFD800  }
0x317: {  	[spmem:s3] =	stream.indirect.scatter.add.f32 [tilespmem:s24], [sflag:$0x9], $0x80, s23, s2, $0xb8;
	[tilespmem:$0x1CB80] =	vst v63  }
0x318: {  	s22 =	simm.s32 @!p1 $0x7B00;
	p2 =	slt.s32 s19, $0x4DD0;
	_ =	swait.ge @!p0 [sflag:s4], $0x2800  }
0x319: {  	s19 =	simm.s32 @!p2 $0x4DD0;
	s12 =	sshrl.u32 @!p1 s12, $0x3;
	[sflag:s4] =	ssyncset.done @!p0 $0x0  }
0x31a: {  	s12 =	sadd.s32 @!p1 s1, s12;
	s20 =	simm.s32 @!p1 $0x0;
	[sflag:s4] =	ssyncadd.s32 @!p0 $0xFFFFD800  }
0x31b: {  	[tilespmem:s22], [sflag:$0x2] =	stream.linear.gather @!p1 [hbm4b:s12+s20], $0x2800, $0x38;
	[tilespmem:$0x1CB80] =	vst v63  }
0x31c: {  	v1 =	vld [tilespmem:s19+$0x80];
	_ =	sdelay $0x3  }
0x31d: {  	p5 =	slt.s32 s18, s14;
	s20 =	simm.s32 $0x1388  }
0x31e: {  	s20 =	simm.s32 @!p5 $0x0;
	v1 =	vsub.s32 v1, v0  }
0x31f: {  	vm12 =	vgt.s32 v1, $0xFFFFFFFF;
	vm13 =	vlt.s32 v1, s20  }
0x320: {  	vm0 =	vmand vm12, vm13  }
0x321: {  	v1 =	vnsel vm0, $0x1388, v1  }
0x322: {  	[tilespmem:$0x5100] =	vst v1  }
0x323: {  	v1 =	vld [tilespmem:s19+$0x90];
	_ =	sdelay $0x2  }
0x324: {  	s17 =	sadd.s32 $0xFFFFFFFF, s17  }
0x325: {  	p4 =	sne.s32 s17, $0x0  }
.Ltmp5:
0x326: {  	v1 =	vsub.s32 v1, v0;
	(pc) =	sbr.rel @p4 .LBB2_6-.Ltmp5, $4  }
0x327: {  	s18 =	sadd.s32 $0x2, s10;
	vm14 =	vgt.s32 v1, $0xFFFFFFFF;
	vm15 =	vlt.s32 v1, s20  }
0x328: {  	p5 =	sge.s32 s18, s25;
	vm0 =	vmand vm14, vm15  }
0x329: {  	s4 =	sadd.s32 @!p5 s10, s15;
	v1 =	vnsel vm0, $0x1388, v1  }
0x32a: {  	s9 =	smov.u32 s10;
	p3 =	slt.s32 s18, s14;
	s22 =	sadd.s32 @!p5 $0x2, s4;
	[tilespmem:$0x5110] =	vst v1  }
.Ltmp6:
0x32b: {  	s4 =	sld [smem:$0x7FC];
	(pc) =	sbr.rel .LBB2_8-.Ltmp6, $3  }
0x32c: {  	s17 =	sld [smem:$0x7FD];
	_ =	sdelay $0x1  }
0x32d: {  	s23 =	simm.s32 $0x0;
	s24 =	rddreg [dreg:$0x18]  }
0x32e: {  	p1 =	por $0x1, $0x1;
	p4 =	seq.s32 s4, $0x1;
	p6 =	seq.s32 s17, $0x1  }
.LBB2_5:
.Ltmp7:
0x32f: {  	s4 =	sld [smem:$0x7FC];
	(pc) =	sbr.rel .LBB2_8-.Ltmp7, $4  }
0x330: {  	s17 =	sld [smem:$0x7FD]  }
0x331: {  	s16 =	smov.u32 s21  }
0x332: {  	s9 =	simm.s32 $0x5;
	s23 =	simm.s32 $0x0;
	s24 =	rddreg [dreg:$0x18]  }
0x333: {  	p1 =	por $0x1, $0x1;
	p4 =	seq.s32 s4, $0x1;
	p6 =	seq.s32 s17, $0x1  }
.LBB2_10:
0x334: {  	_ =	sfence.sel $0x180000  }
0x335: {  	[bflag:$0x0] =	sbarrier.arrive $0xFFFF  }
0x336: {  	_ =	strace $0x90000047  }
0x337: {  	s0 =	stileid.u32;
	[bflag:$0x2] =	sbarrier.arrive $0xFFFF  }
0x338: {  	p0 =	sne.s32 s0, $0x0;
	s0 =	rddreg [dreg:$0x5]  }
0x339: {  	s0 =	sadd.s32 @!p0 $0x100000, s0  }
0x33a: {  	[sflag:s0] =	ssyncadd.tile.s32 @!p0 $0x1;
	_ =	shalt  }
.Lfunc_end2:
_tile_overlayer_lowered:
.L_overlay_start_2:
0x33b: {  	(tag) =	ssettag $0x2  }
0x33c: {  	s0 =	rddreg [dreg:$0x0];
	s2 =	stileid.u32  }
0x33d: {  	s1 =	rddreg [dreg:$0x1];
	p0 =	sne.s32 s2, $0x0  }
0x33e: {  	s3 =	rddreg [dreg:$0x2];
	[bflag:$0x3] =	sbarrier.arrive $0xFFFF;
	s2 =	simm.s32 @!p0 $0x1C0B  }
0x33f: {  	[timem:s3], [sflag:s2] =	dma.local @!p0 [hbm:s0], s1  }
0x340: {  	s0 =	simm.s32 @!p0 $0xB  }
0x341: {  	_ =	swait.ge @!p0 [sflag:s0], s1  }
0x342: {  	s1 =	ssub.s32 @!p0 $0x0, s1;
	[sflag:s0] =	ssyncset.done @!p0 $0x0  }
0x343: {  	[sflag:s0] =	ssyncadd.s32 @!p0 s1  }
0x344: {  	[bflag:$0x3] =	sbarrier.arrive $0xFFFF  }
0x345: {  	_ =	shalt  }

</sc_bundles>
